<compile_context>
chip_gen: v7x
topology: tpu7x:2x2x1
jax: 0.10.2.dev20260603
libtpu: 0.0.44.dev20260713+nightly
codegen_flags: <defaults>
</compile_context>

<pallas_src>
import functools

import jax
import jax.numpy as jnp
from jax import lax
from jax.experimental import pallas as pl
from jax.experimental.pallas import tpu as pltpu
from jax.experimental.pallas import tpu_sc as plsc

N = 10000
D = 128
H = 128
C = 10
E = 320000

NP = 10240
NW = 32
CH = 128
NCH = 80
EPAD = NW * NCH * CH
ROWS_PER_SUB = NP // 16

_mesh = plsc.VectorSubcoreMesh(core_axis_name="c", subcore_axis_name="s")


@functools.partial(
    pl.kernel,
    out_type=(
        jax.ShapeDtypeStruct((2, NP), jnp.float32),
        jax.ShapeDtypeStruct((2, NP), jnp.float32),
    ),
    mesh=_mesh,
    scratch_types=[
        pltpu.VMEM((NCH, CH), jnp.int32),
        pltpu.VMEM((NCH, CH), jnp.int32),
        pltpu.VMEM((CH,), jnp.float32),
        pltpu.VMEM((ROWS_PER_SUB,), jnp.float32),
        pltpu.VMEM_SHARED((NP,), jnp.float32),
        pltpu.VMEM_SHARED((NP,), jnp.float32),
        pltpu.SemaphoreType.DMA,
    ],
)
def _sc_deg(src_hbm, dst_hbm, os_hbm, od_hbm,
            idx_s, idx_d, ones_v, zv, dssp, ddsp, sem):
    c = lax.axis_index("c")
    s = lax.axis_index("s")
    wid = s * 2 + c
    pltpu.sync_copy(src_hbm.at[wid], idx_s)
    pltpu.sync_copy(dst_hbm.at[wid], idx_d)

    def fill_ones(r, _):
        ones_v[pl.ds(r * 16, 16)] = jnp.ones((16,), jnp.float32)
        return 0

    lax.fori_loop(0, CH // 16, fill_ones, 0)

    def fill_zero(r, _):
        zv[pl.ds(r * 16, 16)] = jnp.zeros((16,), jnp.float32)
        return 0

    lax.fori_loop(0, ROWS_PER_SUB // 16, fill_zero, 0)
    base = s * ROWS_PER_SUB
    pltpu.sync_copy(zv, dssp.at[pl.ds(base, ROWS_PER_SUB)])
    pltpu.sync_copy(zv, ddsp.at[pl.ds(base, ROWS_PER_SUB)])
    plsc.subcore_barrier()

    def grp_s(g, _):
        for k in range(4):
            pltpu.async_copy(ones_v, dssp.at[idx_s.at[g * 4 + k]], sem, add=True)
        for k in range(4):
            pltpu.make_async_copy(ones_v, dssp.at[idx_s.at[g * 4 + k]], sem).wait()
        return 0

    lax.fori_loop(0, NCH // 4, grp_s, 0)

    def grp_d(g, _):
        for k in range(4):
            pltpu.async_copy(ones_v, ddsp.at[idx_d.at[g * 4 + k]], sem, add=True)
        for k in range(4):
            pltpu.make_async_copy(ones_v, ddsp.at[idx_d.at[g * 4 + k]], sem).wait()
        return 0

    lax.fori_loop(0, NCH // 4, grp_d, 0)
    plsc.subcore_barrier()
    pltpu.sync_copy(dssp.at[pl.ds(base, ROWS_PER_SUB)],
                    os_hbm.at[c, pl.ds(base, ROWS_PER_SUB)])
    pltpu.sync_copy(ddsp.at[pl.ds(base, ROWS_PER_SUB)],
                    od_hbm.at[c, pl.ds(base, ROWS_PER_SUB)])


@functools.partial(
    pl.kernel,
    out_type=jax.ShapeDtypeStruct((2, NP, D), jnp.float32),
    mesh=_mesh,
    scratch_types=[
        pltpu.VMEM((CH,), jnp.int32),
        pltpu.VMEM((CH,), jnp.int32),
        pltpu.VMEM((CH,), jnp.int32),
        pltpu.VMEM((CH,), jnp.int32),
        pltpu.VMEM((CH, D), jnp.float32),
        pltpu.VMEM((CH, D), jnp.float32),
        pltpu.VMEM_SHARED((NP, D), jnp.float32),
        pltpu.SemaphoreType.DMA,
        pltpu.SemaphoreType.DMA,
    ],
)
def _sc_agg(xn_hbm, src_hbm, dst_hbm, out_hbm,
            is0, is1, id0, id1, rows0, rows1, aggsp, isem, gsem):
    c = lax.axis_index("c")
    s = lax.axis_index("s")
    wid = s * 2 + c
    isb = (is0, is1)
    idb = (id0, id1)
    rows = (rows0, rows1)

    def fire_idx(j, b):
        jw = lax.rem(jnp.int32(j), jnp.int32(NCH))
        pltpu.async_copy(src_hbm.at[wid, jw], isb[b], isem)
        pltpu.async_copy(dst_hbm.at[wid, jw], idb[b], isem)

    def wait_idx(j, b):
        jw = lax.rem(jnp.int32(j), jnp.int32(NCH))
        pltpu.make_async_copy(src_hbm.at[wid, jw], isb[b], isem).wait()
        pltpu.make_async_copy(dst_hbm.at[wid, jw], idb[b], isem).wait()

    fire_idx(0, 0)
    fire_idx(1, 1)

    def zrow(r, _):
        for k in range(D // 16):
            rows0[r, pl.ds(k * 16, 16)] = jnp.zeros((16,), jnp.float32)
        return 0

    lax.fori_loop(0, CH, zrow, 0)
    base = s * ROWS_PER_SUB

    def zcp(k, _):
        pltpu.sync_copy(rows0, aggsp.at[pl.ds(base + k * CH, CH)])
        return 0

    lax.fori_loop(0, ROWS_PER_SUB // CH, zcp, 0)
    plsc.subcore_barrier()

    wait_idx(0, 0)
    pltpu.async_copy(xn_hbm.at[is0], rows0, gsem)

    def grp(g, _):
        for b in range(2):
            j = g * 2 + b
            pltpu.make_async_copy(xn_hbm.at[isb[b]], rows[b], gsem).wait()
            wait_idx(j + 1, 1 - b)
            pltpu.async_copy(xn_hbm.at[isb[1 - b]], rows[1 - b], gsem)
            pltpu.sync_copy(rows[b], aggsp.at[idb[b]], add=True)
            fire_idx(j + 2, b)
        return 0

    lax.fori_loop(0, NCH // 2, grp, 0)
    pltpu.make_async_copy(xn_hbm.at[is0], rows0, gsem).wait()
    wait_idx(NCH + 1, 1)
    plsc.subcore_barrier()
    pltpu.sync_copy(aggsp.at[pl.ds(base, ROWS_PER_SUB)],
                    out_hbm.at[c, pl.ds(base, ROWS_PER_SUB)])


BN = 1024


def _prep_body(ds_ref, x_ref, o_ref):
    i = pl.program_id(0)
    ds = ds_ref[...]
    norm = lax.rsqrt(jnp.maximum(ds[:, 0:1] + ds[:, 1:2], 1.0))
    rowid = i * BN + lax.broadcasted_iota(jnp.int32, (BN, 1), 0)
    o_ref[...] = jnp.where(rowid < N, x_ref[...] * norm, 0.0)


def _prep(dsT, x):
    return pl.pallas_call(
        _prep_body,
        grid=(NP // BN,),
        in_specs=[
            pl.BlockSpec((BN, 2), lambda i: (i, 0)),
            pl.BlockSpec((BN, D), lambda i: (i, 0)),
        ],
        out_specs=pl.BlockSpec((BN, D), lambda i: (i, 0)),
        out_shape=jax.ShapeDtypeStruct((NP, D), jnp.float32),
    )(dsT, x)


def _l1_body(agg_ref, dd_ref, ds_ref, w_ref, b_ref, o_ref):
    a = agg_ref[0] + agg_ref[1]
    dd = dd_ref[...]
    ds = ds_ref[...]
    nd = lax.rsqrt(jnp.maximum(dd[:, 0:1] + dd[:, 1:2], 1.0))
    ns = lax.rsqrt(jnp.maximum(ds[:, 0:1] + ds[:, 1:2], 1.0))
    h = jnp.dot(a * nd, w_ref[...], preferred_element_type=jnp.float32)
    o_ref[...] = jnp.maximum(h + b_ref[...], 0.0) * ns


def _l1(agg, ddT, dsT, W1, b1):
    return pl.pallas_call(
        _l1_body,
        grid=(NP // BN,),
        in_specs=[
            pl.BlockSpec((2, BN, D), lambda i: (0, i, 0)),
            pl.BlockSpec((BN, 2), lambda i: (i, 0)),
            pl.BlockSpec((BN, 2), lambda i: (i, 0)),
            pl.BlockSpec((D, H), lambda i: (0, 0)),
            pl.BlockSpec((1, H), lambda i: (0, 0)),
        ],
        out_specs=pl.BlockSpec((BN, H), lambda i: (i, 0)),
        out_shape=jax.ShapeDtypeStruct((NP, H), jnp.float32),
    )(agg, ddT, dsT, W1, b1)


def _l2_body(agg_ref, dd_ref, w_ref, b_ref, wl_ref, bl_ref, o_ref, acc_ref):
    i = pl.program_id(0)
    a = agg_ref[0] + agg_ref[1]
    dd = dd_ref[...]
    nd = lax.rsqrt(jnp.maximum(dd[:, 0:1] + dd[:, 1:2], 1.0))
    y = jnp.dot(a * nd, w_ref[...], preferred_element_type=jnp.float32)
    y = y + b_ref[...]
    rows = i * BN + lax.broadcasted_iota(jnp.int32, (BN, 1), 0)
    y = jnp.where(rows < N, y, -jnp.inf)
    bm = jnp.max(y, axis=0, keepdims=True)

    @pl.when(i == 0)
    def _():
        acc_ref[...] = bm

    @pl.when(i > 0)
    def _():
        acc_ref[...] = jnp.maximum(acc_ref[...], bm)

    @pl.when(i == pl.num_programs(0) - 1)
    def _():
        pooled = jnp.maximum(acc_ref[...], 0.0)
        o_ref[...] = (
            jnp.dot(pooled, wl_ref[...], preferred_element_type=jnp.float32)
            + bl_ref[...]
        )


def _l2(agg, ddT, W2, b2, wlp, blp):
    return pl.pallas_call(
        _l2_body,
        grid=(NP // BN,),
        in_specs=[
            pl.BlockSpec((2, BN, D), lambda i: (0, i, 0)),
            pl.BlockSpec((BN, 2), lambda i: (i, 0)),
            pl.BlockSpec((D, H), lambda i: (0, 0)),
            pl.BlockSpec((1, H), lambda i: (0, 0)),
            pl.BlockSpec((H, 128), lambda i: (0, 0)),
            pl.BlockSpec((1, 128), lambda i: (0, 0)),
        ],
        out_specs=pl.BlockSpec((1, 128), lambda i: (0, 0)),
        out_shape=jax.ShapeDtypeStruct((1, 128), jnp.float32),
        scratch_shapes=[pltpu.VMEM((1, H), jnp.float32)],
    )(agg, ddT, W2, b2, wlp, blp)


def kernel(x, edge_index, W1, b1, W2, b2, Wl, bl):
    f32 = jnp.float32

    src = edge_index[0]
    dst = edge_index[1]
    npad = EPAD - E
    ar = jnp.arange(npad, dtype=jnp.int32)
    srcp = jnp.concatenate([src, N + 32 + (ar % 32)])
    dstp = jnp.concatenate([dst, N + (ar % 32)])
    src3 = srcp.reshape(NW, NCH, CH)
    dst3 = dstp.reshape(NW, NCH, CH)

    degs, degd = _sc_deg(src3, dst3)
    dsT = jnp.transpose(degs)
    ddT = jnp.transpose(degd)

    xn = _prep(dsT, x)
    agg1 = _sc_agg(xn, src3, dst3)
    h1n = _l1(agg1, ddT, dsT, W1, b1.reshape(1, H))
    agg2 = _sc_agg(h1n, src3, dst3)

    wlp = jnp.zeros((H, 128), f32).at[:, :C].set(Wl)
    blp = jnp.zeros((1, 128), f32).at[:, :C].set(bl)
    res = _l2(agg2, ddT, W2, b2.reshape(1, H), wlp, blp)
    return res[:, :C]

# --- scband reference (transcript-rebuilt; emitter-appended) ---
"""Pipeline reference for scband-gcn-dgl-36129264894559 (READ-ONLY COPY).

The authoritative reference and input builder live on the scoring server;
editing this copy changes nothing except your own understanding.
"""

import jax, jax.numpy as jnp
import numpy as np

N = 10000
E = 320000
D = 128
H = 128
C = 10


def setup_inputs(seed: int = 0):
    key = jax.random.key(seed)
    ks = jax.random.split(key, 8)
    x = jax.random.normal(ks[0], (N, D), dtype=jnp.float32)
    edge_index = jax.random.randint(ks[1], (2, E), 0, N, dtype=jnp.int32)
    W1 = jax.random.normal(ks[2], (D, H), dtype=jnp.float32) * (1.0 / np.sqrt(D))
    b1 = jnp.zeros((H,), dtype=jnp.float32)
    W2 = jax.random.normal(ks[3], (H, H), dtype=jnp.float32) * (1.0 / np.sqrt(H))
    b2 = jnp.zeros((H,), dtype=jnp.float32)
    Wl = jax.random.normal(ks[4], (H, C), dtype=jnp.float32) * (1.0 / np.sqrt(H))
    bl = jnp.zeros((C,), dtype=jnp.float32)
    return {"x": x, "edge_index": edge_index, "W1": W1, "b1": b1, "W2": W2, "b2": b2, "Wl": Wl, "bl": bl}


def _gcn_layer(x, src, dst, W, b):
    # DGL GraphConv with norm='both': D_out^{-1/2} message, sum-aggregate, D_in^{-1/2}, then linear
    ones = jnp.ones((E,), dtype=jnp.float32)
    deg_out = jax.ops.segment_sum(ones, src, num_segments=N)
    deg_in = jax.ops.segment_sum(ones, dst, num_segments=N)
    norm_src = jax.lax.rsqrt(jnp.maximum(deg_out, 1.0))
    norm_dst = jax.lax.rsqrt(jnp.maximum(deg_in, 1.0))
    m = (x * norm_src[:, None])[src]          # gather per edge
    agg = jax.ops.segment_sum(m, dst, num_segments=N)  # scatter-add
    h = agg * norm_dst[:, None]
    return h @ W + b


def reference(x, edge_index, W1, b1, W2, b2, Wl, bl):
    src = edge_index[0]
    dst = edge_index[1]
    h = jax.nn.relu(_gcn_layer(x, src, dst, W1, b1))
    h = _gcn_layer(h, src, dst, W2, b2)
    h = jax.nn.relu(h)
    pooled = jnp.max(h, axis=0, keepdims=True)  # DGL MaxPooling readout (single graph -> [1, H])
    out = pooled @ Wl + bl
    return out

if __name__ == "__main__":
    import jax
    _d = setup_inputs()
    print(jax.jit(kernel)(*tuple(_d.values())))

</pallas_src>

<mosaic_0001>
#map = affine_map<(d0, d1) -> (0, 0, 0)>
#map1 = affine_map<(d0, d1) -> (0, 0)>
module attributes {stable_mosaic.version = 14 : i64} {
  func.func @_sc_deg(%arg0: i32, %arg1: i32, %arg2: memref<32x80x128xi32, #tpu.memory_space<hbm>>, %arg3: memref<32x80x128xi32, #tpu.memory_space<hbm>>, %arg4: memref<2x10240xf32, #tpu.memory_space<hbm>>, %arg5: memref<2x10240xf32, #tpu.memory_space<hbm>>, %arg6: memref<80x128xi32, #tpu.memory_space<vmem>>, %arg7: memref<80x128xi32, #tpu.memory_space<vmem>>, %arg8: memref<128xf32, #tpu.memory_space<vmem>>, %arg9: memref<640xf32, #tpu.memory_space<vmem>>, %arg10: memref<10240xf32, #tpu.memory_space<vmem_shared>>, %arg11: memref<10240xf32, #tpu.memory_space<vmem_shared>>, %arg12: memref<!tpu.dma_semaphore, #tpu.memory_space<semaphore_mem>>) attributes {dimension_semantics = [#tpu.dimension_semantics<core_parallel>, #tpu.dimension_semantics<subcore_parallel>], iteration_bounds = array<i64: 2, 16>, scalar_prefetch = 0 : i64, scratch_operands = 7 : i64, tpu.core_type = #tpu.core_type<sc_vector_subcore>, window_params = [{transform_indices = #map}, {transform_indices = #map}, {transform_indices = #map1}, {transform_indices = #map1}]} {
    %mul3A = arith.constant 2 : i32
    %mul3A_0 = arith.muli %arg1, %mul3A : i32
    %add3A = arith.addi %mul3A_0, %arg0 : i32
    "tpu.region"() ({
      %run_scoped3A = tpu.sem_alloc : memref<!tpu.dma_semaphore, #tpu.memory_space<semaphore_mem>>
      %dma_start3A = arith.constant 0 : i32
      %dma_start3A_31 = arith.constant 0 : i32
      %dma_start3A_32 = tpu.memref_slice %arg2[%add3A, %dma_start3A, %dma_start3A_31] : memref<32x80x128xi32, #tpu.memory_space<hbm>> -> memref<1x80x128xi32, #tpu.memory_space<hbm>>
      %dma_start3A_33 = tpu.memref_squeeze %dma_start3A_32 : memref<1x80x128xi32, #tpu.memory_space<hbm>> -> memref<80x128xi32, #tpu.memory_space<hbm>>
      %dma_start3A_34 = arith.constant 0 : i32
      %dma_start3A_35 = arith.constant 0 : i32
      %dma_start3A_36 = tpu.memref_slice %arg2[%add3A, %dma_start3A_34, %dma_start3A_35] : memref<32x80x128xi32, #tpu.memory_space<hbm>> -> memref<1x80x128xi32, #tpu.memory_space<hbm>>
      %dma_start3A_37 = tpu.memref_squeeze %dma_start3A_36 : memref<1x80x128xi32, #tpu.memory_space<hbm>> -> memref<80x128xi32, #tpu.memory_space<hbm>>
      tpu.enqueue_dma source(%dma_start3A_37 : memref<80x128xi32, #tpu.memory_space<hbm>>) target(%arg6 : memref<80x128xi32, #tpu.memory_space<vmem>>) target_semaphore(%run_scoped3A : memref<!tpu.dma_semaphore, #tpu.memory_space<semaphore_mem>>)
      %dma_wait3A = arith.constant 0 : i32
      %dma_wait3A_38 = arith.constant 0 : i32
      %dma_wait3A_39 = tpu.memref_slice %arg2[%add3A, %dma_wait3A, %dma_wait3A_38] : memref<32x80x128xi32, #tpu.memory_space<hbm>> -> memref<1x80x128xi32, #tpu.memory_space<hbm>>
      %dma_wait3A_40 = tpu.memref_squeeze %dma_wait3A_39 : memref<1x80x128xi32, #tpu.memory_space<hbm>> -> memref<80x128xi32, #tpu.memory_space<hbm>>
      %dma_wait3A_41 = arith.constant 0 : i32
      %dma_wait3A_42 = arith.constant 0 : i32
      %dma_wait3A_43 = tpu.memref_slice %arg2[%add3A, %dma_wait3A_41, %dma_wait3A_42] : memref<32x80x128xi32, #tpu.memory_space<hbm>> -> memref<1x80x128xi32, #tpu.memory_space<hbm>>
      %dma_wait3A_44 = tpu.memref_squeeze %dma_wait3A_43 : memref<1x80x128xi32, #tpu.memory_space<hbm>> -> memref<80x128xi32, #tpu.memory_space<hbm>>
      tpu.wait_dma2 semaphore(%run_scoped3A : memref<!tpu.dma_semaphore, #tpu.memory_space<semaphore_mem>>) src(%dma_wait3A_44 : memref<80x128xi32, #tpu.memory_space<hbm>>) dst(%arg6 : memref<80x128xi32, #tpu.memory_space<vmem>>)
      tpu.yield
    }) : () -> ()
    "tpu.region"() ({
      %run_scoped3A = tpu.sem_alloc : memref<!tpu.dma_semaphore, #tpu.memory_space<semaphore_mem>>
      %dma_start3A = arith.constant 0 : i32
      %dma_start3A_31 = arith.constant 0 : i32
      %dma_start3A_32 = tpu.memref_slice %arg3[%add3A, %dma_start3A, %dma_start3A_31] : memref<32x80x128xi32, #tpu.memory_space<hbm>> -> memref<1x80x128xi32, #tpu.memory_space<hbm>>
      %dma_start3A_33 = tpu.memref_squeeze %dma_start3A_32 : memref<1x80x128xi32, #tpu.memory_space<hbm>> -> memref<80x128xi32, #tpu.memory_space<hbm>>
      %dma_start3A_34 = arith.constant 0 : i32
      %dma_start3A_35 = arith.constant 0 : i32
      %dma_start3A_36 = tpu.memref_slice %arg3[%add3A, %dma_start3A_34, %dma_start3A_35] : memref<32x80x128xi32, #tpu.memory_space<hbm>> -> memref<1x80x128xi32, #tpu.memory_space<hbm>>
      %dma_start3A_37 = tpu.memref_squeeze %dma_start3A_36 : memref<1x80x128xi32, #tpu.memory_space<hbm>> -> memref<80x128xi32, #tpu.memory_space<hbm>>
      tpu.enqueue_dma source(%dma_start3A_37 : memref<80x128xi32, #tpu.memory_space<hbm>>) target(%arg7 : memref<80x128xi32, #tpu.memory_space<vmem>>) target_semaphore(%run_scoped3A : memref<!tpu.dma_semaphore, #tpu.memory_space<semaphore_mem>>)
      %dma_wait3A = arith.constant 0 : i32
      %dma_wait3A_38 = arith.constant 0 : i32
      %dma_wait3A_39 = tpu.memref_slice %arg3[%add3A, %dma_wait3A, %dma_wait3A_38] : memref<32x80x128xi32, #tpu.memory_space<hbm>> -> memref<1x80x128xi32, #tpu.memory_space<hbm>>
      %dma_wait3A_40 = tpu.memref_squeeze %dma_wait3A_39 : memref<1x80x128xi32, #tpu.memory_space<hbm>> -> memref<80x128xi32, #tpu.memory_space<hbm>>
      %dma_wait3A_41 = arith.constant 0 : i32
      %dma_wait3A_42 = arith.constant 0 : i32
      %dma_wait3A_43 = tpu.memref_slice %arg3[%add3A, %dma_wait3A_41, %dma_wait3A_42] : memref<32x80x128xi32, #tpu.memory_space<hbm>> -> memref<1x80x128xi32, #tpu.memory_space<hbm>>
      %dma_wait3A_44 = tpu.memref_squeeze %dma_wait3A_43 : memref<1x80x128xi32, #tpu.memory_space<hbm>> -> memref<80x128xi32, #tpu.memory_space<hbm>>
      tpu.wait_dma2 semaphore(%run_scoped3A : memref<!tpu.dma_semaphore, #tpu.memory_space<semaphore_mem>>) src(%dma_wait3A_44 : memref<80x128xi32, #tpu.memory_space<hbm>>) dst(%arg7 : memref<80x128xi32, #tpu.memory_space<vmem>>)
      tpu.yield
    }) : () -> ()
    %scan3A = arith.constant 0 : i32
    %scan3A_1 = arith.constant 0 : i32
    %scan3A_2 = arith.constant 8 : i32
    %scan3A_3 = arith.addi %scan3A_1, %scan3A_2 : i32
    %scan3A_4 = arith.constant 1 : i32
    %scan3A_5 = scf.for %scan3A_31 = %scan3A_1 to %scan3A_3 step %scan3A_4 iter_args(%scan3A_32 = %scan3A) -> (i32)  : i32 {
      %broadcast_in_dim3A = arith.constant 1.000000e+00 : f32
      %broadcast_in_dim3A_33 = vector.broadcast %broadcast_in_dim3A : f32 to vector<16xf32>
      %mul3A_34 = arith.constant 16 : i32
      %mul3A_35 = arith.muli %scan3A_31, %mul3A_34 : i32
      %swap3A = arith.index_cast %mul3A_35 : i32 to index
      %swap3A_36 = tpu.vector_load %arg8[%swap3A] {strides = array<i32>} : memref<128xf32, #tpu.memory_space<vmem>>, vector<16xf32>,
      %swap3A_37 = vector.shape_cast %swap3A_36 : vector<16xf32> to vector<16xf32>
      %swap3A_38 = vector.shape_cast %broadcast_in_dim3A_33 : vector<16xf32> to vector<16xf32>
      tpu.vector_store %arg8[%swap3A], %swap3A_38 {strides = array<i32>} : memref<128xf32, #tpu.memory_space<vmem>>, vector<16xf32>,
      %scan3A_39 = arith.constant 0 : i32
      scf.yield %scan3A_39 : i32
    }
    %scan3A_6 = arith.constant 8 : i32
    %scan3A_7 = arith.constant 0 : i32
    %scan3A_8 = arith.constant 0 : i32
    %scan3A_9 = arith.constant 40 : i32
    %scan3A_10 = arith.addi %scan3A_8, %scan3A_9 : i32
    %scan3A_11 = arith.constant 1 : i32
    %scan3A_12 = scf.for %scan3A_31 = %scan3A_8 to %scan3A_10 step %scan3A_11 iter_args(%scan3A_32 = %scan3A_7) -> (i32)  : i32 {
      %broadcast_in_dim3A = arith.constant 0.000000e+00 : f32
      %broadcast_in_dim3A_33 = vector.broadcast %broadcast_in_dim3A : f32 to vector<16xf32>
      %mul3A_34 = arith.constant 16 : i32
      %mul3A_35 = arith.muli %scan3A_31, %mul3A_34 : i32
      %swap3A = arith.index_cast %mul3A_35 : i32 to index
      %swap3A_36 = tpu.vector_load %arg9[%swap3A] {strides = array<i32>} : memref<640xf32, #tpu.memory_space<vmem>>, vector<16xf32>,
      %swap3A_37 = vector.shape_cast %swap3A_36 : vector<16xf32> to vector<16xf32>
      %swap3A_38 = vector.shape_cast %broadcast_in_dim3A_33 : vector<16xf32> to vector<16xf32>
      tpu.vector_store %arg9[%swap3A], %swap3A_38 {strides = array<i32>} : memref<640xf32, #tpu.memory_space<vmem>>, vector<16xf32>,
      %scan3A_39 = arith.constant 0 : i32
      scf.yield %scan3A_39 : i32
    }
    %scan3A_13 = arith.constant 40 : i32
    %mul3A_14 = arith.constant 640 : i32
    %mul3A_15 = arith.muli %arg1, %mul3A_14 : i32
    "tpu.region"() ({
      %run_scoped3A = tpu.sem_alloc : memref<!tpu.dma_semaphore, #tpu.memory_space<semaphore_mem>>
      %dma_start3A = tpu.memref_slice %arg10[%mul3A_15] : memref<10240xf32, #tpu.memory_space<vmem_shared>> -> memref<640xf32, #tpu.memory_space<vmem_shared>>
      %dma_start3A_31 = tpu.memref_slice %arg10[%mul3A_15] : memref<10240xf32, #tpu.memory_space<vmem_shared>> -> memref<640xf32, #tpu.memory_space<vmem_shared>>
      tpu.enqueue_dma source(%arg9 : memref<640xf32, #tpu.memory_space<vmem>>) target(%dma_start3A_31 : memref<640xf32, #tpu.memory_space<vmem_shared>>) target_semaphore(%run_scoped3A : memref<!tpu.dma_semaphore, #tpu.memory_space<semaphore_mem>>)
      %dma_wait3A = tpu.memref_slice %arg10[%mul3A_15] : memref<10240xf32, #tpu.memory_space<vmem_shared>> -> memref<640xf32, #tpu.memory_space<vmem_shared>>
      %dma_wait3A_32 = tpu.memref_slice %arg10[%mul3A_15] : memref<10240xf32, #tpu.memory_space<vmem_shared>> -> memref<640xf32, #tpu.memory_space<vmem_shared>>
      tpu.wait_dma2 semaphore(%run_scoped3A : memref<!tpu.dma_semaphore, #tpu.memory_space<semaphore_mem>>) src(%arg9 : memref<640xf32, #tpu.memory_space<vmem>>) dst(%dma_wait3A_32 : memref<640xf32, #tpu.memory_space<vmem_shared>>)
      tpu.yield
    }) : () -> ()
    "tpu.region"() ({
      %run_scoped3A = tpu.sem_alloc : memref<!tpu.dma_semaphore, #tpu.memory_space<semaphore_mem>>
      %dma_start3A = tpu.memref_slice %arg11[%mul3A_15] : memref<10240xf32, #tpu.memory_space<vmem_shared>> -> memref<640xf32, #tpu.memory_space<vmem_shared>>
      %dma_start3A_31 = tpu.memref_slice %arg11[%mul3A_15] : memref<10240xf32, #tpu.memory_space<vmem_shared>> -> memref<640xf32, #tpu.memory_space<vmem_shared>>
      tpu.enqueue_dma source(%arg9 : memref<640xf32, #tpu.memory_space<vmem>>) target(%dma_start3A_31 : memref<640xf32, #tpu.memory_space<vmem_shared>>) target_semaphore(%run_scoped3A : memref<!tpu.dma_semaphore, #tpu.memory_space<semaphore_mem>>)
      %dma_wait3A = tpu.memref_slice %arg11[%mul3A_15] : memref<10240xf32, #tpu.memory_space<vmem_shared>> -> memref<640xf32, #tpu.memory_space<vmem_shared>>
      %dma_wait3A_32 = tpu.memref_slice %arg11[%mul3A_15] : memref<10240xf32, #tpu.memory_space<vmem_shared>> -> memref<640xf32, #tpu.memory_space<vmem_shared>>
      tpu.wait_dma2 semaphore(%run_scoped3A : memref<!tpu.dma_semaphore, #tpu.memory_space<semaphore_mem>>) src(%arg9 : memref<640xf32, #tpu.memory_space<vmem>>) dst(%dma_wait3A_32 : memref<640xf32, #tpu.memory_space<vmem_shared>>)
      tpu.yield
    }) : () -> ()
    %barrier3A = arith.constant 0 : index
    tpu.barrier barrier_id(%barrier3A)
    %scan3A_16 = arith.constant 0 : i32
    %scan3A_17 = arith.constant 0 : i32
    %scan3A_18 = arith.constant 20 : i32
    %scan3A_19 = arith.addi %scan3A_17, %scan3A_18 : i32
    %scan3A_20 = arith.constant 1 : i32
    %scan3A_21 = scf.for %scan3A_31 = %scan3A_17 to %scan3A_19 step %scan3A_20 iter_args(%scan3A_32 = %scan3A_16) -> (i32)  : i32 {
      %mul3A_33 = arith.constant 4 : i32
      %mul3A_34 = arith.muli %scan3A_31, %mul3A_33 : i32
      %add3A_35 = arith.constant 0 : i32
      %add3A_36 = arith.addi %mul3A_34, %add3A_35 : i32
      %dma_start3A = arith.constant 0 : i32
      %dma_start3A_37 = tpu.memref_slice %arg6[%add3A_36, %dma_start3A] : memref<80x128xi32, #tpu.memory_space<vmem>> -> memref<1x128xi32, #tpu.memory_space<vmem>>
      %dma_start3A_38 = tpu.memref_squeeze %dma_start3A_37 : memref<1x128xi32, #tpu.memory_space<vmem>> -> memref<128xi32, #tpu.memory_space<vmem>>
      %dma_start3A_39 = arith.constant 0 : i32
      %dma_start3A_40 = tpu.memref_slice %arg10[%dma_start3A_39] : memref<10240xf32, #tpu.memory_space<vmem_shared>> -> memref<10240xf32, #tpu.memory_space<vmem_shared>>
      tpu.enqueue_indirect_dma source(%arg8 : memref<128xf32, #tpu.memory_space<vmem>>) target(%dma_start3A_40 : memref<10240xf32, #tpu.memory_space<vmem_shared>>) offsets(%dma_start3A_38 : memref<128xi32, #tpu.memory_space<vmem>>) semaphore(%arg12 : memref<!tpu.dma_semaphore, #tpu.memory_space<semaphore_mem>>) {add = true}
      %mul3A_41 = arith.constant 4 : i32
      %mul3A_42 = arith.muli %scan3A_31, %mul3A_41 : i32
      %add3A_43 = arith.constant 1 : i32
      %add3A_44 = arith.addi %mul3A_42, %add3A_43 : i32
      %dma_start3A_45 = arith.constant 0 : i32
      %dma_start3A_46 = tpu.memref_slice %arg6[%add3A_44, %dma_start3A_45] : memref<80x128xi32, #tpu.memory_space<vmem>> -> memref<1x128xi32, #tpu.memory_space<vmem>>
      %dma_start3A_47 = tpu.memref_squeeze %dma_start3A_46 : memref<1x128xi32, #tpu.memory_space<vmem>> -> memref<128xi32, #tpu.memory_space<vmem>>
      %dma_start3A_48 = arith.constant 0 : i32
      %dma_start3A_49 = tpu.memref_slice %arg10[%dma_start3A_48] : memref<10240xf32, #tpu.memory_space<vmem_shared>> -> memref<10240xf32, #tpu.memory_space<vmem_shared>>
      tpu.enqueue_indirect_dma source(%arg8 : memref<128xf32, #tpu.memory_space<vmem>>) target(%dma_start3A_49 : memref<10240xf32, #tpu.memory_space<vmem_shared>>) offsets(%dma_start3A_47 : memref<128xi32, #tpu.memory_space<vmem>>) semaphore(%arg12 : memref<!tpu.dma_semaphore, #tpu.memory_space<semaphore_mem>>) {add = true}
      %mul3A_50 = arith.constant 4 : i32
      %mul3A_51 = arith.muli %scan3A_31, %mul3A_50 : i32
      %add3A_52 = arith.constant 2 : i32
      %add3A_53 = arith.addi %mul3A_51, %add3A_52 : i32
      %dma_start3A_54 = arith.constant 0 : i32
      %dma_start3A_55 = tpu.memref_slice %arg6[%add3A_53, %dma_start3A_54] : memref<80x128xi32, #tpu.memory_space<vmem>> -> memref<1x128xi32, #tpu.memory_space<vmem>>
      %dma_start3A_56 = tpu.memref_squeeze %dma_start3A_55 : memref<1x128xi32, #tpu.memory_space<vmem>> -> memref<128xi32, #tpu.memory_space<vmem>>
      %dma_start3A_57 = arith.constant 0 : i32
      %dma_start3A_58 = tpu.memref_slice %arg10[%dma_start3A_57] : memref<10240xf32, #tpu.memory_space<vmem_shared>> -> memref<10240xf32, #tpu.memory_space<vmem_shared>>
      tpu.enqueue_indirect_dma source(%arg8 : memref<128xf32, #tpu.memory_space<vmem>>) target(%dma_start3A_58 : memref<10240xf32, #tpu.memory_space<vmem_shared>>) offsets(%dma_start3A_56 : memref<128xi32, #tpu.memory_space<vmem>>) semaphore(%arg12 : memref<!tpu.dma_semaphore, #tpu.memory_space<semaphore_mem>>) {add = true}
      %mul3A_59 = arith.constant 4 : i32
      %mul3A_60 = arith.muli %scan3A_31, %mul3A_59 : i32
      %add3A_61 = arith.constant 3 : i32
      %add3A_62 = arith.addi %mul3A_60, %add3A_61 : i32
      %dma_start3A_63 = arith.constant 0 : i32
      %dma_start3A_64 = tpu.memref_slice %arg6[%add3A_62, %dma_start3A_63] : memref<80x128xi32, #tpu.memory_space<vmem>> -> memref<1x128xi32, #tpu.memory_space<vmem>>
      %dma_start3A_65 = tpu.memref_squeeze %dma_start3A_64 : memref<1x128xi32, #tpu.memory_space<vmem>> -> memref<128xi32, #tpu.memory_space<vmem>>
      %dma_start3A_66 = arith.constant 0 : i32
      %dma_start3A_67 = tpu.memref_slice %arg10[%dma_start3A_66] : memref<10240xf32, #tpu.memory_space<vmem_shared>> -> memref<10240xf32, #tpu.memory_space<vmem_shared>>
      tpu.enqueue_indirect_dma source(%arg8 : memref<128xf32, #tpu.memory_space<vmem>>) target(%dma_start3A_67 : memref<10240xf32, #tpu.memory_space<vmem_shared>>) offsets(%dma_start3A_65 : memref<128xi32, #tpu.memory_space<vmem>>) semaphore(%arg12 : memref<!tpu.dma_semaphore, #tpu.memory_space<semaphore_mem>>) {add = true}
      %mul3A_68 = arith.constant 4 : i32
      %mul3A_69 = arith.muli %scan3A_31, %mul3A_68 : i32
      %add3A_70 = arith.constant 0 : i32
      %add3A_71 = arith.addi %mul3A_69, %add3A_70 : i32
      %dma_wait3A = arith.constant 0 : i32
      %dma_wait3A_72 = tpu.memref_slice %arg6[%add3A_71, %dma_wait3A] : memref<80x128xi32, #tpu.memory_space<vmem>> -> memref<1x128xi32, #tpu.memory_space<vmem>>
      %dma_wait3A_73 = tpu.memref_squeeze %dma_wait3A_72 : memref<1x128xi32, #tpu.memory_space<vmem>> -> memref<128xi32, #tpu.memory_space<vmem>>
      %dma_wait3A_74 = arith.constant 0 : i32
      %dma_wait3A_75 = tpu.memref_slice %arg10[%dma_wait3A_74] : memref<10240xf32, #tpu.memory_space<vmem_shared>> -> memref<10240xf32, #tpu.memory_space<vmem_shared>>
      tpu.wait_indirect_dma semaphore(%arg12 : memref<!tpu.dma_semaphore, #tpu.memory_space<semaphore_mem>>) src(%arg8 : memref<128xf32, #tpu.memory_space<vmem>>) dst(%dma_wait3A_75 : memref<10240xf32, #tpu.memory_space<vmem_shared>>)
      %mul3A_76 = arith.constant 4 : i32
      %mul3A_77 = arith.muli %scan3A_31, %mul3A_76 : i32
      %add3A_78 = arith.constant 1 : i32
      %add3A_79 = arith.addi %mul3A_77, %add3A_78 : i32
      %dma_wait3A_80 = arith.constant 0 : i32
      %dma_wait3A_81 = tpu.memref_slice %arg6[%add3A_79, %dma_wait3A_80] : memref<80x128xi32, #tpu.memory_space<vmem>> -> memref<1x128xi32, #tpu.memory_space<vmem>>
      %dma_wait3A_82 = tpu.memref_squeeze %dma_wait3A_81 : memref<1x128xi32, #tpu.memory_space<vmem>> -> memref<128xi32, #tpu.memory_space<vmem>>
      %dma_wait3A_83 = arith.constant 0 : i32
      %dma_wait3A_84 = tpu.memref_slice %arg10[%dma_wait3A_83] : memref<10240xf32, #tpu.memory_space<vmem_shared>> -> memref<10240xf32, #tpu.memory_space<vmem_shared>>
      tpu.wait_indirect_dma semaphore(%arg12 : memref<!tpu.dma_semaphore, #tpu.memory_space<semaphore_mem>>) src(%arg8 : memref<128xf32, #tpu.memory_space<vmem>>) dst(%dma_wait3A_84 : memref<10240xf32, #tpu.memory_space<vmem_shared>>)
      %mul3A_85 = arith.constant 4 : i32
      %mul3A_86 = arith.muli %scan3A_31, %mul3A_85 : i32
      %add3A_87 = arith.constant 2 : i32
      %add3A_88 = arith.addi %mul3A_86, %add3A_87 : i32
      %dma_wait3A_89 = arith.constant 0 : i32
      %dma_wait3A_90 = tpu.memref_slice %arg6[%add3A_88, %dma_wait3A_89] : memref<80x128xi32, #tpu.memory_space<vmem>> -> memref<1x128xi32, #tpu.memory_space<vmem>>
      %dma_wait3A_91 = tpu.memref_squeeze %dma_wait3A_90 : memref<1x128xi32, #tpu.memory_space<vmem>> -> memref<128xi32, #tpu.memory_space<vmem>>
      %dma_wait3A_92 = arith.constant 0 : i32
      %dma_wait3A_93 = tpu.memref_slice %arg10[%dma_wait3A_92] : memref<10240xf32, #tpu.memory_space<vmem_shared>> -> memref<10240xf32, #tpu.memory_space<vmem_shared>>
      tpu.wait_indirect_dma semaphore(%arg12 : memref<!tpu.dma_semaphore, #tpu.memory_space<semaphore_mem>>) src(%arg8 : memref<128xf32, #tpu.memory_space<vmem>>) dst(%dma_wait3A_93 : memref<10240xf32, #tpu.memory_space<vmem_shared>>)
      %mul3A_94 = arith.constant 4 : i32
      %mul3A_95 = arith.muli %scan3A_31, %mul3A_94 : i32
      %add3A_96 = arith.constant 3 : i32
      %add3A_97 = arith.addi %mul3A_95, %add3A_96 : i32
      %dma_wait3A_98 = arith.constant 0 : i32
      %dma_wait3A_99 = tpu.memref_slice %arg6[%add3A_97, %dma_wait3A_98] : memref<80x128xi32, #tpu.memory_space<vmem>> -> memref<1x128xi32, #tpu.memory_space<vmem>>
      %dma_wait3A_100 = tpu.memref_squeeze %dma_wait3A_99 : memref<1x128xi32, #tpu.memory_space<vmem>> -> memref<128xi32, #tpu.memory_space<vmem>>
      %dma_wait3A_101 = arith.constant 0 : i32
      %dma_wait3A_102 = tpu.memref_slice %arg10[%dma_wait3A_101] : memref<10240xf32, #tpu.memory_space<vmem_shared>> -> memref<10240xf32, #tpu.memory_space<vmem_shared>>
      tpu.wait_indirect_dma semaphore(%arg12 : memref<!tpu.dma_semaphore, #tpu.memory_space<semaphore_mem>>) src(%arg8 : memref<128xf32, #tpu.memory_space<vmem>>) dst(%dma_wait3A_102 : memref<10240xf32, #tpu.memory_space<vmem_shared>>)
      %scan3A_103 = arith.constant 0 : i32
      scf.yield %scan3A_103 : i32
    }
    %scan3A_22 = arith.constant 20 : i32
    %scan3A_23 = arith.constant 0 : i32
    %scan3A_24 = arith.constant 0 : i32
    %scan3A_25 = arith.constant 20 : i32
    %scan3A_26 = arith.addi %scan3A_24, %scan3A_25 : i32
    %scan3A_27 = arith.constant 1 : i32
    %scan3A_28 = scf.for %scan3A_31 = %scan3A_24 to %scan3A_26 step %scan3A_27 iter_args(%scan3A_32 = %scan3A_23) -> (i32)  : i32 {
      %mul3A_33 = arith.constant 4 : i32
      %mul3A_34 = arith.muli %scan3A_31, %mul3A_33 : i32
      %add3A_35 = arith.constant 0 : i32
      %add3A_36 = arith.addi %mul3A_34, %add3A_35 : i32
      %dma_start3A = arith.constant 0 : i32
      %dma_start3A_37 = tpu.memref_slice %arg7[%add3A_36, %dma_start3A] : memref<80x128xi32, #tpu.memory_space<vmem>> -> memref<1x128xi32, #tpu.memory_space<vmem>>
      %dma_start3A_38 = tpu.memref_squeeze %dma_start3A_37 : memref<1x128xi32, #tpu.memory_space<vmem>> -> memref<128xi32, #tpu.memory_space<vmem>>
      %dma_start3A_39 = arith.constant 0 : i32
      %dma_start3A_40 = tpu.memref_slice %arg11[%dma_start3A_39] : memref<10240xf32, #tpu.memory_space<vmem_shared>> -> memref<10240xf32, #tpu.memory_space<vmem_shared>>
      tpu.enqueue_indirect_dma source(%arg8 : memref<128xf32, #tpu.memory_space<vmem>>) target(%dma_start3A_40 : memref<10240xf32, #tpu.memory_space<vmem_shared>>) offsets(%dma_start3A_38 : memref<128xi32, #tpu.memory_space<vmem>>) semaphore(%arg12 : memref<!tpu.dma_semaphore, #tpu.memory_space<semaphore_mem>>) {add = true}
      %mul3A_41 = arith.constant 4 : i32
      %mul3A_42 = arith.muli %scan3A_31, %mul3A_41 : i32
      %add3A_43 = arith.constant 1 : i32
      %add3A_44 = arith.addi %mul3A_42, %add3A_43 : i32
      %dma_start3A_45 = arith.constant 0 : i32
      %dma_start3A_46 = tpu.memref_slice %arg7[%add3A_44, %dma_start3A_45] : memref<80x128xi32, #tpu.memory_space<vmem>> -> memref<1x128xi32, #tpu.memory_space<vmem>>
      %dma_start3A_47 = tpu.memref_squeeze %dma_start3A_46 : memref<1x128xi32, #tpu.memory_space<vmem>> -> memref<128xi32, #tpu.memory_space<vmem>>
      %dma_start3A_48 = arith.constant 0 : i32
      %dma_start3A_49 = tpu.memref_slice %arg11[%dma_start3A_48] : memref<10240xf32, #tpu.memory_space<vmem_shared>> -> memref<10240xf32, #tpu.memory_space<vmem_shared>>
      tpu.enqueue_indirect_dma source(%arg8 : memref<128xf32, #tpu.memory_space<vmem>>) target(%dma_start3A_49 : memref<10240xf32, #tpu.memory_space<vmem_shared>>) offsets(%dma_start3A_47 : memref<128xi32, #tpu.memory_space<vmem>>) semaphore(%arg12 : memref<!tpu.dma_semaphore, #tpu.memory_space<semaphore_mem>>) {add = true}
      %mul3A_50 = arith.constant 4 : i32
      %mul3A_51 = arith.muli %scan3A_31, %mul3A_50 : i32
      %add3A_52 = arith.constant 2 : i32
      %add3A_53 = arith.addi %mul3A_51, %add3A_52 : i32
      %dma_start3A_54 = arith.constant 0 : i32
      %dma_start3A_55 = tpu.memref_slice %arg7[%add3A_53, %dma_start3A_54] : memref<80x128xi32, #tpu.memory_space<vmem>> -> memref<1x128xi32, #tpu.memory_space<vmem>>
      %dma_start3A_56 = tpu.memref_squeeze %dma_start3A_55 : memref<1x128xi32, #tpu.memory_space<vmem>> -> memref<128xi32, #tpu.memory_space<vmem>>
      %dma_start3A_57 = arith.constant 0 : i32
      %dma_start3A_58 = tpu.memref_slice %arg11[%dma_start3A_57] : memref<10240xf32, #tpu.memory_space<vmem_shared>> -> memref<10240xf32, #tpu.memory_space<vmem_shared>>
      tpu.enqueue_indirect_dma source(%arg8 : memref<128xf32, #tpu.memory_space<vmem>>) target(%dma_start3A_58 : memref<10240xf32, #tpu.memory_space<vmem_shared>>) offsets(%dma_start3A_56 : memref<128xi32, #tpu.memory_space<vmem>>) semaphore(%arg12 : memref<!tpu.dma_semaphore, #tpu.memory_space<semaphore_mem>>) {add = true}
      %mul3A_59 = arith.constant 4 : i32
      %mul3A_60 = arith.muli %scan3A_31, %mul3A_59 : i32
      %add3A_61 = arith.constant 3 : i32
      %add3A_62 = arith.addi %mul3A_60, %add3A_61 : i32
      %dma_start3A_63 = arith.constant 0 : i32
      %dma_start3A_64 = tpu.memref_slice %arg7[%add3A_62, %dma_start3A_63] : memref<80x128xi32, #tpu.memory_space<vmem>> -> memref<1x128xi32, #tpu.memory_space<vmem>>
      %dma_start3A_65 = tpu.memref_squeeze %dma_start3A_64 : memref<1x128xi32, #tpu.memory_space<vmem>> -> memref<128xi32, #tpu.memory_space<vmem>>
      %dma_start3A_66 = arith.constant 0 : i32
      %dma_start3A_67 = tpu.memref_slice %arg11[%dma_start3A_66] : memref<10240xf32, #tpu.memory_space<vmem_shared>> -> memref<10240xf32, #tpu.memory_space<vmem_shared>>
      tpu.enqueue_indirect_dma source(%arg8 : memref<128xf32, #tpu.memory_space<vmem>>) target(%dma_start3A_67 : memref<10240xf32, #tpu.memory_space<vmem_shared>>) offsets(%dma_start3A_65 : memref<128xi32, #tpu.memory_space<vmem>>) semaphore(%arg12 : memref<!tpu.dma_semaphore, #tpu.memory_space<semaphore_mem>>) {add = true}
      %mul3A_68 = arith.constant 4 : i32
      %mul3A_69 = arith.muli %scan3A_31, %mul3A_68 : i32
      %add3A_70 = arith.constant 0 : i32
      %add3A_71 = arith.addi %mul3A_69, %add3A_70 : i32
      %dma_wait3A = arith.constant 0 : i32
      %dma_wait3A_72 = tpu.memref_slice %arg7[%add3A_71, %dma_wait3A] : memref<80x128xi32, #tpu.memory_space<vmem>> -> memref<1x128xi32, #tpu.memory_space<vmem>>
      %dma_wait3A_73 = tpu.memref_squeeze %dma_wait3A_72 : memref<1x128xi32, #tpu.memory_space<vmem>> -> memref<128xi32, #tpu.memory_space<vmem>>
      %dma_wait3A_74 = arith.constant 0 : i32
      %dma_wait3A_75 = tpu.memref_slice %arg11[%dma_wait3A_74] : memref<10240xf32, #tpu.memory_space<vmem_shared>> -> memref<10240xf32, #tpu.memory_space<vmem_shared>>
      tpu.wait_indirect_dma semaphore(%arg12 : memref<!tpu.dma_semaphore, #tpu.memory_space<semaphore_mem>>) src(%arg8 : memref<128xf32, #tpu.memory_space<vmem>>) dst(%dma_wait3A_75 : memref<10240xf32, #tpu.memory_space<vmem_shared>>)
      %mul3A_76 = arith.constant 4 : i32
      %mul3A_77 = arith.muli %scan3A_31, %mul3A_76 : i32
      %add3A_78 = arith.constant 1 : i32
      %add3A_79 = arith.addi %mul3A_77, %add3A_78 : i32
      %dma_wait3A_80 = arith.constant 0 : i32
      %dma_wait3A_81 = tpu.memref_slice %arg7[%add3A_79, %dma_wait3A_80] : memref<80x128xi32, #tpu.memory_space<vmem>> -> memref<1x128xi32, #tpu.memory_space<vmem>>
      %dma_wait3A_82 = tpu.memref_squeeze %dma_wait3A_81 : memref<1x128xi32, #tpu.memory_space<vmem>> -> memref<128xi32, #tpu.memory_space<vmem>>
      %dma_wait3A_83 = arith.constant 0 : i32
      %dma_wait3A_84 = tpu.memref_slice %arg11[%dma_wait3A_83] : memref<10240xf32, #tpu.memory_space<vmem_shared>> -> memref<10240xf32, #tpu.memory_space<vmem_shared>>
      tpu.wait_indirect_dma semaphore(%arg12 : memref<!tpu.dma_semaphore, #tpu.memory_space<semaphore_mem>>) src(%arg8 : memref<128xf32, #tpu.memory_space<vmem>>) dst(%dma_wait3A_84 : memref<10240xf32, #tpu.memory_space<vmem_shared>>)
      %mul3A_85 = arith.constant 4 : i32
      %mul3A_86 = arith.muli %scan3A_31, %mul3A_85 : i32
      %add3A_87 = arith.constant 2 : i32
      %add3A_88 = arith.addi %mul3A_86, %add3A_87 : i32
      %dma_wait3A_89 = arith.constant 0 : i32
      %dma_wait3A_90 = tpu.memref_slice %arg7[%add3A_88, %dma_wait3A_89] : memref<80x128xi32, #tpu.memory_space<vmem>> -> memref<1x128xi32, #tpu.memory_space<vmem>>
      %dma_wait3A_91 = tpu.memref_squeeze %dma_wait3A_90 : memref<1x128xi32, #tpu.memory_space<vmem>> -> memref<128xi32, #tpu.memory_space<vmem>>
      %dma_wait3A_92 = arith.constant 0 : i32
      %dma_wait3A_93 = tpu.memref_slice %arg11[%dma_wait3A_92] : memref<10240xf32, #tpu.memory_space<vmem_shared>> -> memref<10240xf32, #tpu.memory_space<vmem_shared>>
      tpu.wait_indirect_dma semaphore(%arg12 : memref<!tpu.dma_semaphore, #tpu.memory_space<semaphore_mem>>) src(%arg8 : memref<128xf32, #tpu.memory_space<vmem>>) dst(%dma_wait3A_93 : memref<10240xf32, #tpu.memory_space<vmem_shared>>)
      %mul3A_94 = arith.constant 4 : i32
      %mul3A_95 = arith.muli %scan3A_31, %mul3A_94 : i32
      %add3A_96 = arith.constant 3 : i32
      %add3A_97 = arith.addi %mul3A_95, %add3A_96 : i32
      %dma_wait3A_98 = arith.constant 0 : i32
      %dma_wait3A_99 = tpu.memref_slice %arg7[%add3A_97, %dma_wait3A_98] : memref<80x128xi32, #tpu.memory_space<vmem>> -> memref<1x128xi32, #tpu.memory_space<vmem>>
      %dma_wait3A_100 = tpu.memref_squeeze %dma_wait3A_99 : memref<1x128xi32, #tpu.memory_space<vmem>> -> memref<128xi32, #tpu.memory_space<vmem>>
      %dma_wait3A_101 = arith.constant 0 : i32
      %dma_wait3A_102 = tpu.memref_slice %arg11[%dma_wait3A_101] : memref<10240xf32, #tpu.memory_space<vmem_shared>> -> memref<10240xf32, #tpu.memory_space<vmem_shared>>
      tpu.wait_indirect_dma semaphore(%arg12 : memref<!tpu.dma_semaphore, #tpu.memory_space<semaphore_mem>>) src(%arg8 : memref<128xf32, #tpu.memory_space<vmem>>) dst(%dma_wait3A_102 : memref<10240xf32, #tpu.memory_space<vmem_shared>>)
      %scan3A_103 = arith.constant 0 : i32
      scf.yield %scan3A_103 : i32
    }
    %scan3A_29 = arith.constant 20 : i32
    %barrier3A_30 = arith.constant 0 : index
    tpu.barrier barrier_id(%barrier3A_30)
    "tpu.region"() ({
      %run_scoped3A = tpu.sem_alloc : memref<!tpu.dma_semaphore, #tpu.memory_space<semaphore_mem>>
      %dma_start3A = tpu.memref_slice %arg4[%arg0, %mul3A_15] : memref<2x10240xf32, #tpu.memory_space<hbm>> -> memref<1x640xf32, #tpu.memory_space<hbm>>
      %dma_start3A_31 = tpu.memref_squeeze %dma_start3A : memref<1x640xf32, #tpu.memory_space<hbm>> -> memref<640xf32, #tpu.memory_space<hbm>>
      %dma_start3A_32 = tpu.memref_slice %arg10[%mul3A_15] : memref<10240xf32, #tpu.memory_space<vmem_shared>> -> memref<640xf32, #tpu.memory_space<vmem_shared>>
      tpu.enqueue_dma source(%dma_start3A_32 : memref<640xf32, #tpu.memory_space<vmem_shared>>) target(%dma_start3A_31 : memref<640xf32, #tpu.memory_space<hbm>>) target_semaphore(%run_scoped3A : memref<!tpu.dma_semaphore, #tpu.memory_space<semaphore_mem>>)
      %dma_wait3A = tpu.memref_slice %arg4[%arg0, %mul3A_15] : memref<2x10240xf32, #tpu.memory_space<hbm>> -> memref<1x640xf32, #tpu.memory_space<hbm>>
      %dma_wait3A_33 = tpu.memref_squeeze %dma_wait3A : memref<1x640xf32, #tpu.memory_space<hbm>> -> memref<640xf32, #tpu.memory_space<hbm>>
      %dma_wait3A_34 = tpu.memref_slice %arg10[%mul3A_15] : memref<10240xf32, #tpu.memory_space<vmem_shared>> -> memref<640xf32, #tpu.memory_space<vmem_shared>>
      tpu.wait_dma2 semaphore(%run_scoped3A : memref<!tpu.dma_semaphore, #tpu.memory_space<semaphore_mem>>) src(%dma_wait3A_34 : memref<640xf32, #tpu.memory_space<vmem_shared>>) dst(%dma_wait3A_33 : memref<640xf32, #tpu.memory_space<hbm>>)
      tpu.yield
    }) : () -> ()
    "tpu.region"() ({
      %run_scoped3A = tpu.sem_alloc : memref<!tpu.dma_semaphore, #tpu.memory_space<semaphore_mem>>
      %dma_start3A = tpu.memref_slice %arg5[%arg0, %mul3A_15] : memref<2x10240xf32, #tpu.memory_space<hbm>> -> memref<1x640xf32, #tpu.memory_space<hbm>>
      %dma_start3A_31 = tpu.memref_squeeze %dma_start3A : memref<1x640xf32, #tpu.memory_space<hbm>> -> memref<640xf32, #tpu.memory_space<hbm>>
      %dma_start3A_32 = tpu.memref_slice %arg11[%mul3A_15] : memref<10240xf32, #tpu.memory_space<vmem_shared>> -> memref<640xf32, #tpu.memory_space<vmem_shared>>
      tpu.enqueue_dma source(%dma_start3A_32 : memref<640xf32, #tpu.memory_space<vmem_shared>>) target(%dma_start3A_31 : memref<640xf32, #tpu.memory_space<hbm>>) target_semaphore(%run_scoped3A : memref<!tpu.dma_semaphore, #tpu.memory_space<semaphore_mem>>)
      %dma_wait3A = tpu.memref_slice %arg5[%arg0, %mul3A_15] : memref<2x10240xf32, #tpu.memory_space<hbm>> -> memref<1x640xf32, #tpu.memory_space<hbm>>
      %dma_wait3A_33 = tpu.memref_squeeze %dma_wait3A : memref<1x640xf32, #tpu.memory_space<hbm>> -> memref<640xf32, #tpu.memory_space<hbm>>
      %dma_wait3A_34 = tpu.memref_slice %arg11[%mul3A_15] : memref<10240xf32, #tpu.memory_space<vmem_shared>> -> memref<640xf32, #tpu.memory_space<vmem_shared>>
      tpu.wait_dma2 semaphore(%run_scoped3A : memref<!tpu.dma_semaphore, #tpu.memory_space<semaphore_mem>>) src(%dma_wait3A_34 : memref<640xf32, #tpu.memory_space<vmem_shared>>) dst(%dma_wait3A_33 : memref<640xf32, #tpu.memory_space<hbm>>)
      tpu.yield
    }) : () -> ()
    return
  }
}

#map = affine_map<(d0, d1) -> (0, 0)>
#map1 = affine_map<(d0, d1) -> (0, 0, 0)>
module attributes {stable_mosaic.version = 14 : i64} {
  func.func @_sc_agg(%arg0: i32, %arg1: i32, %arg2: memref<10240x128xf32, #tpu.memory_space<hbm>>, %arg3: memref<32x80x128xi32, #tpu.memory_space<hbm>>, %arg4: memref<32x80x128xi32, #tpu.memory_space<hbm>>, %arg5: memref<2x10240x128xf32, #tpu.memory_space<hbm>>, %arg6: memref<128xi32, #tpu.memory_space<vmem>>, %arg7: memref<128xi32, #tpu.memory_space<vmem>>, %arg8: memref<128xi32, #tpu.memory_space<vmem>>, %arg9: memref<128xi32, #tpu.memory_space<vmem>>, %arg10: memref<128x128xf32, #tpu.memory_space<vmem>>, %arg11: memref<128x128xf32, #tpu.memory_space<vmem>>, %arg12: memref<10240x128xf32, #tpu.memory_space<vmem_shared>>, %arg13: memref<!tpu.dma_semaphore, #tpu.memory_space<semaphore_mem>>, %arg14: memref<!tpu.dma_semaphore, #tpu.memory_space<semaphore_mem>>) attributes {dimension_semantics = [#tpu.dimension_semantics<core_parallel>, #tpu.dimension_semantics<subcore_parallel>], iteration_bounds = array<i64: 2, 16>, scalar_prefetch = 0 : i64, scratch_operands = 9 : i64, tpu.core_type = #tpu.core_type<sc_vector_subcore>, window_params = [{transform_indices = #map}, {transform_indices = #map1}, {transform_indices = #map1}, {transform_indices = #map1}]} {
    %mul3A = arith.constant 2 : i32
    %mul3A_0 = arith.muli %arg1, %mul3A : i32
    %add3A = arith.addi %mul3A_0, %arg0 : i32
    %rem3A = arith.constant 0 : i32
    %rem3A_1 = arith.constant 80 : i32
    %rem3A_2 = arith.remsi %rem3A, %rem3A_1 : i32
    %dma_start3A = arith.constant 0 : i32
    %dma_start3A_3 = tpu.memref_slice %arg3[%add3A, %rem3A_2, %dma_start3A] : memref<32x80x128xi32, #tpu.memory_space<hbm>> -> memref<1x1x128xi32, #tpu.memory_space<hbm>>
    %dma_start3A_4 = tpu.memref_squeeze %dma_start3A_3 : memref<1x1x128xi32, #tpu.memory_space<hbm>> -> memref<128xi32, #tpu.memory_space<hbm>>
    %dma_start3A_5 = arith.constant 0 : i32
    %dma_start3A_6 = tpu.memref_slice %arg3[%add3A, %rem3A_2, %dma_start3A_5] : memref<32x80x128xi32, #tpu.memory_space<hbm>> -> memref<1x1x128xi32, #tpu.memory_space<hbm>>
    %dma_start3A_7 = tpu.memref_squeeze %dma_start3A_6 : memref<1x1x128xi32, #tpu.memory_space<hbm>> -> memref<128xi32, #tpu.memory_space<hbm>>
    tpu.enqueue_dma source(%dma_start3A_7 : memref<128xi32, #tpu.memory_space<hbm>>) target(%arg6 : memref<128xi32, #tpu.memory_space<vmem>>) target_semaphore(%arg13 : memref<!tpu.dma_semaphore, #tpu.memory_space<semaphore_mem>>)
    %dma_start3A_8 = arith.constant 0 : i32
    %dma_start3A_9 = tpu.memref_slice %arg4[%add3A, %rem3A_2, %dma_start3A_8] : memref<32x80x128xi32, #tpu.memory_space<hbm>> -> memref<1x1x128xi32, #tpu.memory_space<hbm>>
    %dma_start3A_10 = tpu.memref_squeeze %dma_start3A_9 : memref<1x1x128xi32, #tpu.memory_space<hbm>> -> memref<128xi32, #tpu.memory_space<hbm>>
    %dma_start3A_11 = arith.constant 0 : i32
    %dma_start3A_12 = tpu.memref_slice %arg4[%add3A, %rem3A_2, %dma_start3A_11] : memref<32x80x128xi32, #tpu.memory_space<hbm>> -> memref<1x1x128xi32, #tpu.memory_space<hbm>>
    %dma_start3A_13 = tpu.memref_squeeze %dma_start3A_12 : memref<1x1x128xi32, #tpu.memory_space<hbm>> -> memref<128xi32, #tpu.memory_space<hbm>>
    tpu.enqueue_dma source(%dma_start3A_13 : memref<128xi32, #tpu.memory_space<hbm>>) target(%arg8 : memref<128xi32, #tpu.memory_space<vmem>>) target_semaphore(%arg13 : memref<!tpu.dma_semaphore, #tpu.memory_space<semaphore_mem>>)
    %rem3A_14 = arith.constant 1 : i32
    %rem3A_15 = arith.constant 80 : i32
    %rem3A_16 = arith.remsi %rem3A_14, %rem3A_15 : i32
    %dma_start3A_17 = arith.constant 0 : i32
    %dma_start3A_18 = tpu.memref_slice %arg3[%add3A, %rem3A_16, %dma_start3A_17] : memref<32x80x128xi32, #tpu.memory_space<hbm>> -> memref<1x1x128xi32, #tpu.memory_space<hbm>>
    %dma_start3A_19 = tpu.memref_squeeze %dma_start3A_18 : memref<1x1x128xi32, #tpu.memory_space<hbm>> -> memref<128xi32, #tpu.memory_space<hbm>>
    %dma_start3A_20 = arith.constant 0 : i32
    %dma_start3A_21 = tpu.memref_slice %arg3[%add3A, %rem3A_16, %dma_start3A_20] : memref<32x80x128xi32, #tpu.memory_space<hbm>> -> memref<1x1x128xi32, #tpu.memory_space<hbm>>
    %dma_start3A_22 = tpu.memref_squeeze %dma_start3A_21 : memref<1x1x128xi32, #tpu.memory_space<hbm>> -> memref<128xi32, #tpu.memory_space<hbm>>
    tpu.enqueue_dma source(%dma_start3A_22 : memref<128xi32, #tpu.memory_space<hbm>>) target(%arg7 : memref<128xi32, #tpu.memory_space<vmem>>) target_semaphore(%arg13 : memref<!tpu.dma_semaphore, #tpu.memory_space<semaphore_mem>>)
    %dma_start3A_23 = arith.constant 0 : i32
    %dma_start3A_24 = tpu.memref_slice %arg4[%add3A, %rem3A_16, %dma_start3A_23] : memref<32x80x128xi32, #tpu.memory_space<hbm>> -> memref<1x1x128xi32, #tpu.memory_space<hbm>>
    %dma_start3A_25 = tpu.memref_squeeze %dma_start3A_24 : memref<1x1x128xi32, #tpu.memory_space<hbm>> -> memref<128xi32, #tpu.memory_space<hbm>>
    %dma_start3A_26 = arith.constant 0 : i32
    %dma_start3A_27 = tpu.memref_slice %arg4[%add3A, %rem3A_16, %dma_start3A_26] : memref<32x80x128xi32, #tpu.memory_space<hbm>> -> memref<1x1x128xi32, #tpu.memory_space<hbm>>
    %dma_start3A_28 = tpu.memref_squeeze %dma_start3A_27 : memref<1x1x128xi32, #tpu.memory_space<hbm>> -> memref<128xi32, #tpu.memory_space<hbm>>
    tpu.enqueue_dma source(%dma_start3A_28 : memref<128xi32, #tpu.memory_space<hbm>>) target(%arg9 : memref<128xi32, #tpu.memory_space<vmem>>) target_semaphore(%arg13 : memref<!tpu.dma_semaphore, #tpu.memory_space<semaphore_mem>>)
    %scan3A = arith.constant 0 : i32
    %scan3A_29 = arith.constant 0 : i32
    %scan3A_30 = arith.constant 128 : i32
    %scan3A_31 = arith.addi %scan3A_29, %scan3A_30 : i32
    %scan3A_32 = arith.constant 1 : i32
    %scan3A_33 = scf.for %scan3A_87 = %scan3A_29 to %scan3A_31 step %scan3A_32 iter_args(%scan3A_88 = %scan3A) -> (i32)  : i32 {
      %broadcast_in_dim3A = arith.constant 0.000000e+00 : f32
      %broadcast_in_dim3A_89 = vector.broadcast %broadcast_in_dim3A : f32 to vector<16xf32>
      %swap3A = arith.index_cast %scan3A_87 : i32 to index
      %swap3A_90 = arith.constant 0 : index
      %swap3A_91 = tpu.vector_load %arg10[%swap3A, %swap3A_90] {strides = array<i32>} : memref<128x128xf32, #tpu.memory_space<vmem>>, vector<1x16xf32>,
      %swap3A_92 = vector.shape_cast %swap3A_91 : vector<1x16xf32> to vector<16xf32>
      %swap3A_93 = vector.shape_cast %broadcast_in_dim3A_89 : vector<16xf32> to vector<1x16xf32>
      tpu.vector_store %arg10[%swap3A, %swap3A_90], %swap3A_93 {strides = array<i32>} : memref<128x128xf32, #tpu.memory_space<vmem>>, vector<1x16xf32>,
      %broadcast_in_dim3A_94 = arith.constant 0.000000e+00 : f32
      %broadcast_in_dim3A_95 = vector.broadcast %broadcast_in_dim3A_94 : f32 to vector<16xf32>
      %swap3A_96 = arith.index_cast %scan3A_87 : i32 to index
      %swap3A_97 = arith.constant 16 : index
      %swap3A_98 = tpu.vector_load %arg10[%swap3A_96, %swap3A_97] {strides = array<i32>} : memref<128x128xf32, #tpu.memory_space<vmem>>, vector<1x16xf32>,
      %swap3A_99 = vector.shape_cast %swap3A_98 : vector<1x16xf32> to vector<16xf32>
      %swap3A_100 = vector.shape_cast %broadcast_in_dim3A_95 : vector<16xf32> to vector<1x16xf32>
      tpu.vector_store %arg10[%swap3A_96, %swap3A_97], %swap3A_100 {strides = array<i32>} : memref<128x128xf32, #tpu.memory_space<vmem>>, vector<1x16xf32>,
      %broadcast_in_dim3A_101 = arith.constant 0.000000e+00 : f32
      %broadcast_in_dim3A_102 = vector.broadcast %broadcast_in_dim3A_101 : f32 to vector<16xf32>
      %swap3A_103 = arith.index_cast %scan3A_87 : i32 to index
      %swap3A_104 = arith.constant 32 : index
      %swap3A_105 = tpu.vector_load %arg10[%swap3A_103, %swap3A_104] {strides = array<i32>} : memref<128x128xf32, #tpu.memory_space<vmem>>, vector<1x16xf32>,
      %swap3A_106 = vector.shape_cast %swap3A_105 : vector<1x16xf32> to vector<16xf32>
      %swap3A_107 = vector.shape_cast %broadcast_in_dim3A_102 : vector<16xf32> to vector<1x16xf32>
      tpu.vector_store %arg10[%swap3A_103, %swap3A_104], %swap3A_107 {strides = array<i32>} : memref<128x128xf32, #tpu.memory_space<vmem>>, vector<1x16xf32>,
      %broadcast_in_dim3A_108 = arith.constant 0.000000e+00 : f32
      %broadcast_in_dim3A_109 = vector.broadcast %broadcast_in_dim3A_108 : f32 to vector<16xf32>
      %swap3A_110 = arith.index_cast %scan3A_87 : i32 to index
      %swap3A_111 = arith.constant 48 : index
      %swap3A_112 = tpu.vector_load %arg10[%swap3A_110, %swap3A_111] {strides = array<i32>} : memref<128x128xf32, #tpu.memory_space<vmem>>, vector<1x16xf32>,
      %swap3A_113 = vector.shape_cast %swap3A_112 : vector<1x16xf32> to vector<16xf32>
      %swap3A_114 = vector.shape_cast %broadcast_in_dim3A_109 : vector<16xf32> to vector<1x16xf32>
      tpu.vector_store %arg10[%swap3A_110, %swap3A_111], %swap3A_114 {strides = array<i32>} : memref<128x128xf32, #tpu.memory_space<vmem>>, vector<1x16xf32>,
      %broadcast_in_dim3A_115 = arith.constant 0.000000e+00 : f32
      %broadcast_in_dim3A_116 = vector.broadcast %broadcast_in_dim3A_115 : f32 to vector<16xf32>
      %swap3A_117 = arith.index_cast %scan3A_87 : i32 to index
      %swap3A_118 = arith.constant 64 : index
      %swap3A_119 = tpu.vector_load %arg10[%swap3A_117, %swap3A_118] {strides = array<i32>} : memref<128x128xf32, #tpu.memory_space<vmem>>, vector<1x16xf32>,
      %swap3A_120 = vector.shape_cast %swap3A_119 : vector<1x16xf32> to vector<16xf32>
      %swap3A_121 = vector.shape_cast %broadcast_in_dim3A_116 : vector<16xf32> to vector<1x16xf32>
      tpu.vector_store %arg10[%swap3A_117, %swap3A_118], %swap3A_121 {strides = array<i32>} : memref<128x128xf32, #tpu.memory_space<vmem>>, vector<1x16xf32>,
      %broadcast_in_dim3A_122 = arith.constant 0.000000e+00 : f32
      %broadcast_in_dim3A_123 = vector.broadcast %broadcast_in_dim3A_122 : f32 to vector<16xf32>
      %swap3A_124 = arith.index_cast %scan3A_87 : i32 to index
      %swap3A_125 = arith.constant 80 : index
      %swap3A_126 = tpu.vector_load %arg10[%swap3A_124, %swap3A_125] {strides = array<i32>} : memref<128x128xf32, #tpu.memory_space<vmem>>, vector<1x16xf32>,
      %swap3A_127 = vector.shape_cast %swap3A_126 : vector<1x16xf32> to vector<16xf32>
      %swap3A_128 = vector.shape_cast %broadcast_in_dim3A_123 : vector<16xf32> to vector<1x16xf32>
      tpu.vector_store %arg10[%swap3A_124, %swap3A_125], %swap3A_128 {strides = array<i32>} : memref<128x128xf32, #tpu.memory_space<vmem>>, vector<1x16xf32>,
      %broadcast_in_dim3A_129 = arith.constant 0.000000e+00 : f32
      %broadcast_in_dim3A_130 = vector.broadcast %broadcast_in_dim3A_129 : f32 to vector<16xf32>
      %swap3A_131 = arith.index_cast %scan3A_87 : i32 to index
      %swap3A_132 = arith.constant 96 : index
      %swap3A_133 = tpu.vector_load %arg10[%swap3A_131, %swap3A_132] {strides = array<i32>} : memref<128x128xf32, #tpu.memory_space<vmem>>, vector<1x16xf32>,
      %swap3A_134 = vector.shape_cast %swap3A_133 : vector<1x16xf32> to vector<16xf32>
      %swap3A_135 = vector.shape_cast %broadcast_in_dim3A_130 : vector<16xf32> to vector<1x16xf32>
      tpu.vector_store %arg10[%swap3A_131, %swap3A_132], %swap3A_135 {strides = array<i32>} : memref<128x128xf32, #tpu.memory_space<vmem>>, vector<1x16xf32>,
      %broadcast_in_dim3A_136 = arith.constant 0.000000e+00 : f32
      %broadcast_in_dim3A_137 = vector.broadcast %broadcast_in_dim3A_136 : f32 to vector<16xf32>
      %swap3A_138 = arith.index_cast %scan3A_87 : i32 to index
      %swap3A_139 = arith.constant 112 : index
      %swap3A_140 = tpu.vector_load %arg10[%swap3A_138, %swap3A_139] {strides = array<i32>} : memref<128x128xf32, #tpu.memory_space<vmem>>, vector<1x16xf32>,
      %swap3A_141 = vector.shape_cast %swap3A_140 : vector<1x16xf32> to vector<16xf32>
      %swap3A_142 = vector.shape_cast %broadcast_in_dim3A_137 : vector<16xf32> to vector<1x16xf32>
      tpu.vector_store %arg10[%swap3A_138, %swap3A_139], %swap3A_142 {strides = array<i32>} : memref<128x128xf32, #tpu.memory_space<vmem>>, vector<1x16xf32>,
      %scan3A_143 = arith.constant 0 : i32
      scf.yield %scan3A_143 : i32
    }
    %scan3A_34 = arith.constant 128 : i32
    %mul3A_35 = arith.constant 640 : i32
    %mul3A_36 = arith.muli %arg1, %mul3A_35 : i32
    %scan3A_37 = arith.constant 0 : i32
    %scan3A_38 = arith.constant 0 : i32
    %scan3A_39 = arith.constant 5 : i32
    %scan3A_40 = arith.addi %scan3A_38, %scan3A_39 : i32
    %scan3A_41 = arith.constant 1 : i32
    %scan3A_42 = scf.for %scan3A_87 = %scan3A_38 to %scan3A_40 step %scan3A_41 iter_args(%scan3A_88 = %scan3A_37) -> (i32)  : i32 {
      %mul3A_89 = arith.constant 128 : i32
      %mul3A_90 = arith.muli %scan3A_87, %mul3A_89 : i32
      %add3A_91 = arith.addi %mul3A_36, %mul3A_90 : i32
      "tpu.region"() ({
        %run_scoped3A = tpu.sem_alloc : memref<!tpu.dma_semaphore, #tpu.memory_space<semaphore_mem>>
        %dma_start3A_93 = arith.constant 0 : i32
        %dma_start3A_94 = tpu.memref_slice %arg12[%add3A_91, %dma_start3A_93] : memref<10240x128xf32, #tpu.memory_space<vmem_shared>> -> memref<128x128xf32, #tpu.memory_space<vmem_shared>>
        %dma_start3A_95 = arith.constant 0 : i32
        %dma_start3A_96 = tpu.memref_slice %arg12[%add3A_91, %dma_start3A_95] : memref<10240x128xf32, #tpu.memory_space<vmem_shared>> -> memref<128x128xf32, #tpu.memory_space<vmem_shared>>
        tpu.enqueue_dma source(%arg10 : memref<128x128xf32, #tpu.memory_space<vmem>>) target(%dma_start3A_96 : memref<128x128xf32, #tpu.memory_space<vmem_shared>>) target_semaphore(%run_scoped3A : memref<!tpu.dma_semaphore, #tpu.memory_space<semaphore_mem>>)
        %dma_wait3A_97 = arith.constant 0 : i32
        %dma_wait3A_98 = tpu.memref_slice %arg12[%add3A_91, %dma_wait3A_97] : memref<10240x128xf32, #tpu.memory_space<vmem_shared>> -> memref<128x128xf32, #tpu.memory_space<vmem_shared>>
        %dma_wait3A_99 = arith.constant 0 : i32
        %dma_wait3A_100 = tpu.memref_slice %arg12[%add3A_91, %dma_wait3A_99] : memref<10240x128xf32, #tpu.memory_space<vmem_shared>> -> memref<128x128xf32, #tpu.memory_space<vmem_shared>>
        tpu.wait_dma2 semaphore(%run_scoped3A : memref<!tpu.dma_semaphore, #tpu.memory_space<semaphore_mem>>) src(%arg10 : memref<128x128xf32, #tpu.memory_space<vmem>>) dst(%dma_wait3A_100 : memref<128x128xf32, #tpu.memory_space<vmem_shared>>)
        tpu.yield
      }) : () -> ()
      %scan3A_92 = arith.constant 0 : i32
      scf.yield %scan3A_92 : i32
    }
    %scan3A_43 = arith.constant 5 : i32
    %barrier3A = arith.constant 0 : index
    tpu.barrier barrier_id(%barrier3A)
    %rem3A_44 = arith.constant 0 : i32
    %rem3A_45 = arith.constant 80 : i32
    %rem3A_46 = arith.remsi %rem3A_44, %rem3A_45 : i32
    %dma_wait3A = arith.constant 0 : i32
    %dma_wait3A_47 = tpu.memref_slice %arg3[%add3A, %rem3A_46, %dma_wait3A] : memref<32x80x128xi32, #tpu.memory_space<hbm>> -> memref<1x1x128xi32, #tpu.memory_space<hbm>>
    %dma_wait3A_48 = tpu.memref_squeeze %dma_wait3A_47 : memref<1x1x128xi32, #tpu.memory_space<hbm>> -> memref<128xi32, #tpu.memory_space<hbm>>
    %dma_wait3A_49 = arith.constant 0 : i32
    %dma_wait3A_50 = tpu.memref_slice %arg3[%add3A, %rem3A_46, %dma_wait3A_49] : memref<32x80x128xi32, #tpu.memory_space<hbm>> -> memref<1x1x128xi32, #tpu.memory_space<hbm>>
    %dma_wait3A_51 = tpu.memref_squeeze %dma_wait3A_50 : memref<1x1x128xi32, #tpu.memory_space<hbm>> -> memref<128xi32, #tpu.memory_space<hbm>>
    tpu.wait_dma2 semaphore(%arg13 : memref<!tpu.dma_semaphore, #tpu.memory_space<semaphore_mem>>) src(%dma_wait3A_51 : memref<128xi32, #tpu.memory_space<hbm>>) dst(%arg6 : memref<128xi32, #tpu.memory_space<vmem>>)
    %dma_wait3A_52 = arith.constant 0 : i32
    %dma_wait3A_53 = tpu.memref_slice %arg4[%add3A, %rem3A_46, %dma_wait3A_52] : memref<32x80x128xi32, #tpu.memory_space<hbm>> -> memref<1x1x128xi32, #tpu.memory_space<hbm>>
    %dma_wait3A_54 = tpu.memref_squeeze %dma_wait3A_53 : memref<1x1x128xi32, #tpu.memory_space<hbm>> -> memref<128xi32, #tpu.memory_space<hbm>>
    %dma_wait3A_55 = arith.constant 0 : i32
    %dma_wait3A_56 = tpu.memref_slice %arg4[%add3A, %rem3A_46, %dma_wait3A_55] : memref<32x80x128xi32, #tpu.memory_space<hbm>> -> memref<1x1x128xi32, #tpu.memory_space<hbm>>
    %dma_wait3A_57 = tpu.memref_squeeze %dma_wait3A_56 : memref<1x1x128xi32, #tpu.memory_space<hbm>> -> memref<128xi32, #tpu.memory_space<hbm>>
    tpu.wait_dma2 semaphore(%arg13 : memref<!tpu.dma_semaphore, #tpu.memory_space<semaphore_mem>>) src(%dma_wait3A_57 : memref<128xi32, #tpu.memory_space<hbm>>) dst(%arg8 : memref<128xi32, #tpu.memory_space<vmem>>)
    %dma_start3A_58 = arith.constant 0 : i32
    %dma_start3A_59 = arith.constant 0 : i32
    %dma_start3A_60 = tpu.memref_slice %arg2[%dma_start3A_58, %dma_start3A_59] : memref<10240x128xf32, #tpu.memory_space<hbm>> -> memref<10240x128xf32, #tpu.memory_space<hbm>>
    tpu.enqueue_indirect_dma source(%dma_start3A_60 : memref<10240x128xf32, #tpu.memory_space<hbm>>) target(%arg10 : memref<128x128xf32, #tpu.memory_space<vmem>>) offsets(%arg6 : memref<128xi32, #tpu.memory_space<vmem>>) semaphore(%arg14 : memref<!tpu.dma_semaphore, #tpu.memory_space<semaphore_mem>>)
    %scan3A_61 = arith.constant 0 : i32
    %scan3A_62 = arith.constant 0 : i32
    %scan3A_63 = arith.constant 40 : i32
    %scan3A_64 = arith.addi %scan3A_62, %scan3A_63 : i32
    %scan3A_65 = arith.constant 1 : i32
    %scan3A_66 = scf.for %scan3A_87 = %scan3A_62 to %scan3A_64 step %scan3A_65 iter_args(%scan3A_88 = %scan3A_61) -> (i32)  : i32 {
      %mul3A_89 = arith.constant 2 : i32
      %mul3A_90 = arith.muli %scan3A_87, %mul3A_89 : i32
      %add3A_91 = arith.constant 0 : i32
      %add3A_92 = arith.addi %mul3A_90, %add3A_91 : i32
      %dma_wait3A_93 = arith.constant 0 : i32
      %dma_wait3A_94 = arith.constant 0 : i32
      %dma_wait3A_95 = tpu.memref_slice %arg2[%dma_wait3A_93, %dma_wait3A_94] : memref<10240x128xf32, #tpu.memory_space<hbm>> -> memref<10240x128xf32, #tpu.memory_space<hbm>>
      tpu.wait_indirect_dma semaphore(%arg14 : memref<!tpu.dma_semaphore, #tpu.memory_space<semaphore_mem>>) src(%dma_wait3A_95 : memref<10240x128xf32, #tpu.memory_space<hbm>>) dst(%arg10 : memref<128x128xf32, #tpu.memory_space<vmem>>)
      %add3A_96 = arith.constant 1 : i32
      %add3A_97 = arith.addi %add3A_92, %add3A_96 : i32
      %rem3A_98 = arith.constant 80 : i32
      %rem3A_99 = arith.remsi %add3A_97, %rem3A_98 : i32
      %dma_wait3A_100 = arith.constant 0 : i32
      %dma_wait3A_101 = tpu.memref_slice %arg3[%add3A, %rem3A_99, %dma_wait3A_100] : memref<32x80x128xi32, #tpu.memory_space<hbm>> -> memref<1x1x128xi32, #tpu.memory_space<hbm>>
      %dma_wait3A_102 = tpu.memref_squeeze %dma_wait3A_101 : memref<1x1x128xi32, #tpu.memory_space<hbm>> -> memref<128xi32, #tpu.memory_space<hbm>>
      %dma_wait3A_103 = arith.constant 0 : i32
      %dma_wait3A_104 = tpu.memref_slice %arg3[%add3A, %rem3A_99, %dma_wait3A_103] : memref<32x80x128xi32, #tpu.memory_space<hbm>> -> memref<1x1x128xi32, #tpu.memory_space<hbm>>
      %dma_wait3A_105 = tpu.memref_squeeze %dma_wait3A_104 : memref<1x1x128xi32, #tpu.memory_space<hbm>> -> memref<128xi32, #tpu.memory_space<hbm>>
      tpu.wait_dma2 semaphore(%arg13 : memref<!tpu.dma_semaphore, #tpu.memory_space<semaphore_mem>>) src(%dma_wait3A_105 : memref<128xi32, #tpu.memory_space<hbm>>) dst(%arg7 : memref<128xi32, #tpu.memory_space<vmem>>)
      %dma_wait3A_106 = arith.constant 0 : i32
      %dma_wait3A_107 = tpu.memref_slice %arg4[%add3A, %rem3A_99, %dma_wait3A_106] : memref<32x80x128xi32, #tpu.memory_space<hbm>> -> memref<1x1x128xi32, #tpu.memory_space<hbm>>
      %dma_wait3A_108 = tpu.memref_squeeze %dma_wait3A_107 : memref<1x1x128xi32, #tpu.memory_space<hbm>> -> memref<128xi32, #tpu.memory_space<hbm>>
      %dma_wait3A_109 = arith.constant 0 : i32
      %dma_wait3A_110 = tpu.memref_slice %arg4[%add3A, %rem3A_99, %dma_wait3A_109] : memref<32x80x128xi32, #tpu.memory_space<hbm>> -> memref<1x1x128xi32, #tpu.memory_space<hbm>>
      %dma_wait3A_111 = tpu.memref_squeeze %dma_wait3A_110 : memref<1x1x128xi32, #tpu.memory_space<hbm>> -> memref<128xi32, #tpu.memory_space<hbm>>
      tpu.wait_dma2 semaphore(%arg13 : memref<!tpu.dma_semaphore, #tpu.memory_space<semaphore_mem>>) src(%dma_wait3A_111 : memref<128xi32, #tpu.memory_space<hbm>>) dst(%arg9 : memref<128xi32, #tpu.memory_space<vmem>>)
      %dma_start3A_112 = arith.constant 0 : i32
      %dma_start3A_113 = arith.constant 0 : i32
      %dma_start3A_114 = tpu.memref_slice %arg2[%dma_start3A_112, %dma_start3A_113] : memref<10240x128xf32, #tpu.memory_space<hbm>> -> memref<10240x128xf32, #tpu.memory_space<hbm>>
      tpu.enqueue_indirect_dma source(%dma_start3A_114 : memref<10240x128xf32, #tpu.memory_space<hbm>>) target(%arg11 : memref<128x128xf32, #tpu.memory_space<vmem>>) offsets(%arg7 : memref<128xi32, #tpu.memory_space<vmem>>) semaphore(%arg14 : memref<!tpu.dma_semaphore, #tpu.memory_space<semaphore_mem>>)
      "tpu.region"() ({
        %run_scoped3A = tpu.sem_alloc : memref<!tpu.dma_semaphore, #tpu.memory_space<semaphore_mem>>
        %dma_start3A_174 = arith.constant 0 : i32
        %dma_start3A_175 = arith.constant 0 : i32
        %dma_start3A_176 = tpu.memref_slice %arg12[%dma_start3A_174, %dma_start3A_175] : memref<10240x128xf32, #tpu.memory_space<vmem_shared>> -> memref<10240x128xf32, #tpu.memory_space<vmem_shared>>
        tpu.enqueue_indirect_dma source(%arg10 : memref<128x128xf32, #tpu.memory_space<vmem>>) target(%dma_start3A_176 : memref<10240x128xf32, #tpu.memory_space<vmem_shared>>) offsets(%arg8 : memref<128xi32, #tpu.memory_space<vmem>>) semaphore(%run_scoped3A : memref<!tpu.dma_semaphore, #tpu.memory_space<semaphore_mem>>) {add = true}
        %dma_wait3A_177 = arith.constant 0 : i32
        %dma_wait3A_178 = arith.constant 0 : i32
        %dma_wait3A_179 = tpu.memref_slice %arg12[%dma_wait3A_177, %dma_wait3A_178] : memref<10240x128xf32, #tpu.memory_space<vmem_shared>> -> memref<10240x128xf32, #tpu.memory_space<vmem_shared>>
        tpu.wait_indirect_dma semaphore(%run_scoped3A : memref<!tpu.dma_semaphore, #tpu.memory_space<semaphore_mem>>) src(%arg10 : memref<128x128xf32, #tpu.memory_space<vmem>>) dst(%dma_wait3A_179 : memref<10240x128xf32, #tpu.memory_space<vmem_shared>>)
        tpu.yield
      }) : () -> ()
      %add3A_115 = arith.constant 2 : i32
      %add3A_116 = arith.addi %add3A_92, %add3A_115 : i32
      %rem3A_117 = arith.constant 80 : i32
      %rem3A_118 = arith.remsi %add3A_116, %rem3A_117 : i32
      %dma_start3A_119 = arith.constant 0 : i32
      %dma_start3A_120 = tpu.memref_slice %arg3[%add3A, %rem3A_118, %dma_start3A_119] : memref<32x80x128xi32, #tpu.memory_space<hbm>> -> memref<1x1x128xi32, #tpu.memory_space<hbm>>
      %dma_start3A_121 = tpu.memref_squeeze %dma_start3A_120 : memref<1x1x128xi32, #tpu.memory_space<hbm>> -> memref<128xi32, #tpu.memory_space<hbm>>
      %dma_start3A_122 = arith.constant 0 : i32
      %dma_start3A_123 = tpu.memref_slice %arg3[%add3A, %rem3A_118, %dma_start3A_122] : memref<32x80x128xi32, #tpu.memory_space<hbm>> -> memref<1x1x128xi32, #tpu.memory_space<hbm>>
      %dma_start3A_124 = tpu.memref_squeeze %dma_start3A_123 : memref<1x1x128xi32, #tpu.memory_space<hbm>> -> memref<128xi32, #tpu.memory_space<hbm>>
      tpu.enqueue_dma source(%dma_start3A_124 : memref<128xi32, #tpu.memory_space<hbm>>) target(%arg6 : memref<128xi32, #tpu.memory_space<vmem>>) target_semaphore(%arg13 : memref<!tpu.dma_semaphore, #tpu.memory_space<semaphore_mem>>)
      %dma_start3A_125 = arith.constant 0 : i32
      %dma_start3A_126 = tpu.memref_slice %arg4[%add3A, %rem3A_118, %dma_start3A_125] : memref<32x80x128xi32, #tpu.memory_space<hbm>> -> memref<1x1x128xi32, #tpu.memory_space<hbm>>
      %dma_start3A_127 = tpu.memref_squeeze %dma_start3A_126 : memref<1x1x128xi32, #tpu.memory_space<hbm>> -> memref<128xi32, #tpu.memory_space<hbm>>
      %dma_start3A_128 = arith.constant 0 : i32
      %dma_start3A_129 = tpu.memref_slice %arg4[%add3A, %rem3A_118, %dma_start3A_128] : memref<32x80x128xi32, #tpu.memory_space<hbm>> -> memref<1x1x128xi32, #tpu.memory_space<hbm>>
      %dma_start3A_130 = tpu.memref_squeeze %dma_start3A_129 : memref<1x1x128xi32, #tpu.memory_space<hbm>> -> memref<128xi32, #tpu.memory_space<hbm>>
      tpu.enqueue_dma source(%dma_start3A_130 : memref<128xi32, #tpu.memory_space<hbm>>) target(%arg8 : memref<128xi32, #tpu.memory_space<vmem>>) target_semaphore(%arg13 : memref<!tpu.dma_semaphore, #tpu.memory_space<semaphore_mem>>)
      %mul3A_131 = arith.constant 2 : i32
      %mul3A_132 = arith.muli %scan3A_87, %mul3A_131 : i32
      %add3A_133 = arith.constant 1 : i32
      %add3A_134 = arith.addi %mul3A_132, %add3A_133 : i32
      %dma_wait3A_135 = arith.constant 0 : i32
      %dma_wait3A_136 = arith.constant 0 : i32
      %dma_wait3A_137 = tpu.memref_slice %arg2[%dma_wait3A_135, %dma_wait3A_136] : memref<10240x128xf32, #tpu.memory_space<hbm>> -> memref<10240x128xf32, #tpu.memory_space<hbm>>
      tpu.wait_indirect_dma semaphore(%arg14 : memref<!tpu.dma_semaphore, #tpu.memory_space<semaphore_mem>>) src(%dma_wait3A_137 : memref<10240x128xf32, #tpu.memory_space<hbm>>) dst(%arg11 : memref<128x128xf32, #tpu.memory_space<vmem>>)
      %add3A_138 = arith.constant 1 : i32
      %add3A_139 = arith.addi %add3A_134, %add3A_138 : i32
      %rem3A_140 = arith.constant 80 : i32
      %rem3A_141 = arith.remsi %add3A_139, %rem3A_140 : i32
      %dma_wait3A_142 = arith.constant 0 : i32
      %dma_wait3A_143 = tpu.memref_slice %arg3[%add3A, %rem3A_141, %dma_wait3A_142] : memref<32x80x128xi32, #tpu.memory_space<hbm>> -> memref<1x1x128xi32, #tpu.memory_space<hbm>>
      %dma_wait3A_144 = tpu.memref_squeeze %dma_wait3A_143 : memref<1x1x128xi32, #tpu.memory_space<hbm>> -> memref<128xi32, #tpu.memory_space<hbm>>
      %dma_wait3A_145 = arith.constant 0 : i32
      %dma_wait3A_146 = tpu.memref_slice %arg3[%add3A, %rem3A_141, %dma_wait3A_145] : memref<32x80x128xi32, #tpu.memory_space<hbm>> -> memref<1x1x128xi32, #tpu.memory_space<hbm>>
      %dma_wait3A_147 = tpu.memref_squeeze %dma_wait3A_146 : memref<1x1x128xi32, #tpu.memory_space<hbm>> -> memref<128xi32, #tpu.memory_space<hbm>>
      tpu.wait_dma2 semaphore(%arg13 : memref<!tpu.dma_semaphore, #tpu.memory_space<semaphore_mem>>) src(%dma_wait3A_147 : memref<128xi32, #tpu.memory_space<hbm>>) dst(%arg6 : memref<128xi32, #tpu.memory_space<vmem>>)
      %dma_wait3A_148 = arith.constant 0 : i32
      %dma_wait3A_149 = tpu.memref_slice %arg4[%add3A, %rem3A_141, %dma_wait3A_148] : memref<32x80x128xi32, #tpu.memory_space<hbm>> -> memref<1x1x128xi32, #tpu.memory_space<hbm>>
      %dma_wait3A_150 = tpu.memref_squeeze %dma_wait3A_149 : memref<1x1x128xi32, #tpu.memory_space<hbm>> -> memref<128xi32, #tpu.memory_space<hbm>>
      %dma_wait3A_151 = arith.constant 0 : i32
      %dma_wait3A_152 = tpu.memref_slice %arg4[%add3A, %rem3A_141, %dma_wait3A_151] : memref<32x80x128xi32, #tpu.memory_space<hbm>> -> memref<1x1x128xi32, #tpu.memory_space<hbm>>
      %dma_wait3A_153 = tpu.memref_squeeze %dma_wait3A_152 : memref<1x1x128xi32, #tpu.memory_space<hbm>> -> memref<128xi32, #tpu.memory_space<hbm>>
      tpu.wait_dma2 semaphore(%arg13 : memref<!tpu.dma_semaphore, #tpu.memory_space<semaphore_mem>>) src(%dma_wait3A_153 : memref<128xi32, #tpu.memory_space<hbm>>) dst(%arg8 : memref<128xi32, #tpu.memory_space<vmem>>)
      %dma_start3A_154 = arith.constant 0 : i32
      %dma_start3A_155 = arith.constant 0 : i32
      %dma_start3A_156 = tpu.memref_slice %arg2[%dma_start3A_154, %dma_start3A_155] : memref<10240x128xf32, #tpu.memory_space<hbm>> -> memref<10240x128xf32, #tpu.memory_space<hbm>>
      tpu.enqueue_indirect_dma source(%dma_start3A_156 : memref<10240x128xf32, #tpu.memory_space<hbm>>) target(%arg10 : memref<128x128xf32, #tpu.memory_space<vmem>>) offsets(%arg6 : memref<128xi32, #tpu.memory_space<vmem>>) semaphore(%arg14 : memref<!tpu.dma_semaphore, #tpu.memory_space<semaphore_mem>>)
      "tpu.region"() ({
        %run_scoped3A = tpu.sem_alloc : memref<!tpu.dma_semaphore, #tpu.memory_space<semaphore_mem>>
        %dma_start3A_174 = arith.constant 0 : i32
        %dma_start3A_175 = arith.constant 0 : i32
        %dma_start3A_176 = tpu.memref_slice %arg12[%dma_start3A_174, %dma_start3A_175] : memref<10240x128xf32, #tpu.memory_space<vmem_shared>> -> memref<10240x128xf32, #tpu.memory_space<vmem_shared>>
        tpu.enqueue_indirect_dma source(%arg11 : memref<128x128xf32, #tpu.memory_space<vmem>>) target(%dma_start3A_176 : memref<10240x128xf32, #tpu.memory_space<vmem_shared>>) offsets(%arg9 : memref<128xi32, #tpu.memory_space<vmem>>) semaphore(%run_scoped3A : memref<!tpu.dma_semaphore, #tpu.memory_space<semaphore_mem>>) {add = true}
        %dma_wait3A_177 = arith.constant 0 : i32
        %dma_wait3A_178 = arith.constant 0 : i32
        %dma_wait3A_179 = tpu.memref_slice %arg12[%dma_wait3A_177, %dma_wait3A_178] : memref<10240x128xf32, #tpu.memory_space<vmem_shared>> -> memref<10240x128xf32, #tpu.memory_space<vmem_shared>>
        tpu.wait_indirect_dma semaphore(%run_scoped3A : memref<!tpu.dma_semaphore, #tpu.memory_space<semaphore_mem>>) src(%arg11 : memref<128x128xf32, #tpu.memory_space<vmem>>) dst(%dma_wait3A_179 : memref<10240x128xf32, #tpu.memory_space<vmem_shared>>)
        tpu.yield
      }) : () -> ()
      %add3A_157 = arith.constant 2 : i32
      %add3A_158 = arith.addi %add3A_134, %add3A_157 : i32
      %rem3A_159 = arith.constant 80 : i32
      %rem3A_160 = arith.remsi %add3A_158, %rem3A_159 : i32
      %dma_start3A_161 = arith.constant 0 : i32
      %dma_start3A_162 = tpu.memref_slice %arg3[%add3A, %rem3A_160, %dma_start3A_161] : memref<32x80x128xi32, #tpu.memory_space<hbm>> -> memref<1x1x128xi32, #tpu.memory_space<hbm>>
      %dma_start3A_163 = tpu.memref_squeeze %dma_start3A_162 : memref<1x1x128xi32, #tpu.memory_space<hbm>> -> memref<128xi32, #tpu.memory_space<hbm>>
      %dma_start3A_164 = arith.constant 0 : i32
      %dma_start3A_165 = tpu.memref_slice %arg3[%add3A, %rem3A_160, %dma_start3A_164] : memref<32x80x128xi32, #tpu.memory_space<hbm>> -> memref<1x1x128xi32, #tpu.memory_space<hbm>>
      %dma_start3A_166 = tpu.memref_squeeze %dma_start3A_165 : memref<1x1x128xi32, #tpu.memory_space<hbm>> -> memref<128xi32, #tpu.memory_space<hbm>>
      tpu.enqueue_dma source(%dma_start3A_166 : memref<128xi32, #tpu.memory_space<hbm>>) target(%arg7 : memref<128xi32, #tpu.memory_space<vmem>>) target_semaphore(%arg13 : memref<!tpu.dma_semaphore, #tpu.memory_space<semaphore_mem>>)
      %dma_start3A_167 = arith.constant 0 : i32
      %dma_start3A_168 = tpu.memref_slice %arg4[%add3A, %rem3A_160, %dma_start3A_167] : memref<32x80x128xi32, #tpu.memory_space<hbm>> -> memref<1x1x128xi32, #tpu.memory_space<hbm>>
      %dma_start3A_169 = tpu.memref_squeeze %dma_start3A_168 : memref<1x1x128xi32, #tpu.memory_space<hbm>> -> memref<128xi32, #tpu.memory_space<hbm>>
      %dma_start3A_170 = arith.constant 0 : i32
      %dma_start3A_171 = tpu.memref_slice %arg4[%add3A, %rem3A_160, %dma_start3A_170] : memref<32x80x128xi32, #tpu.memory_space<hbm>> -> memref<1x1x128xi32, #tpu.memory_space<hbm>>
      %dma_start3A_172 = tpu.memref_squeeze %dma_start3A_171 : memref<1x1x128xi32, #tpu.memory_space<hbm>> -> memref<128xi32, #tpu.memory_space<hbm>>
      tpu.enqueue_dma source(%dma_start3A_172 : memref<128xi32, #tpu.memory_space<hbm>>) target(%arg9 : memref<128xi32, #tpu.memory_space<vmem>>) target_semaphore(%arg13 : memref<!tpu.dma_semaphore, #tpu.memory_space<semaphore_mem>>)
      %scan3A_173 = arith.constant 0 : i32
      scf.yield %scan3A_173 : i32
    }
    %scan3A_67 = arith.constant 40 : i32
    %dma_wait3A_68 = arith.constant 0 : i32
    %dma_wait3A_69 = arith.constant 0 : i32
    %dma_wait3A_70 = tpu.memref_slice %arg2[%dma_wait3A_68, %dma_wait3A_69] : memref<10240x128xf32, #tpu.memory_space<hbm>> -> memref<10240x128xf32, #tpu.memory_space<hbm>>
    tpu.wait_indirect_dma semaphore(%arg14 : memref<!tpu.dma_semaphore, #tpu.memory_space<semaphore_mem>>) src(%dma_wait3A_70 : memref<10240x128xf32, #tpu.memory_space<hbm>>) dst(%arg10 : memref<128x128xf32, #tpu.memory_space<vmem>>)
    %rem3A_71 = arith.constant 81 : i32
    %rem3A_72 = arith.constant 80 : i32
    %rem3A_73 = arith.remsi %rem3A_71, %rem3A_72 : i32
    %dma_wait3A_74 = arith.constant 0 : i32
    %dma_wait3A_75 = tpu.memref_slice %arg3[%add3A, %rem3A_73, %dma_wait3A_74] : memref<32x80x128xi32, #tpu.memory_space<hbm>> -> memref<1x1x128xi32, #tpu.memory_space<hbm>>
    %dma_wait3A_76 = tpu.memref_squeeze %dma_wait3A_75 : memref<1x1x128xi32, #tpu.memory_space<hbm>> -> memref<128xi32, #tpu.memory_space<hbm>>
    %dma_wait3A_77 = arith.constant 0 : i32
    %dma_wait3A_78 = tpu.memref_slice %arg3[%add3A, %rem3A_73, %dma_wait3A_77] : memref<32x80x128xi32, #tpu.memory_space<hbm>> -> memref<1x1x128xi32, #tpu.memory_space<hbm>>
    %dma_wait3A_79 = tpu.memref_squeeze %dma_wait3A_78 : memref<1x1x128xi32, #tpu.memory_space<hbm>> -> memref<128xi32, #tpu.memory_space<hbm>>
    tpu.wait_dma2 semaphore(%arg13 : memref<!tpu.dma_semaphore, #tpu.memory_space<semaphore_mem>>) src(%dma_wait3A_79 : memref<128xi32, #tpu.memory_space<hbm>>) dst(%arg7 : memref<128xi32, #tpu.memory_space<vmem>>)
    %dma_wait3A_80 = arith.constant 0 : i32
    %dma_wait3A_81 = tpu.memref_slice %arg4[%add3A, %rem3A_73, %dma_wait3A_80] : memref<32x80x128xi32, #tpu.memory_space<hbm>> -> memref<1x1x128xi32, #tpu.memory_space<hbm>>
    %dma_wait3A_82 = tpu.memref_squeeze %dma_wait3A_81 : memref<1x1x128xi32, #tpu.memory_space<hbm>> -> memref<128xi32, #tpu.memory_space<hbm>>
    %dma_wait3A_83 = arith.constant 0 : i32
    %dma_wait3A_84 = tpu.memref_slice %arg4[%add3A, %rem3A_73, %dma_wait3A_83] : memref<32x80x128xi32, #tpu.memory_space<hbm>> -> memref<1x1x128xi32, #tpu.memory_space<hbm>>
    %dma_wait3A_85 = tpu.memref_squeeze %dma_wait3A_84 : memref<1x1x128xi32, #tpu.memory_space<hbm>> -> memref<128xi32, #tpu.memory_space<hbm>>
    tpu.wait_dma2 semaphore(%arg13 : memref<!tpu.dma_semaphore, #tpu.memory_space<semaphore_mem>>) src(%dma_wait3A_85 : memref<128xi32, #tpu.memory_space<hbm>>) dst(%arg9 : memref<128xi32, #tpu.memory_space<vmem>>)
    %barrier3A_86 = arith.constant 0 : index
    tpu.barrier barrier_id(%barrier3A_86)
    "tpu.region"() ({
      %run_scoped3A = tpu.sem_alloc : memref<!tpu.dma_semaphore, #tpu.memory_space<semaphore_mem>>
      %dma_start3A_87 = arith.constant 0 : i32
      %dma_start3A_88 = tpu.memref_slice %arg5[%arg0, %mul3A_36, %dma_start3A_87] : memref<2x10240x128xf32, #tpu.memory_space<hbm>> -> memref<1x640x128xf32, #tpu.memory_space<hbm>>
      %dma_start3A_89 = tpu.memref_squeeze %dma_start3A_88 : memref<1x640x128xf32, #tpu.memory_space<hbm>> -> memref<640x128xf32, #tpu.memory_space<hbm>>
      %dma_start3A_90 = arith.constant 0 : i32
      %dma_start3A_91 = tpu.memref_slice %arg12[%mul3A_36, %dma_start3A_90] : memref<10240x128xf32, #tpu.memory_space<vmem_shared>> -> memref<640x128xf32, #tpu.memory_space<vmem_shared>>
      tpu.enqueue_dma source(%dma_start3A_91 : memref<640x128xf32, #tpu.memory_space<vmem_shared>>) target(%dma_start3A_89 : memref<640x128xf32, #tpu.memory_space<hbm>>) target_semaphore(%run_scoped3A : memref<!tpu.dma_semaphore, #tpu.memory_space<semaphore_mem>>)
      %dma_wait3A_92 = arith.constant 0 : i32
      %dma_wait3A_93 = tpu.memref_slice %arg5[%arg0, %mul3A_36, %dma_wait3A_92] : memref<2x10240x128xf32, #tpu.memory_space<hbm>> -> memref<1x640x128xf32, #tpu.memory_space<hbm>>
      %dma_wait3A_94 = tpu.memref_squeeze %dma_wait3A_93 : memref<1x640x128xf32, #tpu.memory_space<hbm>> -> memref<640x128xf32, #tpu.memory_space<hbm>>
      %dma_wait3A_95 = arith.constant 0 : i32
      %dma_wait3A_96 = tpu.memref_slice %arg12[%mul3A_36, %dma_wait3A_95] : memref<10240x128xf32, #tpu.memory_space<vmem_shared>> -> memref<640x128xf32, #tpu.memory_space<vmem_shared>>
      tpu.wait_dma2 semaphore(%run_scoped3A : memref<!tpu.dma_semaphore, #tpu.memory_space<semaphore_mem>>) src(%dma_wait3A_96 : memref<640x128xf32, #tpu.memory_space<vmem_shared>>) dst(%dma_wait3A_94 : memref<640x128xf32, #tpu.memory_space<hbm>>)
      tpu.yield
    }) : () -> ()
    return
  }
}

#map = affine_map<(d0, d1) -> (0, 0)>
#map1 = affine_map<(d0, d1) -> (0, 0, 0)>
module attributes {stable_mosaic.version = 14 : i64} {
  func.func @_sc_agg(%arg0: i32, %arg1: i32, %arg2: memref<10240x128xf32, #tpu.memory_space<hbm>>, %arg3: memref<32x80x128xi32, #tpu.memory_space<hbm>>, %arg4: memref<32x80x128xi32, #tpu.memory_space<hbm>>, %arg5: memref<2x10240x128xf32, #tpu.memory_space<hbm>>, %arg6: memref<128xi32, #tpu.memory_space<vmem>>, %arg7: memref<128xi32, #tpu.memory_space<vmem>>, %arg8: memref<128xi32, #tpu.memory_space<vmem>>, %arg9: memref<128xi32, #tpu.memory_space<vmem>>, %arg10: memref<128x128xf32, #tpu.memory_space<vmem>>, %arg11: memref<128x128xf32, #tpu.memory_space<vmem>>, %arg12: memref<10240x128xf32, #tpu.memory_space<vmem_shared>>, %arg13: memref<!tpu.dma_semaphore, #tpu.memory_space<semaphore_mem>>, %arg14: memref<!tpu.dma_semaphore, #tpu.memory_space<semaphore_mem>>) attributes {dimension_semantics = [#tpu.dimension_semantics<core_parallel>, #tpu.dimension_semantics<subcore_parallel>], iteration_bounds = array<i64: 2, 16>, scalar_prefetch = 0 : i64, scratch_operands = 9 : i64, tpu.core_type = #tpu.core_type<sc_vector_subcore>, window_params = [{transform_indices = #map}, {transform_indices = #map1}, {transform_indices = #map1}, {transform_indices = #map1}]} {
    %mul3A = arith.constant 2 : i32
    %mul3A_0 = arith.muli %arg1, %mul3A : i32
    %add3A = arith.addi %mul3A_0, %arg0 : i32
    %rem3A = arith.constant 0 : i32
    %rem3A_1 = arith.constant 80 : i32
    %rem3A_2 = arith.remsi %rem3A, %rem3A_1 : i32
    %dma_start3A = arith.constant 0 : i32
    %dma_start3A_3 = tpu.memref_slice %arg3[%add3A, %rem3A_2, %dma_start3A] : memref<32x80x128xi32, #tpu.memory_space<hbm>> -> memref<1x1x128xi32, #tpu.memory_space<hbm>>
    %dma_start3A_4 = tpu.memref_squeeze %dma_start3A_3 : memref<1x1x128xi32, #tpu.memory_space<hbm>> -> memref<128xi32, #tpu.memory_space<hbm>>
    %dma_start3A_5 = arith.constant 0 : i32
    %dma_start3A_6 = tpu.memref_slice %arg3[%add3A, %rem3A_2, %dma_start3A_5] : memref<32x80x128xi32, #tpu.memory_space<hbm>> -> memref<1x1x128xi32, #tpu.memory_space<hbm>>
    %dma_start3A_7 = tpu.memref_squeeze %dma_start3A_6 : memref<1x1x128xi32, #tpu.memory_space<hbm>> -> memref<128xi32, #tpu.memory_space<hbm>>
    tpu.enqueue_dma source(%dma_start3A_7 : memref<128xi32, #tpu.memory_space<hbm>>) target(%arg6 : memref<128xi32, #tpu.memory_space<vmem>>) target_semaphore(%arg13 : memref<!tpu.dma_semaphore, #tpu.memory_space<semaphore_mem>>)
    %dma_start3A_8 = arith.constant 0 : i32
    %dma_start3A_9 = tpu.memref_slice %arg4[%add3A, %rem3A_2, %dma_start3A_8] : memref<32x80x128xi32, #tpu.memory_space<hbm>> -> memref<1x1x128xi32, #tpu.memory_space<hbm>>
    %dma_start3A_10 = tpu.memref_squeeze %dma_start3A_9 : memref<1x1x128xi32, #tpu.memory_space<hbm>> -> memref<128xi32, #tpu.memory_space<hbm>>
    %dma_start3A_11 = arith.constant 0 : i32
    %dma_start3A_12 = tpu.memref_slice %arg4[%add3A, %rem3A_2, %dma_start3A_11] : memref<32x80x128xi32, #tpu.memory_space<hbm>> -> memref<1x1x128xi32, #tpu.memory_space<hbm>>
    %dma_start3A_13 = tpu.memref_squeeze %dma_start3A_12 : memref<1x1x128xi32, #tpu.memory_space<hbm>> -> memref<128xi32, #tpu.memory_space<hbm>>
    tpu.enqueue_dma source(%dma_start3A_13 : memref<128xi32, #tpu.memory_space<hbm>>) target(%arg8 : memref<128xi32, #tpu.memory_space<vmem>>) target_semaphore(%arg13 : memref<!tpu.dma_semaphore, #tpu.memory_space<semaphore_mem>>)
    %rem3A_14 = arith.constant 1 : i32
    %rem3A_15 = arith.constant 80 : i32
    %rem3A_16 = arith.remsi %rem3A_14, %rem3A_15 : i32
    %dma_start3A_17 = arith.constant 0 : i32
    %dma_start3A_18 = tpu.memref_slice %arg3[%add3A, %rem3A_16, %dma_start3A_17] : memref<32x80x128xi32, #tpu.memory_space<hbm>> -> memref<1x1x128xi32, #tpu.memory_space<hbm>>
    %dma_start3A_19 = tpu.memref_squeeze %dma_start3A_18 : memref<1x1x128xi32, #tpu.memory_space<hbm>> -> memref<128xi32, #tpu.memory_space<hbm>>
    %dma_start3A_20 = arith.constant 0 : i32
    %dma_start3A_21 = tpu.memref_slice %arg3[%add3A, %rem3A_16, %dma_start3A_20] : memref<32x80x128xi32, #tpu.memory_space<hbm>> -> memref<1x1x128xi32, #tpu.memory_space<hbm>>
    %dma_start3A_22 = tpu.memref_squeeze %dma_start3A_21 : memref<1x1x128xi32, #tpu.memory_space<hbm>> -> memref<128xi32, #tpu.memory_space<hbm>>
    tpu.enqueue_dma source(%dma_start3A_22 : memref<128xi32, #tpu.memory_space<hbm>>) target(%arg7 : memref<128xi32, #tpu.memory_space<vmem>>) target_semaphore(%arg13 : memref<!tpu.dma_semaphore, #tpu.memory_space<semaphore_mem>>)
    %dma_start3A_23 = arith.constant 0 : i32
    %dma_start3A_24 = tpu.memref_slice %arg4[%add3A, %rem3A_16, %dma_start3A_23] : memref<32x80x128xi32, #tpu.memory_space<hbm>> -> memref<1x1x128xi32, #tpu.memory_space<hbm>>
    %dma_start3A_25 = tpu.memref_squeeze %dma_start3A_24 : memref<1x1x128xi32, #tpu.memory_space<hbm>> -> memref<128xi32, #tpu.memory_space<hbm>>
    %dma_start3A_26 = arith.constant 0 : i32
    %dma_start3A_27 = tpu.memref_slice %arg4[%add3A, %rem3A_16, %dma_start3A_26] : memref<32x80x128xi32, #tpu.memory_space<hbm>> -> memref<1x1x128xi32, #tpu.memory_space<hbm>>
    %dma_start3A_28 = tpu.memref_squeeze %dma_start3A_27 : memref<1x1x128xi32, #tpu.memory_space<hbm>> -> memref<128xi32, #tpu.memory_space<hbm>>
    tpu.enqueue_dma source(%dma_start3A_28 : memref<128xi32, #tpu.memory_space<hbm>>) target(%arg9 : memref<128xi32, #tpu.memory_space<vmem>>) target_semaphore(%arg13 : memref<!tpu.dma_semaphore, #tpu.memory_space<semaphore_mem>>)
    %scan3A = arith.constant 0 : i32
    %scan3A_29 = arith.constant 0 : i32
    %scan3A_30 = arith.constant 128 : i32
    %scan3A_31 = arith.addi %scan3A_29, %scan3A_30 : i32
    %scan3A_32 = arith.constant 1 : i32
    %scan3A_33 = scf.for %scan3A_87 = %scan3A_29 to %scan3A_31 step %scan3A_32 iter_args(%scan3A_88 = %scan3A) -> (i32)  : i32 {
      %broadcast_in_dim3A = arith.constant 0.000000e+00 : f32
      %broadcast_in_dim3A_89 = vector.broadcast %broadcast_in_dim3A : f32 to vector<16xf32>
      %swap3A = arith.index_cast %scan3A_87 : i32 to index
      %swap3A_90 = arith.constant 0 : index
      %swap3A_91 = tpu.vector_load %arg10[%swap3A, %swap3A_90] {strides = array<i32>} : memref<128x128xf32, #tpu.memory_space<vmem>>, vector<1x16xf32>,
      %swap3A_92 = vector.shape_cast %swap3A_91 : vector<1x16xf32> to vector<16xf32>
      %swap3A_93 = vector.shape_cast %broadcast_in_dim3A_89 : vector<16xf32> to vector<1x16xf32>
      tpu.vector_store %arg10[%swap3A, %swap3A_90], %swap3A_93 {strides = array<i32>} : memref<128x128xf32, #tpu.memory_space<vmem>>, vector<1x16xf32>,
      %broadcast_in_dim3A_94 = arith.constant 0.000000e+00 : f32
      %broadcast_in_dim3A_95 = vector.broadcast %broadcast_in_dim3A_94 : f32 to vector<16xf32>
      %swap3A_96 = arith.index_cast %scan3A_87 : i32 to index
      %swap3A_97 = arith.constant 16 : index
      %swap3A_98 = tpu.vector_load %arg10[%swap3A_96, %swap3A_97] {strides = array<i32>} : memref<128x128xf32, #tpu.memory_space<vmem>>, vector<1x16xf32>,
      %swap3A_99 = vector.shape_cast %swap3A_98 : vector<1x16xf32> to vector<16xf32>
      %swap3A_100 = vector.shape_cast %broadcast_in_dim3A_95 : vector<16xf32> to vector<1x16xf32>
      tpu.vector_store %arg10[%swap3A_96, %swap3A_97], %swap3A_100 {strides = array<i32>} : memref<128x128xf32, #tpu.memory_space<vmem>>, vector<1x16xf32>,
      %broadcast_in_dim3A_101 = arith.constant 0.000000e+00 : f32
      %broadcast_in_dim3A_102 = vector.broadcast %broadcast_in_dim3A_101 : f32 to vector<16xf32>
      %swap3A_103 = arith.index_cast %scan3A_87 : i32 to index
      %swap3A_104 = arith.constant 32 : index
      %swap3A_105 = tpu.vector_load %arg10[%swap3A_103, %swap3A_104] {strides = array<i32>} : memref<128x128xf32, #tpu.memory_space<vmem>>, vector<1x16xf32>,
      %swap3A_106 = vector.shape_cast %swap3A_105 : vector<1x16xf32> to vector<16xf32>
      %swap3A_107 = vector.shape_cast %broadcast_in_dim3A_102 : vector<16xf32> to vector<1x16xf32>
      tpu.vector_store %arg10[%swap3A_103, %swap3A_104], %swap3A_107 {strides = array<i32>} : memref<128x128xf32, #tpu.memory_space<vmem>>, vector<1x16xf32>,
      %broadcast_in_dim3A_108 = arith.constant 0.000000e+00 : f32
      %broadcast_in_dim3A_109 = vector.broadcast %broadcast_in_dim3A_108 : f32 to vector<16xf32>
      %swap3A_110 = arith.index_cast %scan3A_87 : i32 to index
      %swap3A_111 = arith.constant 48 : index
      %swap3A_112 = tpu.vector_load %arg10[%swap3A_110, %swap3A_111] {strides = array<i32>} : memref<128x128xf32, #tpu.memory_space<vmem>>, vector<1x16xf32>,
      %swap3A_113 = vector.shape_cast %swap3A_112 : vector<1x16xf32> to vector<16xf32>
      %swap3A_114 = vector.shape_cast %broadcast_in_dim3A_109 : vector<16xf32> to vector<1x16xf32>
      tpu.vector_store %arg10[%swap3A_110, %swap3A_111], %swap3A_114 {strides = array<i32>} : memref<128x128xf32, #tpu.memory_space<vmem>>, vector<1x16xf32>,
      %broadcast_in_dim3A_115 = arith.constant 0.000000e+00 : f32
      %broadcast_in_dim3A_116 = vector.broadcast %broadcast_in_dim3A_115 : f32 to vector<16xf32>
      %swap3A_117 = arith.index_cast %scan3A_87 : i32 to index
      %swap3A_118 = arith.constant 64 : index
      %swap3A_119 = tpu.vector_load %arg10[%swap3A_117, %swap3A_118] {strides = array<i32>} : memref<128x128xf32, #tpu.memory_space<vmem>>, vector<1x16xf32>,
      %swap3A_120 = vector.shape_cast %swap3A_119 : vector<1x16xf32> to vector<16xf32>
      %swap3A_121 = vector.shape_cast %broadcast_in_dim3A_116 : vector<16xf32> to vector<1x16xf32>
      tpu.vector_store %arg10[%swap3A_117, %swap3A_118], %swap3A_121 {strides = array<i32>} : memref<128x128xf32, #tpu.memory_space<vmem>>, vector<1x16xf32>,
      %broadcast_in_dim3A_122 = arith.constant 0.000000e+00 : f32
      %broadcast_in_dim3A_123 = vector.broadcast %broadcast_in_dim3A_122 : f32 to vector<16xf32>
      %swap3A_124 = arith.index_cast %scan3A_87 : i32 to index
      %swap3A_125 = arith.constant 80 : index
      %swap3A_126 = tpu.vector_load %arg10[%swap3A_124, %swap3A_125] {strides = array<i32>} : memref<128x128xf32, #tpu.memory_space<vmem>>, vector<1x16xf32>,
      %swap3A_127 = vector.shape_cast %swap3A_126 : vector<1x16xf32> to vector<16xf32>
      %swap3A_128 = vector.shape_cast %broadcast_in_dim3A_123 : vector<16xf32> to vector<1x16xf32>
      tpu.vector_store %arg10[%swap3A_124, %swap3A_125], %swap3A_128 {strides = array<i32>} : memref<128x128xf32, #tpu.memory_space<vmem>>, vector<1x16xf32>,
      %broadcast_in_dim3A_129 = arith.constant 0.000000e+00 : f32
      %broadcast_in_dim3A_130 = vector.broadcast %broadcast_in_dim3A_129 : f32 to vector<16xf32>
      %swap3A_131 = arith.index_cast %scan3A_87 : i32 to index
      %swap3A_132 = arith.constant 96 : index
      %swap3A_133 = tpu.vector_load %arg10[%swap3A_131, %swap3A_132] {strides = array<i32>} : memref<128x128xf32, #tpu.memory_space<vmem>>, vector<1x16xf32>,
      %swap3A_134 = vector.shape_cast %swap3A_133 : vector<1x16xf32> to vector<16xf32>
      %swap3A_135 = vector.shape_cast %broadcast_in_dim3A_130 : vector<16xf32> to vector<1x16xf32>
      tpu.vector_store %arg10[%swap3A_131, %swap3A_132], %swap3A_135 {strides = array<i32>} : memref<128x128xf32, #tpu.memory_space<vmem>>, vector<1x16xf32>,
      %broadcast_in_dim3A_136 = arith.constant 0.000000e+00 : f32
      %broadcast_in_dim3A_137 = vector.broadcast %broadcast_in_dim3A_136 : f32 to vector<16xf32>
      %swap3A_138 = arith.index_cast %scan3A_87 : i32 to index
      %swap3A_139 = arith.constant 112 : index
      %swap3A_140 = tpu.vector_load %arg10[%swap3A_138, %swap3A_139] {strides = array<i32>} : memref<128x128xf32, #tpu.memory_space<vmem>>, vector<1x16xf32>,
      %swap3A_141 = vector.shape_cast %swap3A_140 : vector<1x16xf32> to vector<16xf32>
      %swap3A_142 = vector.shape_cast %broadcast_in_dim3A_137 : vector<16xf32> to vector<1x16xf32>
      tpu.vector_store %arg10[%swap3A_138, %swap3A_139], %swap3A_142 {strides = array<i32>} : memref<128x128xf32, #tpu.memory_space<vmem>>, vector<1x16xf32>,
      %scan3A_143 = arith.constant 0 : i32
      scf.yield %scan3A_143 : i32
    }
    %scan3A_34 = arith.constant 128 : i32
    %mul3A_35 = arith.constant 640 : i32
    %mul3A_36 = arith.muli %arg1, %mul3A_35 : i32
    %scan3A_37 = arith.constant 0 : i32
    %scan3A_38 = arith.constant 0 : i32
    %scan3A_39 = arith.constant 5 : i32
    %scan3A_40 = arith.addi %scan3A_38, %scan3A_39 : i32
    %scan3A_41 = arith.constant 1 : i32
    %scan3A_42 = scf.for %scan3A_87 = %scan3A_38 to %scan3A_40 step %scan3A_41 iter_args(%scan3A_88 = %scan3A_37) -> (i32)  : i32 {
      %mul3A_89 = arith.constant 128 : i32
      %mul3A_90 = arith.muli %scan3A_87, %mul3A_89 : i32
      %add3A_91 = arith.addi %mul3A_36, %mul3A_90 : i32
      "tpu.region"() ({
        %run_scoped3A = tpu.sem_alloc : memref<!tpu.dma_semaphore, #tpu.memory_space<semaphore_mem>>
        %dma_start3A_93 = arith.constant 0 : i32
        %dma_start3A_94 = tpu.memref_slice %arg12[%add3A_91, %dma_start3A_93] : memref<10240x128xf32, #tpu.memory_space<vmem_shared>> -> memref<128x128xf32, #tpu.memory_space<vmem_shared>>
        %dma_start3A_95 = arith.constant 0 : i32
        %dma_start3A_96 = tpu.memref_slice %arg12[%add3A_91, %dma_start3A_95] : memref<10240x128xf32, #tpu.memory_space<vmem_shared>> -> memref<128x128xf32, #tpu.memory_space<vmem_shared>>
        tpu.enqueue_dma source(%arg10 : memref<128x128xf32, #tpu.memory_space<vmem>>) target(%dma_start3A_96 : memref<128x128xf32, #tpu.memory_space<vmem_shared>>) target_semaphore(%run_scoped3A : memref<!tpu.dma_semaphore, #tpu.memory_space<semaphore_mem>>)
        %dma_wait3A_97 = arith.constant 0 : i32
        %dma_wait3A_98 = tpu.memref_slice %arg12[%add3A_91, %dma_wait3A_97] : memref<10240x128xf32, #tpu.memory_space<vmem_shared>> -> memref<128x128xf32, #tpu.memory_space<vmem_shared>>
        %dma_wait3A_99 = arith.constant 0 : i32
        %dma_wait3A_100 = tpu.memref_slice %arg12[%add3A_91, %dma_wait3A_99] : memref<10240x128xf32, #tpu.memory_space<vmem_shared>> -> memref<128x128xf32, #tpu.memory_space<vmem_shared>>
        tpu.wait_dma2 semaphore(%run_scoped3A : memref<!tpu.dma_semaphore, #tpu.memory_space<semaphore_mem>>) src(%arg10 : memref<128x128xf32, #tpu.memory_space<vmem>>) dst(%dma_wait3A_100 : memref<128x128xf32, #tpu.memory_space<vmem_shared>>)
        tpu.yield
      }) : () -> ()
      %scan3A_92 = arith.constant 0 : i32
      scf.yield %scan3A_92 : i32
    }
    %scan3A_43 = arith.constant 5 : i32
    %barrier3A = arith.constant 0 : index
    tpu.barrier barrier_id(%barrier3A)
    %rem3A_44 = arith.constant 0 : i32
    %rem3A_45 = arith.constant 80 : i32
    %rem3A_46 = arith.remsi %rem3A_44, %rem3A_45 : i32
    %dma_wait3A = arith.constant 0 : i32
    %dma_wait3A_47 = tpu.memref_slice %arg3[%add3A, %rem3A_46, %dma_wait3A] : memref<32x80x128xi32, #tpu.memory_space<hbm>> -> memref<1x1x128xi32, #tpu.memory_space<hbm>>
    %dma_wait3A_48 = tpu.memref_squeeze %dma_wait3A_47 : memref<1x1x128xi32, #tpu.memory_space<hbm>> -> memref<128xi32, #tpu.memory_space<hbm>>
    %dma_wait3A_49 = arith.constant 0 : i32
    %dma_wait3A_50 = tpu.memref_slice %arg3[%add3A, %rem3A_46, %dma_wait3A_49] : memref<32x80x128xi32, #tpu.memory_space<hbm>> -> memref<1x1x128xi32, #tpu.memory_space<hbm>>
    %dma_wait3A_51 = tpu.memref_squeeze %dma_wait3A_50 : memref<1x1x128xi32, #tpu.memory_space<hbm>> -> memref<128xi32, #tpu.memory_space<hbm>>
    tpu.wait_dma2 semaphore(%arg13 : memref<!tpu.dma_semaphore, #tpu.memory_space<semaphore_mem>>) src(%dma_wait3A_51 : memref<128xi32, #tpu.memory_space<hbm>>) dst(%arg6 : memref<128xi32, #tpu.memory_space<vmem>>)
    %dma_wait3A_52 = arith.constant 0 : i32
    %dma_wait3A_53 = tpu.memref_slice %arg4[%add3A, %rem3A_46, %dma_wait3A_52] : memref<32x80x128xi32, #tpu.memory_space<hbm>> -> memref<1x1x128xi32, #tpu.memory_space<hbm>>
    %dma_wait3A_54 = tpu.memref_squeeze %dma_wait3A_53 : memref<1x1x128xi32, #tpu.memory_space<hbm>> -> memref<128xi32, #tpu.memory_space<hbm>>
    %dma_wait3A_55 = arith.constant 0 : i32
    %dma_wait3A_56 = tpu.memref_slice %arg4[%add3A, %rem3A_46, %dma_wait3A_55] : memref<32x80x128xi32, #tpu.memory_space<hbm>> -> memref<1x1x128xi32, #tpu.memory_space<hbm>>
    %dma_wait3A_57 = tpu.memref_squeeze %dma_wait3A_56 : memref<1x1x128xi32, #tpu.memory_space<hbm>> -> memref<128xi32, #tpu.memory_space<hbm>>
    tpu.wait_dma2 semaphore(%arg13 : memref<!tpu.dma_semaphore, #tpu.memory_space<semaphore_mem>>) src(%dma_wait3A_57 : memref<128xi32, #tpu.memory_space<hbm>>) dst(%arg8 : memref<128xi32, #tpu.memory_space<vmem>>)
    %dma_start3A_58 = arith.constant 0 : i32
    %dma_start3A_59 = arith.constant 0 : i32
    %dma_start3A_60 = tpu.memref_slice %arg2[%dma_start3A_58, %dma_start3A_59] : memref<10240x128xf32, #tpu.memory_space<hbm>> -> memref<10240x128xf32, #tpu.memory_space<hbm>>
    tpu.enqueue_indirect_dma source(%dma_start3A_60 : memref<10240x128xf32, #tpu.memory_space<hbm>>) target(%arg10 : memref<128x128xf32, #tpu.memory_space<vmem>>) offsets(%arg6 : memref<128xi32, #tpu.memory_space<vmem>>) semaphore(%arg14 : memref<!tpu.dma_semaphore, #tpu.memory_space<semaphore_mem>>)
    %scan3A_61 = arith.constant 0 : i32
    %scan3A_62 = arith.constant 0 : i32
    %scan3A_63 = arith.constant 40 : i32
    %scan3A_64 = arith.addi %scan3A_62, %scan3A_63 : i32
    %scan3A_65 = arith.constant 1 : i32
    %scan3A_66 = scf.for %scan3A_87 = %scan3A_62 to %scan3A_64 step %scan3A_65 iter_args(%scan3A_88 = %scan3A_61) -> (i32)  : i32 {
      %mul3A_89 = arith.constant 2 : i32
      %mul3A_90 = arith.muli %scan3A_87, %mul3A_89 : i32
      %add3A_91 = arith.constant 0 : i32
      %add3A_92 = arith.addi %mul3A_90, %add3A_91 : i32
      %dma_wait3A_93 = arith.constant 0 : i32
      %dma_wait3A_94 = arith.constant 0 : i32
      %dma_wait3A_95 = tpu.memref_slice %arg2[%dma_wait3A_93, %dma_wait3A_94] : memref<10240x128xf32, #tpu.memory_space<hbm>> -> memref<10240x128xf32, #tpu.memory_space<hbm>>
      tpu.wait_indirect_dma semaphore(%arg14 : memref<!tpu.dma_semaphore, #tpu.memory_space<semaphore_mem>>) src(%dma_wait3A_95 : memref<10240x128xf32, #tpu.memory_space<hbm>>) dst(%arg10 : memref<128x128xf32, #tpu.memory_space<vmem>>)
      %add3A_96 = arith.constant 1 : i32
      %add3A_97 = arith.addi %add3A_92, %add3A_96 : i32
      %rem3A_98 = arith.constant 80 : i32
      %rem3A_99 = arith.remsi %add3A_97, %rem3A_98 : i32
      %dma_wait3A_100 = arith.constant 0 : i32
      %dma_wait3A_101 = tpu.memref_slice %arg3[%add3A, %rem3A_99, %dma_wait3A_100] : memref<32x80x128xi32, #tpu.memory_space<hbm>> -> memref<1x1x128xi32, #tpu.memory_space<hbm>>
      %dma_wait3A_102 = tpu.memref_squeeze %dma_wait3A_101 : memref<1x1x128xi32, #tpu.memory_space<hbm>> -> memref<128xi32, #tpu.memory_space<hbm>>
      %dma_wait3A_103 = arith.constant 0 : i32
      %dma_wait3A_104 = tpu.memref_slice %arg3[%add3A, %rem3A_99, %dma_wait3A_103] : memref<32x80x128xi32, #tpu.memory_space<hbm>> -> memref<1x1x128xi32, #tpu.memory_space<hbm>>
      %dma_wait3A_105 = tpu.memref_squeeze %dma_wait3A_104 : memref<1x1x128xi32, #tpu.memory_space<hbm>> -> memref<128xi32, #tpu.memory_space<hbm>>
      tpu.wait_dma2 semaphore(%arg13 : memref<!tpu.dma_semaphore, #tpu.memory_space<semaphore_mem>>) src(%dma_wait3A_105 : memref<128xi32, #tpu.memory_space<hbm>>) dst(%arg7 : memref<128xi32, #tpu.memory_space<vmem>>)
      %dma_wait3A_106 = arith.constant 0 : i32
      %dma_wait3A_107 = tpu.memref_slice %arg4[%add3A, %rem3A_99, %dma_wait3A_106] : memref<32x80x128xi32, #tpu.memory_space<hbm>> -> memref<1x1x128xi32, #tpu.memory_space<hbm>>
      %dma_wait3A_108 = tpu.memref_squeeze %dma_wait3A_107 : memref<1x1x128xi32, #tpu.memory_space<hbm>> -> memref<128xi32, #tpu.memory_space<hbm>>
      %dma_wait3A_109 = arith.constant 0 : i32
      %dma_wait3A_110 = tpu.memref_slice %arg4[%add3A, %rem3A_99, %dma_wait3A_109] : memref<32x80x128xi32, #tpu.memory_space<hbm>> -> memref<1x1x128xi32, #tpu.memory_space<hbm>>
      %dma_wait3A_111 = tpu.memref_squeeze %dma_wait3A_110 : memref<1x1x128xi32, #tpu.memory_space<hbm>> -> memref<128xi32, #tpu.memory_space<hbm>>
      tpu.wait_dma2 semaphore(%arg13 : memref<!tpu.dma_semaphore, #tpu.memory_space<semaphore_mem>>) src(%dma_wait3A_111 : memref<128xi32, #tpu.memory_space<hbm>>) dst(%arg9 : memref<128xi32, #tpu.memory_space<vmem>>)
      %dma_start3A_112 = arith.constant 0 : i32
      %dma_start3A_113 = arith.constant 0 : i32
      %dma_start3A_114 = tpu.memref_slice %arg2[%dma_start3A_112, %dma_start3A_113] : memref<10240x128xf32, #tpu.memory_space<hbm>> -> memref<10240x128xf32, #tpu.memory_space<hbm>>
      tpu.enqueue_indirect_dma source(%dma_start3A_114 : memref<10240x128xf32, #tpu.memory_space<hbm>>) target(%arg11 : memref<128x128xf32, #tpu.memory_space<vmem>>) offsets(%arg7 : memref<128xi32, #tpu.memory_space<vmem>>) semaphore(%arg14 : memref<!tpu.dma_semaphore, #tpu.memory_space<semaphore_mem>>)
      "tpu.region"() ({
        %run_scoped3A = tpu.sem_alloc : memref<!tpu.dma_semaphore, #tpu.memory_space<semaphore_mem>>
        %dma_start3A_174 = arith.constant 0 : i32
        %dma_start3A_175 = arith.constant 0 : i32
        %dma_start3A_176 = tpu.memref_slice %arg12[%dma_start3A_174, %dma_start3A_175] : memref<10240x128xf32, #tpu.memory_space<vmem_shared>> -> memref<10240x128xf32, #tpu.memory_space<vmem_shared>>
        tpu.enqueue_indirect_dma source(%arg10 : memref<128x128xf32, #tpu.memory_space<vmem>>) target(%dma_start3A_176 : memref<10240x128xf32, #tpu.memory_space<vmem_shared>>) offsets(%arg8 : memref<128xi32, #tpu.memory_space<vmem>>) semaphore(%run_scoped3A : memref<!tpu.dma_semaphore, #tpu.memory_space<semaphore_mem>>) {add = true}
        %dma_wait3A_177 = arith.constant 0 : i32
        %dma_wait3A_178 = arith.constant 0 : i32
        %dma_wait3A_179 = tpu.memref_slice %arg12[%dma_wait3A_177, %dma_wait3A_178] : memref<10240x128xf32, #tpu.memory_space<vmem_shared>> -> memref<10240x128xf32, #tpu.memory_space<vmem_shared>>
        tpu.wait_indirect_dma semaphore(%run_scoped3A : memref<!tpu.dma_semaphore, #tpu.memory_space<semaphore_mem>>) src(%arg10 : memref<128x128xf32, #tpu.memory_space<vmem>>) dst(%dma_wait3A_179 : memref<10240x128xf32, #tpu.memory_space<vmem_shared>>)
        tpu.yield
      }) : () -> ()
      %add3A_115 = arith.constant 2 : i32
      %add3A_116 = arith.addi %add3A_92, %add3A_115 : i32
      %rem3A_117 = arith.constant 80 : i32
      %rem3A_118 = arith.remsi %add3A_116, %rem3A_117 : i32
      %dma_start3A_119 = arith.constant 0 : i32
      %dma_start3A_120 = tpu.memref_slice %arg3[%add3A, %rem3A_118, %dma_start3A_119] : memref<32x80x128xi32, #tpu.memory_space<hbm>> -> memref<1x1x128xi32, #tpu.memory_space<hbm>>
      %dma_start3A_121 = tpu.memref_squeeze %dma_start3A_120 : memref<1x1x128xi32, #tpu.memory_space<hbm>> -> memref<128xi32, #tpu.memory_space<hbm>>
      %dma_start3A_122 = arith.constant 0 : i32
      %dma_start3A_123 = tpu.memref_slice %arg3[%add3A, %rem3A_118, %dma_start3A_122] : memref<32x80x128xi32, #tpu.memory_space<hbm>> -> memref<1x1x128xi32, #tpu.memory_space<hbm>>
      %dma_start3A_124 = tpu.memref_squeeze %dma_start3A_123 : memref<1x1x128xi32, #tpu.memory_space<hbm>> -> memref<128xi32, #tpu.memory_space<hbm>>
      tpu.enqueue_dma source(%dma_start3A_124 : memref<128xi32, #tpu.memory_space<hbm>>) target(%arg6 : memref<128xi32, #tpu.memory_space<vmem>>) target_semaphore(%arg13 : memref<!tpu.dma_semaphore, #tpu.memory_space<semaphore_mem>>)
      %dma_start3A_125 = arith.constant 0 : i32
      %dma_start3A_126 = tpu.memref_slice %arg4[%add3A, %rem3A_118, %dma_start3A_125] : memref<32x80x128xi32, #tpu.memory_space<hbm>> -> memref<1x1x128xi32, #tpu.memory_space<hbm>>
      %dma_start3A_127 = tpu.memref_squeeze %dma_start3A_126 : memref<1x1x128xi32, #tpu.memory_space<hbm>> -> memref<128xi32, #tpu.memory_space<hbm>>
      %dma_start3A_128 = arith.constant 0 : i32
      %dma_start3A_129 = tpu.memref_slice %arg4[%add3A, %rem3A_118, %dma_start3A_128] : memref<32x80x128xi32, #tpu.memory_space<hbm>> -> memref<1x1x128xi32, #tpu.memory_space<hbm>>
      %dma_start3A_130 = tpu.memref_squeeze %dma_start3A_129 : memref<1x1x128xi32, #tpu.memory_space<hbm>> -> memref<128xi32, #tpu.memory_space<hbm>>
      tpu.enqueue_dma source(%dma_start3A_130 : memref<128xi32, #tpu.memory_space<hbm>>) target(%arg8 : memref<128xi32, #tpu.memory_space<vmem>>) target_semaphore(%arg13 : memref<!tpu.dma_semaphore, #tpu.memory_space<semaphore_mem>>)
      %mul3A_131 = arith.constant 2 : i32
      %mul3A_132 = arith.muli %scan3A_87, %mul3A_131 : i32
      %add3A_133 = arith.constant 1 : i32
      %add3A_134 = arith.addi %mul3A_132, %add3A_133 : i32
      %dma_wait3A_135 = arith.constant 0 : i32
      %dma_wait3A_136 = arith.constant 0 : i32
      %dma_wait3A_137 = tpu.memref_slice %arg2[%dma_wait3A_135, %dma_wait3A_136] : memref<10240x128xf32, #tpu.memory_space<hbm>> -> memref<10240x128xf32, #tpu.memory_space<hbm>>
      tpu.wait_indirect_dma semaphore(%arg14 : memref<!tpu.dma_semaphore, #tpu.memory_space<semaphore_mem>>) src(%dma_wait3A_137 : memref<10240x128xf32, #tpu.memory_space<hbm>>) dst(%arg11 : memref<128x128xf32, #tpu.memory_space<vmem>>)
      %add3A_138 = arith.constant 1 : i32
      %add3A_139 = arith.addi %add3A_134, %add3A_138 : i32
      %rem3A_140 = arith.constant 80 : i32
      %rem3A_141 = arith.remsi %add3A_139, %rem3A_140 : i32
      %dma_wait3A_142 = arith.constant 0 : i32
      %dma_wait3A_143 = tpu.memref_slice %arg3[%add3A, %rem3A_141, %dma_wait3A_142] : memref<32x80x128xi32, #tpu.memory_space<hbm>> -> memref<1x1x128xi32, #tpu.memory_space<hbm>>
      %dma_wait3A_144 = tpu.memref_squeeze %dma_wait3A_143 : memref<1x1x128xi32, #tpu.memory_space<hbm>> -> memref<128xi32, #tpu.memory_space<hbm>>
      %dma_wait3A_145 = arith.constant 0 : i32
      %dma_wait3A_146 = tpu.memref_slice %arg3[%add3A, %rem3A_141, %dma_wait3A_145] : memref<32x80x128xi32, #tpu.memory_space<hbm>> -> memref<1x1x128xi32, #tpu.memory_space<hbm>>
      %dma_wait3A_147 = tpu.memref_squeeze %dma_wait3A_146 : memref<1x1x128xi32, #tpu.memory_space<hbm>> -> memref<128xi32, #tpu.memory_space<hbm>>
      tpu.wait_dma2 semaphore(%arg13 : memref<!tpu.dma_semaphore, #tpu.memory_space<semaphore_mem>>) src(%dma_wait3A_147 : memref<128xi32, #tpu.memory_space<hbm>>) dst(%arg6 : memref<128xi32, #tpu.memory_space<vmem>>)
      %dma_wait3A_148 = arith.constant 0 : i32
      %dma_wait3A_149 = tpu.memref_slice %arg4[%add3A, %rem3A_141, %dma_wait3A_148] : memref<32x80x128xi32, #tpu.memory_space<hbm>> -> memref<1x1x128xi32, #tpu.memory_space<hbm>>
      %dma_wait3A_150 = tpu.memref_squeeze %dma_wait3A_149 : memref<1x1x128xi32, #tpu.memory_space<hbm>> -> memref<128xi32, #tpu.memory_space<hbm>>
      %dma_wait3A_151 = arith.constant 0 : i32
      %dma_wait3A_152 = tpu.memref_slice %arg4[%add3A, %rem3A_141, %dma_wait3A_151] : memref<32x80x128xi32, #tpu.memory_space<hbm>> -> memref<1x1x128xi32, #tpu.memory_space<hbm>>
      %dma_wait3A_153 = tpu.memref_squeeze %dma_wait3A_152 : memref<1x1x128xi32, #tpu.memory_space<hbm>> -> memref<128xi32, #tpu.memory_space<hbm>>
      tpu.wait_dma2 semaphore(%arg13 : memref<!tpu.dma_semaphore, #tpu.memory_space<semaphore_mem>>) src(%dma_wait3A_153 : memref<128xi32, #tpu.memory_space<hbm>>) dst(%arg8 : memref<128xi32, #tpu.memory_space<vmem>>)
      %dma_start3A_154 = arith.constant 0 : i32
      %dma_start3A_155 = arith.constant 0 : i32
      %dma_start3A_156 = tpu.memref_slice %arg2[%dma_start3A_154, %dma_start3A_155] : memref<10240x128xf32, #tpu.memory_space<hbm>> -> memref<10240x128xf32, #tpu.memory_space<hbm>>
      tpu.enqueue_indirect_dma source(%dma_start3A_156 : memref<10240x128xf32, #tpu.memory_space<hbm>>) target(%arg10 : memref<128x128xf32, #tpu.memory_space<vmem>>) offsets(%arg6 : memref<128xi32, #tpu.memory_space<vmem>>) semaphore(%arg14 : memref<!tpu.dma_semaphore, #tpu.memory_space<semaphore_mem>>)
      "tpu.region"() ({
        %run_scoped3A = tpu.sem_alloc : memref<!tpu.dma_semaphore, #tpu.memory_space<semaphore_mem>>
        %dma_start3A_174 = arith.constant 0 : i32
        %dma_start3A_175 = arith.constant 0 : i32
        %dma_start3A_176 = tpu.memref_slice %arg12[%dma_start3A_174, %dma_start3A_175] : memref<10240x128xf32, #tpu.memory_space<vmem_shared>> -> memref<10240x128xf32, #tpu.memory_space<vmem_shared>>
        tpu.enqueue_indirect_dma source(%arg11 : memref<128x128xf32, #tpu.memory_space<vmem>>) target(%dma_start3A_176 : memref<10240x128xf32, #tpu.memory_space<vmem_shared>>) offsets(%arg9 : memref<128xi32, #tpu.memory_space<vmem>>) semaphore(%run_scoped3A : memref<!tpu.dma_semaphore, #tpu.memory_space<semaphore_mem>>) {add = true}
        %dma_wait3A_177 = arith.constant 0 : i32
        %dma_wait3A_178 = arith.constant 0 : i32
        %dma_wait3A_179 = tpu.memref_slice %arg12[%dma_wait3A_177, %dma_wait3A_178] : memref<10240x128xf32, #tpu.memory_space<vmem_shared>> -> memref<10240x128xf32, #tpu.memory_space<vmem_shared>>
        tpu.wait_indirect_dma semaphore(%run_scoped3A : memref<!tpu.dma_semaphore, #tpu.memory_space<semaphore_mem>>) src(%arg11 : memref<128x128xf32, #tpu.memory_space<vmem>>) dst(%dma_wait3A_179 : memref<10240x128xf32, #tpu.memory_space<vmem_shared>>)
        tpu.yield
      }) : () -> ()
      %add3A_157 = arith.constant 2 : i32
      %add3A_158 = arith.addi %add3A_134, %add3A_157 : i32
      %rem3A_159 = arith.constant 80 : i32
      %rem3A_160 = arith.remsi %add3A_158, %rem3A_159 : i32
      %dma_start3A_161 = arith.constant 0 : i32
      %dma_start3A_162 = tpu.memref_slice %arg3[%add3A, %rem3A_160, %dma_start3A_161] : memref<32x80x128xi32, #tpu.memory_space<hbm>> -> memref<1x1x128xi32, #tpu.memory_space<hbm>>
      %dma_start3A_163 = tpu.memref_squeeze %dma_start3A_162 : memref<1x1x128xi32, #tpu.memory_space<hbm>> -> memref<128xi32, #tpu.memory_space<hbm>>
      %dma_start3A_164 = arith.constant 0 : i32
      %dma_start3A_165 = tpu.memref_slice %arg3[%add3A, %rem3A_160, %dma_start3A_164] : memref<32x80x128xi32, #tpu.memory_space<hbm>> -> memref<1x1x128xi32, #tpu.memory_space<hbm>>
      %dma_start3A_166 = tpu.memref_squeeze %dma_start3A_165 : memref<1x1x128xi32, #tpu.memory_space<hbm>> -> memref<128xi32, #tpu.memory_space<hbm>>
      tpu.enqueue_dma source(%dma_start3A_166 : memref<128xi32, #tpu.memory_space<hbm>>) target(%arg7 : memref<128xi32, #tpu.memory_space<vmem>>) target_semaphore(%arg13 : memref<!tpu.dma_semaphore, #tpu.memory_space<semaphore_mem>>)
      %dma_start3A_167 = arith.constant 0 : i32
      %dma_start3A_168 = tpu.memref_slice %arg4[%add3A, %rem3A_160, %dma_start3A_167] : memref<32x80x128xi32, #tpu.memory_space<hbm>> -> memref<1x1x128xi32, #tpu.memory_space<hbm>>
      %dma_start3A_169 = tpu.memref_squeeze %dma_start3A_168 : memref<1x1x128xi32, #tpu.memory_space<hbm>> -> memref<128xi32, #tpu.memory_space<hbm>>
      %dma_start3A_170 = arith.constant 0 : i32
      %dma_start3A_171 = tpu.memref_slice %arg4[%add3A, %rem3A_160, %dma_start3A_170] : memref<32x80x128xi32, #tpu.memory_space<hbm>> -> memref<1x1x128xi32, #tpu.memory_space<hbm>>
      %dma_start3A_172 = tpu.memref_squeeze %dma_start3A_171 : memref<1x1x128xi32, #tpu.memory_space<hbm>> -> memref<128xi32, #tpu.memory_space<hbm>>
      tpu.enqueue_dma source(%dma_start3A_172 : memref<128xi32, #tpu.memory_space<hbm>>) target(%arg9 : memref<128xi32, #tpu.memory_space<vmem>>) target_semaphore(%arg13 : memref<!tpu.dma_semaphore, #tpu.memory_space<semaphore_mem>>)
      %scan3A_173 = arith.constant 0 : i32
      scf.yield %scan3A_173 : i32
    }
    %scan3A_67 = arith.constant 40 : i32
    %dma_wait3A_68 = arith.constant 0 : i32
    %dma_wait3A_69 = arith.constant 0 : i32
    %dma_wait3A_70 = tpu.memref_slice %arg2[%dma_wait3A_68, %dma_wait3A_69] : memref<10240x128xf32, #tpu.memory_space<hbm>> -> memref<10240x128xf32, #tpu.memory_space<hbm>>
    tpu.wait_indirect_dma semaphore(%arg14 : memref<!tpu.dma_semaphore, #tpu.memory_space<semaphore_mem>>) src(%dma_wait3A_70 : memref<10240x128xf32, #tpu.memory_space<hbm>>) dst(%arg10 : memref<128x128xf32, #tpu.memory_space<vmem>>)
    %rem3A_71 = arith.constant 81 : i32
    %rem3A_72 = arith.constant 80 : i32
    %rem3A_73 = arith.remsi %rem3A_71, %rem3A_72 : i32
    %dma_wait3A_74 = arith.constant 0 : i32
    %dma_wait3A_75 = tpu.memref_slice %arg3[%add3A, %rem3A_73, %dma_wait3A_74] : memref<32x80x128xi32, #tpu.memory_space<hbm>> -> memref<1x1x128xi32, #tpu.memory_space<hbm>>
    %dma_wait3A_76 = tpu.memref_squeeze %dma_wait3A_75 : memref<1x1x128xi32, #tpu.memory_space<hbm>> -> memref<128xi32, #tpu.memory_space<hbm>>
    %dma_wait3A_77 = arith.constant 0 : i32
    %dma_wait3A_78 = tpu.memref_slice %arg3[%add3A, %rem3A_73, %dma_wait3A_77] : memref<32x80x128xi32, #tpu.memory_space<hbm>> -> memref<1x1x128xi32, #tpu.memory_space<hbm>>
    %dma_wait3A_79 = tpu.memref_squeeze %dma_wait3A_78 : memref<1x1x128xi32, #tpu.memory_space<hbm>> -> memref<128xi32, #tpu.memory_space<hbm>>
    tpu.wait_dma2 semaphore(%arg13 : memref<!tpu.dma_semaphore, #tpu.memory_space<semaphore_mem>>) src(%dma_wait3A_79 : memref<128xi32, #tpu.memory_space<hbm>>) dst(%arg7 : memref<128xi32, #tpu.memory_space<vmem>>)
    %dma_wait3A_80 = arith.constant 0 : i32
    %dma_wait3A_81 = tpu.memref_slice %arg4[%add3A, %rem3A_73, %dma_wait3A_80] : memref<32x80x128xi32, #tpu.memory_space<hbm>> -> memref<1x1x128xi32, #tpu.memory_space<hbm>>
    %dma_wait3A_82 = tpu.memref_squeeze %dma_wait3A_81 : memref<1x1x128xi32, #tpu.memory_space<hbm>> -> memref<128xi32, #tpu.memory_space<hbm>>
    %dma_wait3A_83 = arith.constant 0 : i32
    %dma_wait3A_84 = tpu.memref_slice %arg4[%add3A, %rem3A_73, %dma_wait3A_83] : memref<32x80x128xi32, #tpu.memory_space<hbm>> -> memref<1x1x128xi32, #tpu.memory_space<hbm>>
    %dma_wait3A_85 = tpu.memref_squeeze %dma_wait3A_84 : memref<1x1x128xi32, #tpu.memory_space<hbm>> -> memref<128xi32, #tpu.memory_space<hbm>>
    tpu.wait_dma2 semaphore(%arg13 : memref<!tpu.dma_semaphore, #tpu.memory_space<semaphore_mem>>) src(%dma_wait3A_85 : memref<128xi32, #tpu.memory_space<hbm>>) dst(%arg9 : memref<128xi32, #tpu.memory_space<vmem>>)
    %barrier3A_86 = arith.constant 0 : index
    tpu.barrier barrier_id(%barrier3A_86)
    "tpu.region"() ({
      %run_scoped3A = tpu.sem_alloc : memref<!tpu.dma_semaphore, #tpu.memory_space<semaphore_mem>>
      %dma_start3A_87 = arith.constant 0 : i32
      %dma_start3A_88 = tpu.memref_slice %arg5[%arg0, %mul3A_36, %dma_start3A_87] : memref<2x10240x128xf32, #tpu.memory_space<hbm>> -> memref<1x640x128xf32, #tpu.memory_space<hbm>>
      %dma_start3A_89 = tpu.memref_squeeze %dma_start3A_88 : memref<1x640x128xf32, #tpu.memory_space<hbm>> -> memref<640x128xf32, #tpu.memory_space<hbm>>
      %dma_start3A_90 = arith.constant 0 : i32
      %dma_start3A_91 = tpu.memref_slice %arg12[%mul3A_36, %dma_start3A_90] : memref<10240x128xf32, #tpu.memory_space<vmem_shared>> -> memref<640x128xf32, #tpu.memory_space<vmem_shared>>
      tpu.enqueue_dma source(%dma_start3A_91 : memref<640x128xf32, #tpu.memory_space<vmem_shared>>) target(%dma_start3A_89 : memref<640x128xf32, #tpu.memory_space<hbm>>) target_semaphore(%run_scoped3A : memref<!tpu.dma_semaphore, #tpu.memory_space<semaphore_mem>>)
      %dma_wait3A_92 = arith.constant 0 : i32
      %dma_wait3A_93 = tpu.memref_slice %arg5[%arg0, %mul3A_36, %dma_wait3A_92] : memref<2x10240x128xf32, #tpu.memory_space<hbm>> -> memref<1x640x128xf32, #tpu.memory_space<hbm>>
      %dma_wait3A_94 = tpu.memref_squeeze %dma_wait3A_93 : memref<1x640x128xf32, #tpu.memory_space<hbm>> -> memref<640x128xf32, #tpu.memory_space<hbm>>
      %dma_wait3A_95 = arith.constant 0 : i32
      %dma_wait3A_96 = tpu.memref_slice %arg12[%mul3A_36, %dma_wait3A_95] : memref<10240x128xf32, #tpu.memory_space<vmem_shared>> -> memref<640x128xf32, #tpu.memory_space<vmem_shared>>
      tpu.wait_dma2 semaphore(%run_scoped3A : memref<!tpu.dma_semaphore, #tpu.memory_space<semaphore_mem>>) src(%dma_wait3A_96 : memref<640x128xf32, #tpu.memory_space<vmem_shared>>) dst(%dma_wait3A_94 : memref<640x128xf32, #tpu.memory_space<hbm>>)
      tpu.yield
    }) : () -> ()
    return
  }
}

module attributes {stable_mosaic.version = 14 : i64} {
  func.func @_prep_body(%arg0: i32, %arg1: memref<1024x2xf32, #tpu.memory_space<vmem>>, %arg2: memref<1024x128xf32, #tpu.memory_space<vmem>>, %arg3: memref<1024x128xf32, #tpu.memory_space<vmem>>) attributes {dimension_semantics = [#tpu.dimension_semantics<arbitrary>], iteration_bounds = array<i64: 10>, scalar_prefetch = 0 : i64, scratch_operands = 0 : i64, tpu.core_type = #tpu.core_type<tc>, window_params = [{transform_indices = @transform_0, window_bounds = array<i64: 1024, 2>}, {transform_indices = @transform_1, window_bounds = array<i64: 1024, 128>}, {transform_indices = @transform_2, window_bounds = array<i64: 1024, 128>}]} {
    %get3A = arith.constant 0 : index
    %get3A_0 = arith.constant 0 : index
    %get3A_1 = vector.load %arg1[%get3A, %get3A_0] : memref<1024x2xf32, #tpu.memory_space<vmem>>, vector<1024x2xf32>
    %slice3A = vector.extract_strided_slice %get3A_1 {offsets = [0, 0], sizes = [1024, 1], strides = [1, 1]} : vector<1024x2xf32> to vector<1024x1xf32>
    %slice3A_2 = vector.extract_strided_slice %get3A_1 {offsets = [0, 1], sizes = [1024, 1], strides = [1, 1]} : vector<1024x2xf32> to vector<1024x1xf32>
    %add3A = arith.addf %slice3A, %slice3A_2 : vector<1024x1xf32>
    %max3A = arith.constant 1.000000e+00 : f32
    %max3A_3 = vector.broadcast %max3A : f32 to vector<1024x1xf32>
    %max3A_4 = arith.maximumf %add3A, %max3A_3 : vector<1024x1xf32>
    %rsqrt3A = math.rsqrt %max3A_4 : vector<1024x1xf32>
    %mul3A = arith.constant 1024 : i32
    %mul3A_5 = arith.muli %arg0, %mul3A : i32
    %iota3A = tpu.iota {dimensions = array<i32: 0>} : vector<1024x1xi32>
    %add3A_6 = vector.broadcast %mul3A_5 : i32 to vector<1024x1xi32>
    %add3A_7 = arith.addi %add3A_6, %iota3A : vector<1024x1xi32>
    %lt3A = arith.constant 10000 : i32
    %lt3A_8 = vector.broadcast %lt3A : i32 to vector<1024x1xi32>
    %lt3A_9 = arith.cmpi slt, %add3A_7, %lt3A_8 : vector<1024x1xi32>
    %get3A_10 = arith.constant 0 : index
    %get3A_11 = arith.constant 0 : index
    %get3A_12 = vector.load %arg2[%get3A_10, %get3A_11] : memref<1024x128xf32, #tpu.memory_space<vmem>>, vector<1024x128xf32>
    %mul3A_13 = vector.broadcast %rsqrt3A : vector<1024x1xf32> to vector<1024x128xf32>
    %mul3A_14 = arith.mulf %get3A_12, %mul3A_13 : vector<1024x128xf32>
    %jit3A = arith.constant 0.000000e+00 : f32
    %broadcast_in_dim3A = vector.shape_cast %lt3A_9 : vector<1024x1xi1> to vector<1024x1xi1>
    %broadcast_in_dim3A_15 = vector.broadcast %broadcast_in_dim3A : vector<1024x1xi1> to vector<1024x128xi1>
    %broadcast_in_dim3A_16 = vector.broadcast %jit3A : f32 to vector<1024x128xf32>
    %select_n3A = arith.select %broadcast_in_dim3A_15, %mul3A_14, %broadcast_in_dim3A_16 : vector<1024x128xi1>, vector<1024x128xf32>
    %swap3A = arith.constant 0 : index
    %swap3A_17 = arith.constant 0 : index
    %swap3A_18 = vector.load %arg3[%swap3A, %swap3A_17] : memref<1024x128xf32, #tpu.memory_space<vmem>>, vector<1024x128xf32>
    tpu.vector_store %arg3[%swap3A, %swap3A_17], %select_n3A {strides = array<i32>} : memref<1024x128xf32, #tpu.memory_space<vmem>>, vector<1024x128xf32>,
    return
  }
  func.func @transform_0(%arg0: i32) -> (i32, i32) {
    %c0_i32 = arith.constant 0 : i32
    %c0_i32_0 = arith.constant 0 : i32
    return %arg0, %c0_i32 : i32, i32
  }
  func.func @transform_1(%arg0: i32) -> (i32, i32) {
    %c0_i32 = arith.constant 0 : i32
    %c0_i32_0 = arith.constant 0 : i32
    return %arg0, %c0_i32 : i32, i32
  }
  func.func @transform_2(%arg0: i32) -> (i32, i32) {
    %c0_i32 = arith.constant 0 : i32
    %c0_i32_0 = arith.constant 0 : i32
    return %arg0, %c0_i32 : i32, i32
  }
}

module attributes {stable_mosaic.version = 14 : i64} {
  func.func @_l1_body(%arg0: i32, %arg1: memref<2x1024x128xf32, #tpu.memory_space<vmem>>, %arg2: memref<1024x2xf32, #tpu.memory_space<vmem>>, %arg3: memref<1024x2xf32, #tpu.memory_space<vmem>>, %arg4: memref<128x128xf32, #tpu.memory_space<vmem>>, %arg5: memref<1x128xf32, #tpu.memory_space<vmem>>, %arg6: memref<1024x128xf32, #tpu.memory_space<vmem>>) attributes {dimension_semantics = [#tpu.dimension_semantics<arbitrary>], iteration_bounds = array<i64: 10>, scalar_prefetch = 0 : i64, scratch_operands = 0 : i64, tpu.core_type = #tpu.core_type<tc>, window_params = [{transform_indices = @transform_0, window_bounds = array<i64: 2, 1024, 128>}, {transform_indices = @transform_1, window_bounds = array<i64: 1024, 2>}, {transform_indices = @transform_2, window_bounds = array<i64: 1024, 2>}, {pipeline_mode = #tpu.pipeline_mode<synchronous>, transform_indices = @transform_3, window_bounds = array<i64: 128, 128>}, {pipeline_mode = #tpu.pipeline_mode<synchronous>, transform_indices = @transform_4, window_bounds = array<i64: 1, 128>}, {transform_indices = @transform_5, window_bounds = array<i64: 1024, 128>}]} {
    %get3A = arith.constant 0 : index
    %get3A_0 = arith.constant 0 : index
    %get3A_1 = arith.constant 0 : index
    %get3A_2 = vector.load %arg1[%get3A, %get3A_0, %get3A_1] : memref<2x1024x128xf32, #tpu.memory_space<vmem>>, vector<1x1024x128xf32>
    %get3A_3 = vector.shape_cast %get3A_2 : vector<1x1024x128xf32> to vector<1024x128xf32>
    %get3A_4 = arith.constant 1 : index
    %get3A_5 = arith.constant 0 : index
    %get3A_6 = arith.constant 0 : index
    %get3A_7 = vector.load %arg1[%get3A_4, %get3A_5, %get3A_6] : memref<2x1024x128xf32, #tpu.memory_space<vmem>>, vector<1x1024x128xf32>
    %get3A_8 = vector.shape_cast %get3A_7 : vector<1x1024x128xf32> to vector<1024x128xf32>
    %add3A = arith.addf %get3A_3, %get3A_8 : vector<1024x128xf32>
    %get3A_9 = arith.constant 0 : index
    %get3A_10 = arith.constant 0 : index
    %get3A_11 = vector.load %arg2[%get3A_9, %get3A_10] : memref<1024x2xf32, #tpu.memory_space<vmem>>, vector<1024x2xf32>
    %get3A_12 = arith.constant 0 : index
    %get3A_13 = arith.constant 0 : index
    %get3A_14 = vector.load %arg3[%get3A_12, %get3A_13] : memref<1024x2xf32, #tpu.memory_space<vmem>>, vector<1024x2xf32>
    %slice3A = vector.extract_strided_slice %get3A_11 {offsets = [0, 0], sizes = [1024, 1], strides = [1, 1]} : vector<1024x2xf32> to vector<1024x1xf32>
    %slice3A_15 = vector.extract_strided_slice %get3A_11 {offsets = [0, 1], sizes = [1024, 1], strides = [1, 1]} : vector<1024x2xf32> to vector<1024x1xf32>
    %add3A_16 = arith.addf %slice3A, %slice3A_15 : vector<1024x1xf32>
    %max3A = arith.constant 1.000000e+00 : f32
    %max3A_17 = vector.broadcast %max3A : f32 to vector<1024x1xf32>
    %max3A_18 = arith.maximumf %add3A_16, %max3A_17 : vector<1024x1xf32>
    %rsqrt3A = math.rsqrt %max3A_18 : vector<1024x1xf32>
    %slice3A_19 = vector.extract_strided_slice %get3A_14 {offsets = [0, 0], sizes = [1024, 1], strides = [1, 1]} : vector<1024x2xf32> to vector<1024x1xf32>
    %slice3A_20 = vector.extract_strided_slice %get3A_14 {offsets = [0, 1], sizes = [1024, 1], strides = [1, 1]} : vector<1024x2xf32> to vector<1024x1xf32>
    %add3A_21 = arith.addf %slice3A_19, %slice3A_20 : vector<1024x1xf32>
    %max3A_22 = arith.constant 1.000000e+00 : f32
    %max3A_23 = vector.broadcast %max3A_22 : f32 to vector<1024x1xf32>
    %max3A_24 = arith.maximumf %add3A_21, %max3A_23 : vector<1024x1xf32>
    %rsqrt3A_25 = math.rsqrt %max3A_24 : vector<1024x1xf32>
    %mul3A = vector.broadcast %rsqrt3A : vector<1024x1xf32> to vector<1024x128xf32>
    %mul3A_26 = arith.mulf %add3A, %mul3A : vector<1024x128xf32>
    %get3A_27 = arith.constant 0 : index
    %get3A_28 = arith.constant 0 : index
    %get3A_29 = vector.load %arg4[%get3A_27, %get3A_28] : memref<128x128xf32, #tpu.memory_space<vmem>>, vector<128x128xf32>
    %dot_general3A = arith.constant dense<0.000000e+00> : vector<1024x128xf32>
    %dot_general3A_30 = tpu.matmul %mul3A_26, %get3A_29, %dot_general3A {dimension_numbers = #tpu.dot_dimension_numbers<[1], [0], [0], [1], [0, 0, 1, 1], [], []>, transpose_lhs_hint = false} : vector<1024x128xf32>, vector<128x128xf32>, vector<1024x128xf32> -> vector<1024x128xf32>
    %get3A_31 = arith.constant 0 : index
    %get3A_32 = arith.constant 0 : index
    %get3A_33 = vector.load %arg5[%get3A_31, %get3A_32] : memref<1x128xf32, #tpu.memory_space<vmem>>, vector<1x128xf32>
    %add3A_34 = vector.broadcast %get3A_33 : vector<1x128xf32> to vector<1024x128xf32>
    %add3A_35 = arith.addf %dot_general3A_30, %add3A_34 : vector<1024x128xf32>
    %max3A_36 = arith.constant 0.000000e+00 : f32
    %max3A_37 = vector.broadcast %max3A_36 : f32 to vector<1024x128xf32>
    %max3A_38 = arith.maximumf %add3A_35, %max3A_37 : vector<1024x128xf32>
    %mul3A_39 = vector.broadcast %rsqrt3A_25 : vector<1024x1xf32> to vector<1024x128xf32>
    %mul3A_40 = arith.mulf %max3A_38, %mul3A_39 : vector<1024x128xf32>
    %swap3A = arith.constant 0 : index
    %swap3A_41 = arith.constant 0 : index
    %swap3A_42 = vector.load %arg6[%swap3A, %swap3A_41] : memref<1024x128xf32, #tpu.memory_space<vmem>>, vector<1024x128xf32>
    tpu.vector_store %arg6[%swap3A, %swap3A_41], %mul3A_40 {strides = array<i32>} : memref<1024x128xf32, #tpu.memory_space<vmem>>, vector<1024x128xf32>,
    return
  }
  func.func @transform_0(%arg0: i32) -> (i32, i32, i32) {
    %c0_i32 = arith.constant 0 : i32
    %c0_i32_0 = arith.constant 0 : i32
    %c0_i32_1 = arith.constant 0 : i32
    return %c0_i32, %arg0, %c0_i32_0 : i32, i32, i32
  }
  func.func @transform_1(%arg0: i32) -> (i32, i32) {
    %c0_i32 = arith.constant 0 : i32
    %c0_i32_0 = arith.constant 0 : i32
    return %arg0, %c0_i32 : i32, i32
  }
  func.func @transform_2(%arg0: i32) -> (i32, i32) {
    %c0_i32 = arith.constant 0 : i32
    %c0_i32_0 = arith.constant 0 : i32
    return %arg0, %c0_i32 : i32, i32
  }
  func.func @transform_3(%arg0: i32) -> (i32, i32) {
    %c0_i32 = arith.constant 0 : i32
    %c0_i32_0 = arith.constant 0 : i32
    %c0_i32_1 = arith.constant 0 : i32
    return %c0_i32, %c0_i32_0 : i32, i32
  }
  func.func @transform_4(%arg0: i32) -> (i32, i32) {
    %c0_i32 = arith.constant 0 : i32
    %c0_i32_0 = arith.constant 0 : i32
    %c0_i32_1 = arith.constant 0 : i32
    return %c0_i32, %c0_i32_0 : i32, i32
  }
  func.func @transform_5(%arg0: i32) -> (i32, i32) {
    %c0_i32 = arith.constant 0 : i32
    %c0_i32_0 = arith.constant 0 : i32
    return %arg0, %c0_i32 : i32, i32
  }
}

module attributes {stable_mosaic.version = 14 : i64} {
  func.func @_l2_body(%arg0: i32, %arg1: memref<2x1024x128xf32, #tpu.memory_space<vmem>>, %arg2: memref<1024x2xf32, #tpu.memory_space<vmem>>, %arg3: memref<128x128xf32, #tpu.memory_space<vmem>>, %arg4: memref<1x128xf32, #tpu.memory_space<vmem>>, %arg5: memref<128x128xf32, #tpu.memory_space<vmem>>, %arg6: memref<1x128xf32, #tpu.memory_space<vmem>>, %arg7: memref<1x128xf32, #tpu.memory_space<vmem>>, %arg8: memref<1x128xf32, #tpu.memory_space<vmem>>) attributes {dimension_semantics = [#tpu.dimension_semantics<arbitrary>], iteration_bounds = array<i64: 10>, scalar_prefetch = 0 : i64, scratch_operands = 1 : i64, tpu.core_type = #tpu.core_type<tc>, window_params = [{transform_indices = @transform_0, window_bounds = array<i64: 2, 1024, 128>}, {transform_indices = @transform_1, window_bounds = array<i64: 1024, 2>}, {pipeline_mode = #tpu.pipeline_mode<synchronous>, transform_indices = @transform_2, window_bounds = array<i64: 128, 128>}, {pipeline_mode = #tpu.pipeline_mode<synchronous>, transform_indices = @transform_3, window_bounds = array<i64: 1, 128>}, {pipeline_mode = #tpu.pipeline_mode<synchronous>, transform_indices = @transform_4, window_bounds = array<i64: 128, 128>}, {pipeline_mode = #tpu.pipeline_mode<synchronous>, transform_indices = @transform_5, window_bounds = array<i64: 1, 128>}, {pipeline_mode = #tpu.pipeline_mode<synchronous>, transform_indices = @transform_6, window_bounds = array<i64: 1, 128>}]} {
    %get3A = arith.constant 0 : index
    %get3A_0 = arith.constant 0 : index
    %get3A_1 = arith.constant 0 : index
    %get3A_2 = vector.load %arg1[%get3A, %get3A_0, %get3A_1] : memref<2x1024x128xf32, #tpu.memory_space<vmem>>, vector<1x1024x128xf32>
    %get3A_3 = vector.shape_cast %get3A_2 : vector<1x1024x128xf32> to vector<1024x128xf32>
    %get3A_4 = arith.constant 1 : index
    %get3A_5 = arith.constant 0 : index
    %get3A_6 = arith.constant 0 : index
    %get3A_7 = vector.load %arg1[%get3A_4, %get3A_5, %get3A_6] : memref<2x1024x128xf32, #tpu.memory_space<vmem>>, vector<1x1024x128xf32>
    %get3A_8 = vector.shape_cast %get3A_7 : vector<1x1024x128xf32> to vector<1024x128xf32>
    %add3A = arith.addf %get3A_3, %get3A_8 : vector<1024x128xf32>
    %get3A_9 = arith.constant 0 : index
    %get3A_10 = arith.constant 0 : index
    %get3A_11 = vector.load %arg2[%get3A_9, %get3A_10] : memref<1024x2xf32, #tpu.memory_space<vmem>>, vector<1024x2xf32>
    %slice3A = vector.extract_strided_slice %get3A_11 {offsets = [0, 0], sizes = [1024, 1], strides = [1, 1]} : vector<1024x2xf32> to vector<1024x1xf32>
    %slice3A_12 = vector.extract_strided_slice %get3A_11 {offsets = [0, 1], sizes = [1024, 1], strides = [1, 1]} : vector<1024x2xf32> to vector<1024x1xf32>
    %add3A_13 = arith.addf %slice3A, %slice3A_12 : vector<1024x1xf32>
    %max3A = arith.constant 1.000000e+00 : f32
    %max3A_14 = vector.broadcast %max3A : f32 to vector<1024x1xf32>
    %max3A_15 = arith.maximumf %add3A_13, %max3A_14 : vector<1024x1xf32>
    %rsqrt3A = math.rsqrt %max3A_15 : vector<1024x1xf32>
    %mul3A = vector.broadcast %rsqrt3A : vector<1024x1xf32> to vector<1024x128xf32>
    %mul3A_16 = arith.mulf %add3A, %mul3A : vector<1024x128xf32>
    %get3A_17 = arith.constant 0 : index
    %get3A_18 = arith.constant 0 : index
    %get3A_19 = vector.load %arg3[%get3A_17, %get3A_18] : memref<128x128xf32, #tpu.memory_space<vmem>>, vector<128x128xf32>
    %dot_general3A = arith.constant dense<0.000000e+00> : vector<1024x128xf32>
    %dot_general3A_20 = tpu.matmul %mul3A_16, %get3A_19, %dot_general3A {dimension_numbers = #tpu.dot_dimension_numbers<[1], [0], [0], [1], [0, 0, 1, 1], [], []>, transpose_lhs_hint = false} : vector<1024x128xf32>, vector<128x128xf32>, vector<1024x128xf32> -> vector<1024x128xf32>
    %get3A_21 = arith.constant 0 : index
    %get3A_22 = arith.constant 0 : index
    %get3A_23 = vector.load %arg4[%get3A_21, %get3A_22] : memref<1x128xf32, #tpu.memory_space<vmem>>, vector<1x128xf32>
    %add3A_24 = vector.broadcast %get3A_23 : vector<1x128xf32> to vector<1024x128xf32>
    %add3A_25 = arith.addf %dot_general3A_20, %add3A_24 : vector<1024x128xf32>
    %mul3A_26 = arith.constant 1024 : i32
    %mul3A_27 = arith.muli %arg0, %mul3A_26 : i32
    %iota3A = tpu.iota {dimensions = array<i32: 0>} : vector<1024x1xi32>
    %add3A_28 = vector.broadcast %mul3A_27 : i32 to vector<1024x1xi32>
    %add3A_29 = arith.addi %add3A_28, %iota3A : vector<1024x1xi32>
    %lt3A = arith.constant 10000 : i32
    %lt3A_30 = vector.broadcast %lt3A : i32 to vector<1024x1xi32>
    %lt3A_31 = arith.cmpi slt, %add3A_29, %lt3A_30 : vector<1024x1xi32>
    %jit3A = arith.constant 0xFF800000 : f32
    %broadcast_in_dim3A = vector.shape_cast %lt3A_31 : vector<1024x1xi1> to vector<1024x1xi1>
    %broadcast_in_dim3A_32 = vector.broadcast %broadcast_in_dim3A : vector<1024x1xi1> to vector<1024x128xi1>
    %broadcast_in_dim3A_33 = vector.broadcast %jit3A : f32 to vector<1024x128xf32>
    %select_n3A = arith.select %broadcast_in_dim3A_32, %add3A_25, %broadcast_in_dim3A_33 : vector<1024x128xi1>, vector<1024x128xf32>
    %reduce_max3A = arith.constant dense<0xFF800000> : vector<128xf32>
    %reduce_max3A_34 = vector.multi_reduction <maximumf>, %select_n3A, %reduce_max3A [0] : vector<1024x128xf32> to vector<128xf32>
    %broadcast_in_dim3A_35 = vector.shape_cast %reduce_max3A_34 : vector<128xf32> to vector<1x128xf32>
    %eq3A = arith.constant 0 : i32
    %eq3A_36 = arith.cmpi eq, %arg0, %eq3A : i32
    %convert_element_type3A = arith.extui %eq3A_36 : i1 to i32
    %cond3A = arith.constant 0 : i32
    %cond3A_37 = arith.cmpi ne, %convert_element_type3A, %cond3A : i32
    scf.if %cond3A_37 {
      %swap3A = arith.constant 0 : index
      %swap3A_47 = arith.constant 0 : index
      %swap3A_48 = vector.load %arg8[%swap3A, %swap3A_47] : memref<1x128xf32, #tpu.memory_space<vmem>>, vector<1x128xf32>
      tpu.vector_store %arg8[%swap3A, %swap3A_47], %broadcast_in_dim3A_35 {strides = array<i32>} : memref<1x128xf32, #tpu.memory_space<vmem>>, vector<1x128xf32>,
    } else {
    }
    %gt3A = arith.constant 0 : i32
    %gt3A_38 = arith.cmpi sgt, %arg0, %gt3A : i32
    %convert_element_type3A_39 = arith.extui %gt3A_38 : i1 to i32
    %cond3A_40 = arith.constant 0 : i32
    %cond3A_41 = arith.cmpi ne, %convert_element_type3A_39, %cond3A_40 : i32
    scf.if %cond3A_41 {
      %get3A_47 = arith.constant 0 : index
      %get3A_48 = arith.constant 0 : index
      %get3A_49 = vector.load %arg8[%get3A_47, %get3A_48] : memref<1x128xf32, #tpu.memory_space<vmem>>, vector<1x128xf32>
      %max3A_50 = arith.maximumf %get3A_49, %broadcast_in_dim3A_35 : vector<1x128xf32>
      %swap3A = arith.constant 0 : index
      %swap3A_51 = arith.constant 0 : index
      %swap3A_52 = vector.load %arg8[%swap3A, %swap3A_51] : memref<1x128xf32, #tpu.memory_space<vmem>>, vector<1x128xf32>
      tpu.vector_store %arg8[%swap3A, %swap3A_51], %max3A_50 {strides = array<i32>} : memref<1x128xf32, #tpu.memory_space<vmem>>, vector<1x128xf32>,
    } else {
    }
    %eq3A_42 = arith.constant 9 : i32
    %eq3A_43 = arith.cmpi eq, %arg0, %eq3A_42 : i32
    %convert_element_type3A_44 = arith.extui %eq3A_43 : i1 to i32
    %cond3A_45 = arith.constant 0 : i32
    %cond3A_46 = arith.cmpi ne, %convert_element_type3A_44, %cond3A_45 : i32
    scf.if %cond3A_46 {
      %get3A_47 = arith.constant 0 : index
      %get3A_48 = arith.constant 0 : index
      %get3A_49 = vector.load %arg8[%get3A_47, %get3A_48] : memref<1x128xf32, #tpu.memory_space<vmem>>, vector<1x128xf32>
      %max3A_50 = arith.constant 0.000000e+00 : f32
      %max3A_51 = vector.broadcast %max3A_50 : f32 to vector<1x128xf32>
      %max3A_52 = arith.maximumf %get3A_49, %max3A_51 : vector<1x128xf32>
      %get3A_53 = arith.constant 0 : index
      %get3A_54 = arith.constant 0 : index
      %get3A_55 = vector.load %arg5[%get3A_53, %get3A_54] : memref<128x128xf32, #tpu.memory_space<vmem>>, vector<128x128xf32>
      %dot_general3A_56 = arith.constant dense<0.000000e+00> : vector<1x128xf32>
      %dot_general3A_57 = tpu.matmul %max3A_52, %get3A_55, %dot_general3A_56 {dimension_numbers = #tpu.dot_dimension_numbers<[1], [0], [0], [1], [0, 0, 1, 1], [], []>, transpose_lhs_hint = false} : vector<1x128xf32>, vector<128x128xf32>, vector<1x128xf32> -> vector<1x128xf32>
      %get3A_58 = arith.constant 0 : index
      %get3A_59 = arith.constant 0 : index
      %get3A_60 = vector.load %arg6[%get3A_58, %get3A_59] : memref<1x128xf32, #tpu.memory_space<vmem>>, vector<1x128xf32>
      %add3A_61 = arith.addf %dot_general3A_57, %get3A_60 : vector<1x128xf32>
      %swap3A = arith.constant 0 : index
      %swap3A_62 = arith.constant 0 : index
      %swap3A_63 = vector.load %arg7[%swap3A, %swap3A_62] : memref<1x128xf32, #tpu.memory_space<vmem>>, vector<1x128xf32>
      tpu.vector_store %arg7[%swap3A, %swap3A_62], %add3A_61 {strides = array<i32>} : memref<1x128xf32, #tpu.memory_space<vmem>>, vector<1x128xf32>,
    } else {
    }
    return
  }
  func.func @transform_0(%arg0: i32) -> (i32, i32, i32) {
    %c0_i32 = arith.constant 0 : i32
    %c0_i32_0 = arith.constant 0 : i32
    %c0_i32_1 = arith.constant 0 : i32
    return %c0_i32, %arg0, %c0_i32_0 : i32, i32, i32
  }
  func.func @transform_1(%arg0: i32) -> (i32, i32) {
    %c0_i32 = arith.constant 0 : i32
    %c0_i32_0 = arith.constant 0 : i32
    return %arg0, %c0_i32 : i32, i32
  }
  func.func @transform_2(%arg0: i32) -> (i32, i32) {
    %c0_i32 = arith.constant 0 : i32
    %c0_i32_0 = arith.constant 0 : i32
    %c0_i32_1 = arith.constant 0 : i32
    return %c0_i32, %c0_i32_0 : i32, i32
  }
  func.func @transform_3(%arg0: i32) -> (i32, i32) {
    %c0_i32 = arith.constant 0 : i32
    %c0_i32_0 = arith.constant 0 : i32
    %c0_i32_1 = arith.constant 0 : i32
    return %c0_i32, %c0_i32_0 : i32, i32
  }
  func.func @transform_4(%arg0: i32) -> (i32, i32) {
    %c0_i32 = arith.constant 0 : i32
    %c0_i32_0 = arith.constant 0 : i32
    %c0_i32_1 = arith.constant 0 : i32
    return %c0_i32, %c0_i32_0 : i32, i32
  }
  func.func @transform_5(%arg0: i32) -> (i32, i32) {
    %c0_i32 = arith.constant 0 : i32
    %c0_i32_0 = arith.constant 0 : i32
    %c0_i32_1 = arith.constant 0 : i32
    return %c0_i32, %c0_i32_0 : i32, i32
  }
  func.func @transform_6(%arg0: i32) -> (i32, i32) {
    %c0_i32 = arith.constant 0 : i32
    %c0_i32_0 = arith.constant 0 : i32
    %c0_i32_1 = arith.constant 0 : i32
    return %c0_i32, %c0_i32_0 : i32, i32
  }
}

</mosaic_0001>

<sc_bundles>
// kernel: kernel.11.cloned.1.call-start
scs
__scs_entry_jumppad:
0x0: {  	(pc) =	sbr.rel $0x88, $3  }
0x1: {  	(tag) =	ssettag $0x0;
	lr =	simm.s32 $0x1  }
0x2: {  	[smem:$0x3F99] =	sst lr;
	_ =	strace $0xD0000000  }
0x3: {  	_ = 	snop  }
0x4: {  	_ = 	snop  }
0x5: {  	_ = 	snop  }
0x6: {  	_ = 	snop  }
0x7: {  	_ = 	snop  }
__scs_overlays_trampoline_lowered:
0x8: {  	[smem:$0x3FA8] =	sst s0  }
0x9: {  	[smem:$0x3FA9] =	sst s1  }
0xa: {  	[smem:$0x3FAA] =	sst s2  }
0xb: {  	[smem:$0x3FAB] =	sst s3  }
0xc: {  	[smem:$0x3FAC] =	sst s4  }
0xd: {  	[smem:$0x3FAD] =	sst s5  }
0xe: {  	[smem:$0x3FAE] =	sst s6  }
0xf: {  	[smem:$0x3FAF] =	sst s7  }
0x10: {  	[smem:$0x3FB0] =	sst s8  }
0x11: {  	[smem:$0x3FB1] =	sst s9;
	s0 =	simm.s32 @!p0 $0x0  }
0x12: {  	s1 =	sld [smem:$0x3F97];
	s0 =	simm.s32 @p0 $0x1  }
0x13: {  	[smem:$0x3FB2] =	sst s0;
	s0 =	simm.s32 @!p1 $0x0  }
0x14: {  	s2 =	sld [smem:$0x3F96];
	s0 =	simm.s32 @p1 $0x1  }
0x15: {  	[smem:$0x3FB3] =	sst s0;
	s0 =	simm.s32 @!p2 $0x0  }
0x16: {  	s3 =	sld [smem:$0x3FDB];
	s0 =	simm.s32 @p2 $0x1  }
0x17: {  	s4 =	simm.s32 $0x1BF5;
	[smem:$0x3FB5] =	sst s0  }
0x18: {  	s0 =	sld [smem:$0x3F98];
	_ =	swait.ge [sflag:s4], $0x0  }
0x19: {  	s7 =	sld [smem:$0x3F99]  }
0x1a: {  	s8 =	sadd.s32 $0xFFFFE003, lr  }
0x1b: {  	s9 =	sadd.s32 $0xFFFFFEF7, lr;
	s5 =	simm.s32 $0xFFFFFFFF;
	p2 =	slt.u32 s8, $0xFFFFF086  }
0x1c: {  	p1 =	slt.u32 s9, $0xF7A;
	s5 =	simm.s32 @!p2 $0x0  }
0x1d: {  	s5 =	simm.s32 @p1 $0x1;
	p0 =	seq.s32 s7, s2  }
0x1e: {  	s7 =	smul.u32 @!p0 $0xF7A, s2;
	p2 =	seq.s32 @!p0 s5, $0x0  }
0x1f: {  	s9 =	smul.u32 $0xF7A, s1;
	s8 =	simm.s32 @!p0 $0x1BF5;
	p2 =	por !p2, p0  }
0x20: {  	[sflag:s8] =	ssyncset.s32 @!p0 $0xFFFFF086;
	s6 =	sadd.s32 @!p0 s3, s7;
	s7 =	simm.s32 @!p0 $0x108  }
0x21: {  	s3 =	sadd.s32 s3, s9;
	s6 =	sadd.s32 @!p0 $0x88, s6;
	s7 =	simm.s32 @p2 $0x1082  }
0x22: {  	[simem:s7], [sflag:s8] =	dma.local @!p0 [hbm:s6], $0xF7A  }
0x23: {  	s9 =	sor.u32 $0xD0000000, s2;
	s6 =	simm.s32 $0x108;
	_ =	swait.ge @!p0 [sflag:s8], $0x0  }
0x24: {  	s3 =	sadd.s32 $0x88, s3;
	s6 =	simm.s32 @!p1 $0x1082;
	[sflag:s4] =	ssyncset.s32 $0xFFFFF086  }
0x25: {  	[simem:s6], [sflag:s4] =	dma.local [hbm:s3], $0xF7A  }
0x26: {  	[smem:$0x3F99] =	sst s1;
	(tag) =	ssettag s2;
	_ =	strace s9  }
0x27: {  	s1 =	sld [smem:$0x3FA9]  }
0x28: {  	s2 =	sld [smem:$0x3FAA]  }
0x29: {  	s4 =	sld [smem:$0x3FAC]  }
0x2a: {  	p0 =	seq.s32 s5, $0x0;
	s5 =	sld [smem:$0x3FAD]  }
0x2b: {  	s6 =	sld [smem:$0x3FAE]  }
0x2c: {  	s7 =	sld [smem:$0x3FAF]  }
0x2d: {  	s3 =	simm.s32 $0x108;
	s8 =	sld [smem:$0x3FB0]  }
0x2e: {  	s3 =	simm.s32 @!p0 $0x1082;
	s9 =	sld [smem:$0x3FB1]  }
0x2f: {  	lr =	sadd.s32 s0, s3;
	s0 =	sld [smem:$0x3FA8]  }
0x30: {  	s3 =	sld [smem:$0x3FAB]  }
0x31: {  	[smem:$0x3FB4] =	sst s10  }
0x32: {  	s10 =	sld [smem:$0x3FB2];
	_ =	sdelay $0x3  }
0x33: {  	p0 =	seq.s32 s10, $0x1;
	s10 =	sld [smem:$0x3FB4];
	_ =	sdelay $0x3  }
0x34: {  	[smem:$0x3FB4] =	sst s10  }
0x35: {  	s10 =	sld [smem:$0x3FB3];
	_ =	sdelay $0x3  }
0x36: {  	p1 =	seq.s32 s10, $0x1;
	s10 =	sld [smem:$0x3FB4];
	_ =	sdelay $0x3  }
0x37: {  	[smem:$0x3FB4] =	sst s10  }
0x38: {  	s10 =	sld [smem:$0x3FB5]  }
0x39: {  	_ = 	snop;
	(pc) =	sbr.ind lr, $3  }
0x3a: {  	_ = 	snop  }
0x3b: {  	_ = 	snop  }
0x3c: {  	p2 =	seq.s32 s10, $0x1;
	s10 =	sld [smem:$0x3FB4]  }
0x3d: {  	_ =	shalt  }
0x3e: {  	_ =	shalt  }
0x3f: {  	_ =	shalt  }
0x40: {  	_ =	shalt  }
0x41: {  	_ =	shalt  }
0x42: {  	_ =	shalt  }
0x43: {  	_ =	shalt  }
0x44: {  	_ =	shalt  }
0x45: {  	_ =	shalt  }
0x46: {  	_ =	shalt  }
0x47: {  	_ =	shalt  }
0x48: {  	_ =	shalt  }
0x49: {  	_ =	shalt  }
0x4a: {  	_ =	shalt  }
0x4b: {  	_ =	shalt  }
0x4c: {  	_ =	shalt  }
0x4d: {  	_ =	shalt  }
0x4e: {  	_ =	shalt  }
0x4f: {  	_ =	shalt  }
0x50: {  	_ =	shalt  }
0x51: {  	_ =	shalt  }
0x52: {  	_ =	shalt  }
0x53: {  	_ =	shalt  }
0x54: {  	_ =	shalt  }
0x55: {  	_ =	shalt  }
0x56: {  	_ =	shalt  }
0x57: {  	_ =	shalt  }
0x58: {  	_ =	shalt  }
0x59: {  	_ =	shalt  }
0x5a: {  	_ =	shalt  }
0x5b: {  	_ =	shalt  }
0x5c: {  	_ =	shalt  }
0x5d: {  	_ =	shalt  }
0x5e: {  	_ =	shalt  }
0x5f: {  	_ =	shalt  }
0x60: {  	_ =	shalt  }
0x61: {  	_ =	shalt  }
0x62: {  	_ =	shalt  }
0x63: {  	_ =	shalt  }
0x64: {  	_ =	shalt  }
0x65: {  	_ =	shalt  }
0x66: {  	_ =	shalt  }
0x67: {  	_ =	shalt  }
0x68: {  	_ =	shalt  }
0x69: {  	_ =	shalt  }
0x6a: {  	_ =	shalt  }
0x6b: {  	_ =	shalt  }
0x6c: {  	_ =	shalt  }
0x6d: {  	_ =	shalt  }
0x6e: {  	_ =	shalt  }
0x6f: {  	_ =	shalt  }
0x70: {  	_ =	shalt  }
0x71: {  	_ =	shalt  }
0x72: {  	_ =	shalt  }
0x73: {  	_ =	shalt  }
0x74: {  	_ =	shalt  }
0x75: {  	_ =	shalt  }
0x76: {  	_ =	shalt  }
0x77: {  	_ =	shalt  }
0x78: {  	_ =	shalt  }
0x79: {  	_ =	shalt  }
0x7a: {  	_ =	shalt  }
0x7b: {  	_ =	shalt  }
0x7c: {  	_ =	shalt  }
0x7d: {  	_ =	shalt  }
0x7e: {  	_ =	shalt  }
0x7f: {  	_ =	shalt  }
0x80: {  	_ =	shalt  }
0x81: {  	_ =	shalt  }
0x82: {  	_ =	shalt  }
0x83: {  	_ =	shalt  }
0x84: {  	_ =	shalt  }
0x85: {  	_ =	shalt  }
0x86: {  	_ =	shalt  }
0x87: {  	_ =	shalt  }
.Lfunc_end0:
.L_simem_size_0:
called_computation.1_lowered:
.L_overlay_start_0:
0x88: {  	s2 =	sld [smem:$0x3FD9]  }
0x89: {  	s3 =	sld [smem:$0x3FFE];
	_ =	sdelay $0x1  }
0x8a: {  	s1 =	srdreg.scid  }
0x8b: {  	s0 =	sand.u32 $0x1, s1  }
0x8c: {  	s16 =	sshll.u32 s0, $0xA;
	s2 =	sadd.s32 s3, s2  }
0x8d: {  	s2 =	sadd.s32 s2, s16  }
0x8e: {  	[smem:$0x3FC0] =	sst s2  }
0x8f: {  	_ = 	snop  }
0x90: {  	(tm) =	ssettm $0x1  }
0x91: {  	s17 =	sld [smem:$0x3FFB];
	_ =	sdelay $0x3  }
0x92: {  	_ =	strace s17  }
0x93: {  	s2 =	sld [smem:$0x3FFC];
	_ =	sdelay $0x3  }
0x94: {  	_ =	strace s2  }
0x95: {  	s2 =	sld [smem:$0x3FFD];
	_ =	sdelay $0x3  }
0x96: {  	_ =	strace s2  }
0x97: {  	_ =	strace $0x8FFFFFFF  }
0x98: {  	s18 =	sld [smem:$0x3FDB];
	_ =	sdelay $0x1  }
0x99: {  	s19 =	simm.s32 $_scs_section_size  }
0x9a: {  	s4 =	simm.s32 $_size__tile_overlayer_lowered;
	s5 =	simm.s32 $_tile_overlayer_lowered  }
0x9b: {  	s22 =	simm.s32 $0x1BFF;
	s21 =	sshll.u32 s5, $0x1;
	s2 =	sadd.s32 s19, s18  }
0x9c: {  	s6 =	simm.s32 $0x0;
	s20 =	sshll.u32 s4, $0x1;
	s4 =	sadd.s32 s21, s2  }
0x9d: {  	[timem:s6], [sflag:s22] =	dma.local [hbm:s4], s20  }
0x9e: {  	_ =	swait.ge [sflag:s22], s20  }
0x9f: {  	s3 =	ssub.s32 $0x0, s20;
	[sflag:s22] =	ssyncset.done $0x0  }
0xa0: {  	[sflag:s22] =	ssyncadd.s32 s3;
	_ =	sdelay $0x1  }
0xa1: {  	s23 =	simm.s32 $0x1B8B  }
0xa2: {  	_ =	swait.ge [sflag:s23], $0x1  }
0xa3: {  	[sflag:s23] =	ssyncset.done $0x0  }
0xa4: {  	s25 =	simm.s32 $0x1B8E;
	s24 =	sld [smem:$0x3FFE];
	[sflag:s23] =	ssyncadd.s32 $0xFFFFFFFF  }
0xa5: {  	s26 =	simm.s32 $execute0_lowered;
	[smem:$0x3FD2] =	sst s25  }
0xa6: {  	s4 =	sshll.u32 s26, $0x1;
	_ =	strace $0x80000049;
	[dreg:$0x1] =	wrdreg $0xFFFFFFFF  }
0xa7: {  	s28 =	simm.s32 $_size_execute0_lowered;
	s2 =	sadd.s32 s2, s4;
	[dreg:$0x0] =	wrdreg $0x0  }
0xa8: {  	s4 =	sshll.u32 s28, $0x1;
	[dreg:$0x2] =	wrdreg s2  }
0xa9: {  	[dreg:$0x3] =	wrdreg s4  }
0xaa: {  	[dreg:$0x4] =	wrdreg $0xC0  }
0xab: {  	_ =	task [dreg:s6], $0x5FFFF  }
0xac: {  	[dreg:$0x1] =	wrdreg $0xFFFFFFFF  }
0xad: {  	[dreg:$0x0] =	wrdreg $0x60  }
0xae: {  	[dreg:$0x2] =	wrdreg s24  }
0xaf: {  	[dreg:$0x3] =	wrdreg $0x82000  }
0xb0: {  	[dreg:$0x4] =	wrdreg $0x9  }
0xb1: {  	_ =	task.clear_ibuf [dreg:s6], $0x5FFFF;
	_ =	strace $0x90000049  }
0xb2: {  	s29 =	simm.s32 $0x9;
	_ =	strace $0x8000004B  }
0xb3: {  	_ =	swait.ge [sflag:s29], $0x1  }
0xb4: {  	[sflag:s29] =	ssyncadd.s32 $0xFFFFFFFF  }
0xb5: {  	_ =	strace $0x9000004B  }
0xb6: {  	_ =	sfence  }
0xb7: {  	s30 =	sld [smem:$0x0];
	_ =	sdelay $0x2  }
0xb8: {  	s31 =	sshll.u32 s1, $0xD;
	s1 =	sshrl.u32 s1, $0x2  }
0xb9: {  	s3 =	sand.u32 $0x4000, s31;
	s1 =	sadd.s32 s1, s30  }
0xba: {  	s0 =	sor.u32 s3, s0;
	s1 =	sshll.u32 s1, $0x11  }
0xbb: {  	s0 =	sor.u32 s1, s0  }
0xbc: {  	s0 =	sadd.s32 $0x8F2B, s0  }
0xbd: {  	[sflag:s0] =	ssyncadd.remote.s32 $0x1  }
0xbe: {  	_ =	sfence.sel $0xFFFF  }
0xbf: {  	[dreg:$0x0] =	wrdreg $0xFFFFFFFF;
	(pc) =	sbr.abs _section_cstart, $3  }
0xc0: {  	[dreg:$0x1] =	wrdreg $0xFFFFFFFF  }
0xc1: {  	_ =	task.clear_ibuf [dreg:s6], $0x2FFFF;
	_ =	strace $0x9FFFFFFF  }
0xc2: {  	(tm) =	ssettm $0x7FFFFFFF  }
0xc3: {  	_ =	shalt  }
tec
execute0_lowered:
.L_overlay_start_1:
0x0: {  	(tag) =	ssettag $0x1  }
0x1: {  	s8 =	rddreg [dreg:$0x0]  }
0x2: {  	s1 =	rddreg [dreg:$0x1];
	s2 =	srdreg.scid;
	s3 =	simm.s32 $0x0  }
0x3: {  	s19 =	simm.s32 $0x100;
	s20 =	simm.s32 $0x80;
	s21 =	simm.s32 $0x180  }
0x4: {  	s22 =	simm.s32 $0x200;
	s23 =	simm.s32 $0x3;
	s24 =	simm.s32 $0x1  }
0x5: {  	s25 =	simm.s32 $0x2;
	s9 =	sand.u32 $0x1, s2;
	s2 =	stileid.u32  }
0x6: {  	s28 =	simm.s32 $0x0;
	[smem:$0x7FF] =	sst s3;
	s6 =	smul.u32 $0x140000, s9  }
0x7: {  	s4 =	sadd.s32 $0x17400, s8;
	s7 =	smul.u32 $0x14000, s2;
	s5 =	sshll.u32 s2, $0x1  }
0x8: {  	_ =	strace $0x8000004A;
	s13 =	smul.u32 $0x50000, s2;
	s10 =	sor.u32 s9, s5  }
0x9: {  	s5 =	sadd.s32 $0x2000, s8;
	s9 =	ssub.s32 $0x2, s9;
	s11 =	sadd.s32 s7, s6  }
0xa: {  	s6 =	smul.u32 $0x2800, s10;
	s7 =	sadd.s32 $0xC000, s8;
	s29 =	sshrl.u32 s9, $0x1  }
0xb: {  	s31 =	sshrl.u32 s13, $0x2;
	s26 =	sshrl.u32 s11, $0x3;
	s15 =	ssub.s32 s9, s29  }
0xc: {  	s12 =	sshrl.u32 s6, $0x3;
	s14 =	sadd.s32 s26, s8;
	s26 =	simm.s32 $0x4200  }
0xd: {  	s8 =	sadd.s32 s5, s12;
	s9 =	sadd.s32 s7, s12;
	s30 =	sor.u32 $0x10, s12  }
0xe: {  	s12 =	sadd.s32 s31, s1;
	s13 =	sadd.s32 $0x3F400, s14;
	s14 =	smax.u32 s15, $0x1  }
0xf: {  	s10 =	sadd.s32 s5, s30;
	s11 =	sadd.s32 s7, s30;
	s15 =	sadd.s32 $0x4000, s12  }
0x10: {  	v0 =	vimm.f32 $0.0e+00;
	s16 =	sadd.s32 $0x8000, s12;
	s17 =	sadd.s32 $0xC000, s12;
	s18 =	sadd.s32 $0x10000, s12  }
.LBB2_1:
0x11: {  	[tilespmem:s3], [sflag:$0x1] =	stream.linear.gather [hbm4b:s8+s3], $0x80, $0x38;
	[tilespmem:$0x1C200] =	vst v63  }
0x12: {  	_ = 	snop  }
0x13: {  	[tilespmem:s19], [sflag:$0x1] =	stream.linear.gather [hbm4b:s9+s3], $0x80, $0x38;
	[tilespmem:$0x1C200] =	vst v63  }
0x14: {  	_ = 	snop  }
0x15: {  	[tilespmem:s20], [sflag:$0x1] =	stream.linear.gather [hbm4b:s10+s3], $0x80, $0x38;
	[tilespmem:$0x1C200] =	vst v63  }
0x16: {  	s29 =	simm.s32 $0x0;
	s30 =	simm.s32 $0x200  }
0x17: {  	[tilespmem:s21], [sflag:$0x1] =	stream.linear.gather [hbm4b:s11+s3], $0x80, $0x38;
	[tilespmem:$0x1C200] =	vst v63  }
.LBB2_2:
0x18: {  	p0 =	sne.s32 s30, $0xFE00;
	[tilespmem:s29+$0x270] =	vst v0  }
0x19: {  	[tilespmem:s29+$0x200] =	vst v0  }
0x1a: {  	[tilespmem:s29+$0x210] =	vst v0  }
.Ltmp0:
0x1b: {  	[tilespmem:s29+$0x220] =	vst v0;
	(pc) =	sbr.rel @p0 .LBB2_2-.Ltmp0, $4  }
0x1c: {  	[tilespmem:s29+$0x230] =	vst v0  }
0x1d: {  	[tilespmem:s29+$0x240] =	vst v0  }
0x1e: {  	[tilespmem:s29+$0x250] =	vst v0  }
0x1f: {  	[tilespmem:s29+$0x260] =	vst v0;
	s29 =	sshra.s32 s30, $0x2;
	s30 =	sadd.s32 $0x200, s30  }
0x20: {  	[tilespmem:s29+$0x270] =	vst v0  }
0x21: {  	[tilespmem:s29+$0x200] =	vst v0  }
0x22: {  	[tilespmem:s29+$0x210] =	vst v0  }
0x23: {  	[tilespmem:s29+$0x220] =	vst v0  }
0x24: {  	[tilespmem:s29+$0x230] =	vst v0  }
0x25: {  	[tilespmem:s29+$0x240] =	vst v0  }
0x26: {  	[tilespmem:s29+$0x250] =	vst v0  }
0x27: {  	[tilespmem:s29+$0x260] =	vst v0  }
0x28: {  	[spmem:s12] =	stream.linear.scatter [tilespmem:s22], [sflag:$0x3], $0x4000, $0x38;
	[tilespmem:$0x1C200] =	vst v63  }
0x29: {  	_ =	swait.ge [sflag:s23], $0x4000  }
0x2a: {  	[sflag:s23] =	ssyncset.done $0x0  }
0x2b: {  	[sflag:s23] =	ssyncadd.s32 $0xFFFFC000  }
0x2c: {  	[spmem:s15] =	stream.linear.scatter [tilespmem:s22], [sflag:$0x3], $0x4000, $0x38;
	[tilespmem:$0x1C200] =	vst v63  }
0x2d: {  	_ =	swait.ge [sflag:s23], $0x4000  }
0x2e: {  	[sflag:s23] =	ssyncset.done $0x0  }
0x2f: {  	[sflag:s23] =	ssyncadd.s32 $0xFFFFC000  }
0x30: {  	[spmem:s16] =	stream.linear.scatter [tilespmem:s22], [sflag:$0x3], $0x4000, $0x38;
	[tilespmem:$0x1C200] =	vst v63  }
0x31: {  	_ =	swait.ge [sflag:s23], $0x4000  }
0x32: {  	[sflag:s23] =	ssyncset.done $0x0  }
0x33: {  	[sflag:s23] =	ssyncadd.s32 $0xFFFFC000  }
0x34: {  	[spmem:s17] =	stream.linear.scatter [tilespmem:s22], [sflag:$0x3], $0x4000, $0x38;
	[tilespmem:$0x1C200] =	vst v63  }
0x35: {  	_ =	swait.ge [sflag:s23], $0x4000  }
0x36: {  	[sflag:s23] =	ssyncset.done $0x0  }
0x37: {  	[sflag:s23] =	ssyncadd.s32 $0xFFFFC000  }
0x38: {  	[spmem:s18] =	stream.linear.scatter [tilespmem:s22], [sflag:$0x3], $0x4000, $0x38;
	[tilespmem:$0x1C200] =	vst v63  }
0x39: {  	_ =	swait.ge [sflag:s23], $0x4000  }
0x3a: {  	[sflag:s23] =	ssyncset.done $0x0  }
0x3b: {  	[sflag:s23] =	ssyncadd.s32 $0xFFFFC000  }
0x3c: {  	[bflag:$0x0] =	sbarrier.arrive $0xFFFF  }
0x3d: {  	_ =	swait.ge [sflag:s24], $0x80  }
0x3e: {  	[sflag:s24] =	ssyncset.done $0x0  }
0x3f: {  	[sflag:s24] =	ssyncadd.s32 $0xFFFFFF80  }
0x40: {  	_ =	swait.ge [sflag:s24], $0x80  }
0x41: {  	[sflag:s24] =	ssyncset.done $0x0  }
0x42: {  	[sflag:s24] =	ssyncadd.s32 $0xFFFFFF80  }
0x43: {  	[tilespmem:s22], [sflag:$0x2] =	stream.indirect.gather [hbm4b:s4+s20], $0x80, s3, s20, $0xb8;
	[tilespmem:$0x1C200] =	vst v63  }
0x44: {  	_ =	swait.ge [sflag:s25], $0x4000  }
0x45: {  	[sflag:s25] =	ssyncset.done $0x0  }
0x46: {  	[sflag:s25] =	ssyncadd.s32 $0xFFFFC000  }
0x47: {  	_ =	swait.ge [sflag:s24], $0x80  }
0x48: {  	[sflag:s24] =	ssyncset.done $0x0  }
0x49: {  	[sflag:s24] =	ssyncadd.s32 $0xFFFFFF80  }
0x4a: {  	_ =	swait.ge [sflag:s24], $0x80  }
0x4b: {  	s29 =	simm.s32 $0x100;
	[sflag:s24] =	ssyncset.done $0x0  }
0x4c: {  	s30 =	sand.u32 $0x3C00, s29;
	[sflag:s24] =	ssyncadd.s32 $0xFFFFFF80  }
0x4d: {  	[tilespmem:s26], [sflag:$0x2] =	stream.indirect.gather [hbm4b:s4+s20], $0x80, s20, s20, $0xb8;
	[tilespmem:$0x1C200] =	vst v63  }
0x4e: {  	s29 =	sand.u32 $0x300, s29;
	s30 =	sadd.s32 s6, s30  }
0x4f: {  	[spmem:s1] =	stream.indirect.scatter.add.f32 [tilespmem:s22], [sflag:$0x3], $0x80, s19, s20, $0xb8;
	[tilespmem:$0x1C200] =	vst v63  }
0x50: {  	s29 =	sor.u32 s29, s30;
	_ =	swait.ge [sflag:s23], $0x4000  }
0x51: {  	s29 =	sshrl.u32 s29, $0x3;
	[sflag:s23] =	ssyncset.done $0x0  }
0x52: {  	s0 =	sadd.s32 s5, s29;
	[sflag:s23] =	ssyncadd.s32 $0xFFFFC000  }
0x53: {  	[tilespmem:s3], [sflag:$0x1] =	stream.linear.gather [hbm4b:s0+s3], $0x80, $0x38;
	[tilespmem:$0x1C200] =	vst v63  }
0x54: {  	s29 =	sadd.s32 s7, s29  }
0x55: {  	[tilespmem:s19], [sflag:$0x1] =	stream.linear.gather [hbm4b:s29+s3], $0x80, $0x38;
	[tilespmem:$0x1C200] =	vst v63  }
0x56: {  	_ =	swait.ge [sflag:s25], $0x4000  }
0x57: {  	[sflag:s25] =	ssyncset.done $0x0  }
0x58: {  	[sflag:s25] =	ssyncadd.s32 $0xFFFFC000  }
0x59: {  	_ =	swait.ge [sflag:s24], $0x80  }
0x5a: {  	[sflag:s24] =	ssyncset.done $0x0  }
0x5b: {  	[sflag:s24] =	ssyncadd.s32 $0xFFFFFF80  }
0x5c: {  	_ =	swait.ge [sflag:s24], $0x80  }
0x5d: {  	s29 =	simm.s32 $0x180;
	[sflag:s24] =	ssyncset.done $0x0  }
0x5e: {  	s0 =	sand.u32 $0x3C00, s29;
	[sflag:s24] =	ssyncadd.s32 $0xFFFFFF80  }
0x5f: {  	[tilespmem:s22], [sflag:$0x2] =	stream.indirect.gather [hbm4b:s4+s20], $0x80, s3, s20, $0xb8;
	[tilespmem:$0x1C200] =	vst v63  }
0x60: {  	s29 =	sand.u32 $0x380, s29;
	s30 =	sadd.s32 s6, s0  }
0x61: {  	[spmem:s1] =	stream.indirect.scatter.add.f32 [tilespmem:s26], [sflag:$0x3], $0x80, s21, s20, $0xb8;
	[tilespmem:$0x1C200] =	vst v63  }
0x62: {  	s29 =	sor.u32 s29, s30;
	_ =	swait.ge [sflag:s23], $0x4000  }
0x63: {  	s30 =	sshrl.u32 s29, $0x3;
	[sflag:s23] =	ssyncset.done $0x0  }
0x64: {  	s29 =	sadd.s32 s5, s30;
	[sflag:s23] =	ssyncadd.s32 $0xFFFFC000  }
0x65: {  	[tilespmem:s20], [sflag:$0x1] =	stream.linear.gather [hbm4b:s29+s3], $0x80, $0x38;
	[tilespmem:$0x1C200] =	vst v63  }
0x66: {  	s31 =	sadd.s32 s7, s30;
	s29 =	simm.s32 $0x280  }
.LBB2_4:
0x67: {  	p0 =	sne.s32 s29, $0x2780;
	s30 =	smov.u32 s29;
	s29 =	sadd.s32 $0x100, s29  }
0x68: {  	[tilespmem:s21], [sflag:$0x1] =	stream.linear.gather [hbm4b:s31+s3], $0x80, $0x38;
	[tilespmem:$0x1C200] =	vst v63  }
0x69: {  	_ =	swait.ge [sflag:s25], $0x4000  }
0x6a: {  	[sflag:s25] =	ssyncset.done $0x0  }
0x6b: {  	[sflag:s25] =	ssyncadd.s32 $0xFFFFC000  }
0x6c: {  	_ =	swait.ge [sflag:s24], $0x80  }
0x6d: {  	[sflag:s24] =	ssyncset.done $0x0  }
0x6e: {  	[sflag:s24] =	ssyncadd.s32 $0xFFFFFF80  }
0x6f: {  	_ =	swait.ge [sflag:s24], $0x80  }
0x70: {  	[sflag:s24] =	ssyncset.done $0x0  }
0x71: {  	s31 =	sadd.s32 $0xFFFFFF80, s30;
	[sflag:s24] =	ssyncadd.s32 $0xFFFFFF80  }
0x72: {  	[tilespmem:s26], [sflag:$0x2] =	stream.indirect.gather [hbm4b:s4+s20], $0x80, s20, s20, $0xb8;
	[tilespmem:$0x1C200] =	vst v63  }
0x73: {  	s0 =	sand.u32 $0x3C00, s31;
	s31 =	sand.u32 $0x300, s31  }
0x74: {  	[spmem:s1] =	stream.indirect.scatter.add.f32 [tilespmem:s22], [sflag:$0x3], $0x80, s19, s20, $0xb8;
	[tilespmem:$0x1C200] =	vst v63  }
0x75: {  	s0 =	sadd.s32 s6, s0;
	_ =	swait.ge [sflag:s23], $0x4000  }
0x76: {  	s0 =	sor.u32 s31, s0;
	[sflag:s23] =	ssyncset.done $0x0  }
0x77: {  	s0 =	sshrl.u32 s0, $0x3;
	[sflag:s23] =	ssyncadd.s32 $0xFFFFC000  }
0x78: {  	s31 =	sadd.s32 s5, s0;
	s0 =	sadd.s32 s7, s0  }
0x79: {  	[tilespmem:s3], [sflag:$0x1] =	stream.linear.gather [hbm4b:s31+s3], $0x80, $0x38;
	[tilespmem:$0x1C200] =	vst v63  }
0x7a: {  	_ = 	snop  }
0x7b: {  	[tilespmem:s19], [sflag:$0x1] =	stream.linear.gather [hbm4b:s0+s3], $0x80, $0x38;
	[tilespmem:$0x1C200] =	vst v63  }
0x7c: {  	_ =	swait.ge [sflag:s25], $0x4000  }
0x7d: {  	[sflag:s25] =	ssyncset.done $0x0  }
0x7e: {  	[sflag:s25] =	ssyncadd.s32 $0xFFFFC000  }
0x7f: {  	_ =	swait.ge [sflag:s24], $0x80  }
0x80: {  	[sflag:s24] =	ssyncset.done $0x0  }
0x81: {  	[sflag:s24] =	ssyncadd.s32 $0xFFFFFF80  }
0x82: {  	_ =	swait.ge [sflag:s24], $0x80  }
0x83: {  	[sflag:s24] =	ssyncset.done $0x0  }
0x84: {  	s0 =	sand.u32 $0x3C00, s30;
	[sflag:s24] =	ssyncadd.s32 $0xFFFFFF80  }
0x85: {  	[tilespmem:s22], [sflag:$0x2] =	stream.indirect.gather [hbm4b:s4+s20], $0x80, s3, s20, $0xb8;
	[tilespmem:$0x1C200] =	vst v63  }
0x86: {  	s30 =	sand.u32 $0x380, s30;
	s0 =	sadd.s32 s6, s0  }
0x87: {  	[spmem:s1] =	stream.indirect.scatter.add.f32 [tilespmem:s26], [sflag:$0x3], $0x80, s21, s20, $0xb8;
	[tilespmem:$0x1C200] =	vst v63  }
.Ltmp1:
0x88: {  	_ = 	snop;
	(pc) =	sbr.rel @p0 .LBB2_4-.Ltmp1, $4  }
0x89: {  	s0 =	sor.u32 s30, s0;
	_ =	swait.ge [sflag:s23], $0x4000  }
0x8a: {  	s0 =	sshrl.u32 s0, $0x3;
	[sflag:s23] =	ssyncset.done $0x0  }
0x8b: {  	s30 =	sadd.s32 s5, s0;
	s31 =	sadd.s32 s7, s0;
	[sflag:s23] =	ssyncadd.s32 $0xFFFFC000  }
0x8c: {  	[tilespmem:s20], [sflag:$0x1] =	stream.linear.gather [hbm4b:s30+s3], $0x80, $0x38;
	[tilespmem:$0x1C200] =	vst v63  }
0x8d: {  	[tilespmem:s21], [sflag:$0x1] =	stream.linear.gather [hbm4b:s31+s3], $0x80, $0x38;
	[tilespmem:$0x1C200] =	vst v63  }
0x8e: {  	_ =	swait.ge [sflag:s25], $0x4000  }
0x8f: {  	[sflag:s25] =	ssyncset.done $0x0  }
0x90: {  	[sflag:s25] =	ssyncadd.s32 $0xFFFFC000  }
0x91: {  	_ =	swait.ge [sflag:s24], $0x80  }
0x92: {  	[sflag:s24] =	ssyncset.done $0x0  }
0x93: {  	[sflag:s24] =	ssyncadd.s32 $0xFFFFFF80  }
0x94: {  	_ =	swait.ge [sflag:s24], $0x80  }
0x95: {  	[sflag:s24] =	ssyncset.done $0x0  }
0x96: {  	[sflag:s24] =	ssyncadd.s32 $0xFFFFFF80  }
0x97: {  	[tilespmem:s26], [sflag:$0x2] =	stream.indirect.gather [hbm4b:s4+s20], $0x80, s20, s20, $0xb8;
	[tilespmem:$0x1C200] =	vst v63  }
0x98: {  	_ = 	snop  }
0x99: {  	[spmem:s1] =	stream.indirect.scatter.add.f32 [tilespmem:s22], [sflag:$0x3], $0x80, s19, s20, $0xb8;
	[tilespmem:$0x1C200] =	vst v63  }
0x9a: {  	_ =	swait.ge [sflag:s23], $0x4000  }
0x9b: {  	[sflag:s23] =	ssyncset.done $0x0  }
0x9c: {  	[sflag:s23] =	ssyncadd.s32 $0xFFFFC000  }
0x9d: {  	[tilespmem:s3], [sflag:$0x1] =	stream.linear.gather [hbm4b:s8+s3], $0x80, $0x38;
	[tilespmem:$0x1C200] =	vst v63  }
0x9e: {  	_ = 	snop  }
0x9f: {  	[tilespmem:s19], [sflag:$0x1] =	stream.linear.gather [hbm4b:s9+s3], $0x80, $0x38;
	[tilespmem:$0x1C200] =	vst v63  }
0xa0: {  	_ =	swait.ge [sflag:s25], $0x4000  }
0xa1: {  	[sflag:s25] =	ssyncset.done $0x0  }
0xa2: {  	[sflag:s25] =	ssyncadd.s32 $0xFFFFC000  }
0xa3: {  	_ =	swait.ge [sflag:s24], $0x80  }
0xa4: {  	[sflag:s24] =	ssyncset.done $0x0  }
0xa5: {  	[sflag:s24] =	ssyncadd.s32 $0xFFFFFF80  }
0xa6: {  	_ =	swait.ge [sflag:s24], $0x80  }
0xa7: {  	[sflag:s24] =	ssyncset.done $0x0  }
0xa8: {  	[sflag:s24] =	ssyncadd.s32 $0xFFFFFF80  }
0xa9: {  	[tilespmem:s22], [sflag:$0x2] =	stream.indirect.gather [hbm4b:s4+s20], $0x80, s3, s20, $0xb8;
	[tilespmem:$0x1C200] =	vst v63  }
0xaa: {  	_ = 	snop  }
0xab: {  	[spmem:s1] =	stream.indirect.scatter.add.f32 [tilespmem:s26], [sflag:$0x3], $0x80, s21, s20, $0xb8;
	[tilespmem:$0x1C200] =	vst v63  }
0xac: {  	_ =	swait.ge [sflag:s23], $0x4000  }
0xad: {  	[sflag:s23] =	ssyncset.done $0x0  }
0xae: {  	[sflag:s23] =	ssyncadd.s32 $0xFFFFC000  }
0xaf: {  	[tilespmem:s20], [sflag:$0x1] =	stream.linear.gather [hbm4b:s10+s3], $0x80, $0x38;
	[tilespmem:$0x1C200] =	vst v63  }
0xb0: {  	_ = 	snop  }
0xb1: {  	[tilespmem:s21], [sflag:$0x1] =	stream.linear.gather [hbm4b:s11+s3], $0x80, $0x38;
	[tilespmem:$0x1C200] =	vst v63  }
0xb2: {  	_ =	swait.ge [sflag:s25], $0x4000  }
0xb3: {  	[sflag:s25] =	ssyncset.done $0x0  }
0xb4: {  	[sflag:s25] =	ssyncadd.s32 $0xFFFFC000  }
0xb5: {  	_ =	swait.ge [sflag:s24], $0x80  }
0xb6: {  	[sflag:s24] =	ssyncset.done $0x0  }
0xb7: {  	[sflag:s24] =	ssyncadd.s32 $0xFFFFFF80  }
0xb8: {  	_ =	swait.ge [sflag:s24], $0x80  }
0xb9: {  	s0 =	sshll.u32 s2, $0x6;
	s28 =	sadd.s32 $0x1, s28;
	[sflag:s24] =	ssyncset.done $0x0  }
0xba: {  	s29 =	sshrl.u32 s12, $0x3;
	p0 =	sne.s32 s28, s14;
	[sflag:s24] =	ssyncadd.s32 $0xFFFFFF80  }
.Ltmp2:
0xbb: {  	s0 =	sor.u32 $0x1C03, s0;
	[bflag:$0x0] =	sbarrier.arrive $0xFFFF;
	(pc) =	sbr.rel @p0 .LBB2_1-.Ltmp2, $4  }
0xbc: {  	[hbm:s13], [sflag:s0] =	dma.local [spmem:s29], $0x2800  }
0xbd: {  	_ =	swait.ge [sflag:s23], $0x2800  }
0xbe: {  	[sflag:s23] =	ssyncset.done $0x0  }
0xbf: {  	[sflag:s23] =	ssyncadd.s32 $0xFFFFD800  }
0xc0: {  	_ =	sfence.sel $0x180000  }
0xc1: {  	[bflag:$0x0] =	sbarrier.arrive $0xFFFF  }
0xc2: {  	_ =	strace $0x9000004A  }
0xc3: {  	[bflag:$0x2] =	sbarrier.arrive $0xFFFF  }
0xc4: {  	p0 =	sne.s32 s2, $0x0;
	s0 =	rddreg [dreg:$0x2]  }
0xc5: {  	s0 =	sadd.s32 @!p0 $0x100000, s0  }
0xc6: {  	[sflag:s0] =	ssyncadd.tile.s32 @!p0 $0x1;
	_ =	shalt  }
.Lfunc_end2:
_tile_overlayer_lowered:
.L_overlay_start_2:
0xc7: {  	(tag) =	ssettag $0x2  }
0xc8: {  	s0 =	rddreg [dreg:$0x0];
	s2 =	stileid.u32  }
0xc9: {  	s1 =	rddreg [dreg:$0x1];
	p0 =	sne.s32 s2, $0x0  }
0xca: {  	s3 =	rddreg [dreg:$0x2];
	[bflag:$0x3] =	sbarrier.arrive $0xFFFF;
	s2 =	simm.s32 @!p0 $0x1C03  }
0xcb: {  	[timem:s3], [sflag:s2] =	dma.local @!p0 [hbm:s0], s1  }
0xcc: {  	s0 =	simm.s32 @!p0 $0x3  }
0xcd: {  	_ =	swait.ge @!p0 [sflag:s0], s1  }
0xce: {  	s1 =	ssub.s32 @!p0 $0x0, s1;
	[sflag:s0] =	ssyncset.done @!p0 $0x0  }
0xcf: {  	[sflag:s0] =	ssyncadd.s32 @!p0 s1  }
0xd0: {  	[bflag:$0x3] =	sbarrier.arrive $0xFFFF  }
0xd1: {  	_ =	shalt  }

// kernel: kernel.14.cloned.1.call-start
scs
__scs_entry_jumppad:
0x0: {  	(pc) =	sbr.rel $0x88, $3  }
0x1: {  	(tag) =	ssettag $0x0;
	lr =	simm.s32 $0x1  }
0x2: {  	[smem:$0x3F99] =	sst lr;
	_ =	strace $0xD0000000  }
0x3: {  	_ = 	snop  }
0x4: {  	_ = 	snop  }
0x5: {  	_ = 	snop  }
0x6: {  	_ = 	snop  }
0x7: {  	_ = 	snop  }
__scs_overlays_trampoline_lowered:
0x8: {  	[smem:$0x3FA8] =	sst s0  }
0x9: {  	[smem:$0x3FA9] =	sst s1  }
0xa: {  	[smem:$0x3FAA] =	sst s2  }
0xb: {  	[smem:$0x3FAB] =	sst s3  }
0xc: {  	[smem:$0x3FAC] =	sst s4  }
0xd: {  	[smem:$0x3FAD] =	sst s5  }
0xe: {  	[smem:$0x3FAE] =	sst s6  }
0xf: {  	[smem:$0x3FAF] =	sst s7  }
0x10: {  	[smem:$0x3FB0] =	sst s8  }
0x11: {  	[smem:$0x3FB1] =	sst s9;
	s0 =	simm.s32 @!p0 $0x0  }
0x12: {  	s1 =	sld [smem:$0x3F97];
	s0 =	simm.s32 @p0 $0x1  }
0x13: {  	[smem:$0x3FB2] =	sst s0;
	s0 =	simm.s32 @!p1 $0x0  }
0x14: {  	s2 =	sld [smem:$0x3F96];
	s0 =	simm.s32 @p1 $0x1  }
0x15: {  	[smem:$0x3FB3] =	sst s0;
	s0 =	simm.s32 @!p2 $0x0  }
0x16: {  	s3 =	sld [smem:$0x3FDB];
	s0 =	simm.s32 @p2 $0x1  }
0x17: {  	s4 =	simm.s32 $0x1BF5;
	[smem:$0x3FB5] =	sst s0  }
0x18: {  	s0 =	sld [smem:$0x3F98];
	_ =	swait.ge [sflag:s4], $0x0  }
0x19: {  	s7 =	sld [smem:$0x3F99]  }
0x1a: {  	s8 =	sadd.s32 $0xFFFFE003, lr  }
0x1b: {  	s9 =	sadd.s32 $0xFFFFFEF7, lr;
	s5 =	simm.s32 $0xFFFFFFFF;
	p2 =	slt.u32 s8, $0xFFFFF086  }
0x1c: {  	p1 =	slt.u32 s9, $0xF7A;
	s5 =	simm.s32 @!p2 $0x0  }
0x1d: {  	s5 =	simm.s32 @p1 $0x1;
	p0 =	seq.s32 s7, s2  }
0x1e: {  	s7 =	smul.u32 @!p0 $0xF7A, s2;
	p2 =	seq.s32 @!p0 s5, $0x0  }
0x1f: {  	s9 =	smul.u32 $0xF7A, s1;
	s8 =	simm.s32 @!p0 $0x1BF5;
	p2 =	por !p2, p0  }
0x20: {  	[sflag:s8] =	ssyncset.s32 @!p0 $0xFFFFF086;
	s6 =	sadd.s32 @!p0 s3, s7;
	s7 =	simm.s32 @!p0 $0x108  }
0x21: {  	s3 =	sadd.s32 s3, s9;
	s6 =	sadd.s32 @!p0 $0x88, s6;
	s7 =	simm.s32 @p2 $0x1082  }
0x22: {  	[simem:s7], [sflag:s8] =	dma.local @!p0 [hbm:s6], $0xF7A  }
0x23: {  	s9 =	sor.u32 $0xD0000000, s2;
	s6 =	simm.s32 $0x108;
	_ =	swait.ge @!p0 [sflag:s8], $0x0  }
0x24: {  	s3 =	sadd.s32 $0x88, s3;
	s6 =	simm.s32 @!p1 $0x1082;
	[sflag:s4] =	ssyncset.s32 $0xFFFFF086  }
0x25: {  	[simem:s6], [sflag:s4] =	dma.local [hbm:s3], $0xF7A  }
0x26: {  	[smem:$0x3F99] =	sst s1;
	(tag) =	ssettag s2;
	_ =	strace s9  }
0x27: {  	s1 =	sld [smem:$0x3FA9]  }
0x28: {  	s2 =	sld [smem:$0x3FAA]  }
0x29: {  	s4 =	sld [smem:$0x3FAC]  }
0x2a: {  	p0 =	seq.s32 s5, $0x0;
	s5 =	sld [smem:$0x3FAD]  }
0x2b: {  	s6 =	sld [smem:$0x3FAE]  }
0x2c: {  	s7 =	sld [smem:$0x3FAF]  }
0x2d: {  	s3 =	simm.s32 $0x108;
	s8 =	sld [smem:$0x3FB0]  }
0x2e: {  	s3 =	simm.s32 @!p0 $0x1082;
	s9 =	sld [smem:$0x3FB1]  }
0x2f: {  	lr =	sadd.s32 s0, s3;
	s0 =	sld [smem:$0x3FA8]  }
0x30: {  	s3 =	sld [smem:$0x3FAB]  }
0x31: {  	[smem:$0x3FB4] =	sst s10  }
0x32: {  	s10 =	sld [smem:$0x3FB2];
	_ =	sdelay $0x3  }
0x33: {  	p0 =	seq.s32 s10, $0x1;
	s10 =	sld [smem:$0x3FB4];
	_ =	sdelay $0x3  }
0x34: {  	[smem:$0x3FB4] =	sst s10  }
0x35: {  	s10 =	sld [smem:$0x3FB3];
	_ =	sdelay $0x3  }
0x36: {  	p1 =	seq.s32 s10, $0x1;
	s10 =	sld [smem:$0x3FB4];
	_ =	sdelay $0x3  }
0x37: {  	[smem:$0x3FB4] =	sst s10  }
0x38: {  	s10 =	sld [smem:$0x3FB5]  }
0x39: {  	_ = 	snop;
	(pc) =	sbr.ind lr, $3  }
0x3a: {  	_ = 	snop  }
0x3b: {  	_ = 	snop  }
0x3c: {  	p2 =	seq.s32 s10, $0x1;
	s10 =	sld [smem:$0x3FB4]  }
0x3d: {  	_ =	shalt  }
0x3e: {  	_ =	shalt  }
0x3f: {  	_ =	shalt  }
0x40: {  	_ =	shalt  }
0x41: {  	_ =	shalt  }
0x42: {  	_ =	shalt  }
0x43: {  	_ =	shalt  }
0x44: {  	_ =	shalt  }
0x45: {  	_ =	shalt  }
0x46: {  	_ =	shalt  }
0x47: {  	_ =	shalt  }
0x48: {  	_ =	shalt  }
0x49: {  	_ =	shalt  }
0x4a: {  	_ =	shalt  }
0x4b: {  	_ =	shalt  }
0x4c: {  	_ =	shalt  }
0x4d: {  	_ =	shalt  }
0x4e: {  	_ =	shalt  }
0x4f: {  	_ =	shalt  }
0x50: {  	_ =	shalt  }
0x51: {  	_ =	shalt  }
0x52: {  	_ =	shalt  }
0x53: {  	_ =	shalt  }
0x54: {  	_ =	shalt  }
0x55: {  	_ =	shalt  }
0x56: {  	_ =	shalt  }
0x57: {  	_ =	shalt  }
0x58: {  	_ =	shalt  }
0x59: {  	_ =	shalt  }
0x5a: {  	_ =	shalt  }
0x5b: {  	_ =	shalt  }
0x5c: {  	_ =	shalt  }
0x5d: {  	_ =	shalt  }
0x5e: {  	_ =	shalt  }
0x5f: {  	_ =	shalt  }
0x60: {  	_ =	shalt  }
0x61: {  	_ =	shalt  }
0x62: {  	_ =	shalt  }
0x63: {  	_ =	shalt  }
0x64: {  	_ =	shalt  }
0x65: {  	_ =	shalt  }
0x66: {  	_ =	shalt  }
0x67: {  	_ =	shalt  }
0x68: {  	_ =	shalt  }
0x69: {  	_ =	shalt  }
0x6a: {  	_ =	shalt  }
0x6b: {  	_ =	shalt  }
0x6c: {  	_ =	shalt  }
0x6d: {  	_ =	shalt  }
0x6e: {  	_ =	shalt  }
0x6f: {  	_ =	shalt  }
0x70: {  	_ =	shalt  }
0x71: {  	_ =	shalt  }
0x72: {  	_ =	shalt  }
0x73: {  	_ =	shalt  }
0x74: {  	_ =	shalt  }
0x75: {  	_ =	shalt  }
0x76: {  	_ =	shalt  }
0x77: {  	_ =	shalt  }
0x78: {  	_ =	shalt  }
0x79: {  	_ =	shalt  }
0x7a: {  	_ =	shalt  }
0x7b: {  	_ =	shalt  }
0x7c: {  	_ =	shalt  }
0x7d: {  	_ =	shalt  }
0x7e: {  	_ =	shalt  }
0x7f: {  	_ =	shalt  }
0x80: {  	_ =	shalt  }
0x81: {  	_ =	shalt  }
0x82: {  	_ =	shalt  }
0x83: {  	_ =	shalt  }
0x84: {  	_ =	shalt  }
0x85: {  	_ =	shalt  }
0x86: {  	_ =	shalt  }
0x87: {  	_ =	shalt  }
.Lfunc_end0:
.L_simem_size_0:
called_computation.2_lowered:
.L_overlay_start_0:
0x88: {  	s2 =	sld [smem:$0x3FD9]  }
0x89: {  	s3 =	sld [smem:$0x3FFE];
	_ =	sdelay $0x1  }
0x8a: {  	s1 =	srdreg.scid  }
0x8b: {  	s0 =	sand.u32 $0x1, s1  }
0x8c: {  	s16 =	sshll.u32 s0, $0xA;
	s2 =	sadd.s32 s3, s2  }
0x8d: {  	s2 =	sadd.s32 s2, s16  }
0x8e: {  	[smem:$0x3FC0] =	sst s2  }
0x8f: {  	_ = 	snop  }
0x90: {  	(tm) =	ssettm $0x1  }
0x91: {  	s17 =	sld [smem:$0x3FFB];
	_ =	sdelay $0x3  }
0x92: {  	_ =	strace s17  }
0x93: {  	s2 =	sld [smem:$0x3FFC];
	_ =	sdelay $0x3  }
0x94: {  	_ =	strace s2  }
0x95: {  	s2 =	sld [smem:$0x3FFD];
	_ =	sdelay $0x3  }
0x96: {  	_ =	strace s2  }
0x97: {  	_ =	strace $0x8FFFFFFF  }
0x98: {  	s18 =	sld [smem:$0x3FDB];
	_ =	sdelay $0x1  }
0x99: {  	s19 =	simm.s32 $_scs_section_size  }
0x9a: {  	s4 =	simm.s32 $_size__tile_overlayer_lowered;
	s5 =	simm.s32 $_tile_overlayer_lowered  }
0x9b: {  	s22 =	simm.s32 $0x1BFF;
	s21 =	sshll.u32 s5, $0x1;
	s2 =	sadd.s32 s19, s18  }
0x9c: {  	s6 =	simm.s32 $0x0;
	s20 =	sshll.u32 s4, $0x1;
	s4 =	sadd.s32 s21, s2  }
0x9d: {  	[timem:s6], [sflag:s22] =	dma.local [hbm:s4], s20  }
0x9e: {  	_ =	swait.ge [sflag:s22], s20  }
0x9f: {  	s3 =	ssub.s32 $0x0, s20;
	[sflag:s22] =	ssyncset.done $0x0  }
0xa0: {  	[sflag:s22] =	ssyncadd.s32 s3;
	_ =	sdelay $0x1  }
0xa1: {  	s23 =	simm.s32 $0x1B8B  }
0xa2: {  	_ =	swait.ge [sflag:s23], $0x1  }
0xa3: {  	[sflag:s23] =	ssyncset.done $0x0  }
0xa4: {  	s25 =	simm.s32 $0x1B8E;
	s24 =	sld [smem:$0x3FFE];
	[sflag:s23] =	ssyncadd.s32 $0xFFFFFFFF  }
0xa5: {  	s26 =	simm.s32 $execute0_lowered;
	[smem:$0x3FD2] =	sst s25  }
0xa6: {  	s4 =	sshll.u32 s26, $0x1;
	_ =	strace $0x8000004C;
	[dreg:$0x1] =	wrdreg $0xFFFFFFFF  }
0xa7: {  	s28 =	simm.s32 $_size_execute0_lowered;
	s2 =	sadd.s32 s2, s4;
	[dreg:$0x0] =	wrdreg $0x0  }
0xa8: {  	s4 =	sshll.u32 s28, $0x1;
	[dreg:$0x2] =	wrdreg s2  }
0xa9: {  	[dreg:$0x3] =	wrdreg s4  }
0xaa: {  	[dreg:$0x4] =	wrdreg $0xC0  }
0xab: {  	_ =	task [dreg:s6], $0x5FFFF  }
0xac: {  	[dreg:$0x1] =	wrdreg $0xFFFFFFFF  }
0xad: {  	[dreg:$0x0] =	wrdreg $0x60  }
0xae: {  	[dreg:$0x2] =	wrdreg s24  }
0xaf: {  	[dreg:$0x3] =	wrdreg $0x82000  }
0xb0: {  	[dreg:$0x4] =	wrdreg $0x9  }
0xb1: {  	_ =	task.clear_ibuf [dreg:s6], $0x5FFFF;
	_ =	strace $0x9000004C  }
0xb2: {  	s29 =	simm.s32 $0x9;
	_ =	strace $0x8000004E  }
0xb3: {  	_ =	swait.ge [sflag:s29], $0x1  }
0xb4: {  	[sflag:s29] =	ssyncadd.s32 $0xFFFFFFFF  }
0xb5: {  	_ =	strace $0x9000004E  }
0xb6: {  	_ =	sfence  }
0xb7: {  	s30 =	sld [smem:$0x0];
	_ =	sdelay $0x2  }
0xb8: {  	s31 =	sshll.u32 s1, $0xD;
	s1 =	sshrl.u32 s1, $0x2  }
0xb9: {  	s3 =	sand.u32 $0x4000, s31;
	s1 =	sadd.s32 s1, s30  }
0xba: {  	s0 =	sor.u32 s3, s0;
	s1 =	sshll.u32 s1, $0x11  }
0xbb: {  	s0 =	sor.u32 s1, s0  }
0xbc: {  	s0 =	sadd.s32 $0x8F2B, s0  }
0xbd: {  	[sflag:s0] =	ssyncadd.remote.s32 $0x1  }
0xbe: {  	_ =	sfence.sel $0xFFFF  }
0xbf: {  	[dreg:$0x0] =	wrdreg $0xFFFFFFFF;
	(pc) =	sbr.abs _section_cstart, $3  }
0xc0: {  	[dreg:$0x1] =	wrdreg $0xFFFFFFFF  }
0xc1: {  	_ =	task.clear_ibuf [dreg:s6], $0x2FFFF;
	_ =	strace $0x9FFFFFFF  }
0xc2: {  	(tm) =	ssettm $0x7FFFFFFF  }
0xc3: {  	_ =	shalt  }
tec
execute0_lowered:
.L_overlay_start_1:
0x0: {  	(tag) =	ssettag $0x1  }
0x1: {  	s8 =	rddreg [dreg:$0x0]  }
0x2: {  	s1 =	rddreg [dreg:$0x1];
	s2 =	srdreg.scid;
	s3 =	simm.s32 $0x0  }
0x3: {  	s19 =	simm.s32 $0x100;
	s20 =	simm.s32 $0x80;
	s21 =	simm.s32 $0x180  }
0x4: {  	s22 =	simm.s32 $0x200;
	s23 =	simm.s32 $0x3;
	s24 =	simm.s32 $0x1  }
0x5: {  	s25 =	simm.s32 $0x2;
	s9 =	sand.u32 $0x1, s2;
	s2 =	stileid.u32  }
0x6: {  	s28 =	simm.s32 $0x0;
	[smem:$0x7FF] =	sst s3;
	s6 =	smul.u32 $0x140000, s9  }
0x7: {  	s4 =	sadd.s32 $0x16000, s8;
	s7 =	smul.u32 $0x14000, s2;
	s5 =	sshll.u32 s2, $0x1  }
0x8: {  	_ =	strace $0x8000004D;
	s13 =	smul.u32 $0x50000, s2;
	s10 =	sor.u32 s9, s5  }
0x9: {  	s5 =	sadd.s32 $0x2000, s8;
	s9 =	ssub.s32 $0x2, s9;
	s11 =	sadd.s32 s7, s6  }
0xa: {  	s6 =	smul.u32 $0x2800, s10;
	s7 =	sadd.s32 $0xC000, s8;
	s29 =	sshrl.u32 s9, $0x1  }
0xb: {  	s31 =	sshrl.u32 s13, $0x2;
	s26 =	sshrl.u32 s11, $0x3;
	s15 =	ssub.s32 s9, s29  }
0xc: {  	s12 =	sshrl.u32 s6, $0x3;
	s14 =	sadd.s32 s26, s8;
	s26 =	simm.s32 $0x4200  }
0xd: {  	s8 =	sadd.s32 s5, s12;
	s9 =	sadd.s32 s7, s12;
	s30 =	sor.u32 $0x10, s12  }
0xe: {  	s12 =	sadd.s32 s31, s1;
	s13 =	sadd.s32 $0x3E000, s14;
	s14 =	smax.u32 s15, $0x1  }
0xf: {  	s10 =	sadd.s32 s5, s30;
	s11 =	sadd.s32 s7, s30;
	s15 =	sadd.s32 $0x4000, s12  }
0x10: {  	v0 =	vimm.f32 $0.0e+00;
	s16 =	sadd.s32 $0x8000, s12;
	s17 =	sadd.s32 $0xC000, s12;
	s18 =	sadd.s32 $0x10000, s12  }
.LBB2_1:
0x11: {  	[tilespmem:s3], [sflag:$0x1] =	stream.linear.gather [hbm4b:s8+s3], $0x80, $0x38;
	[tilespmem:$0x1C200] =	vst v63  }
0x12: {  	_ = 	snop  }
0x13: {  	[tilespmem:s19], [sflag:$0x1] =	stream.linear.gather [hbm4b:s9+s3], $0x80, $0x38;
	[tilespmem:$0x1C200] =	vst v63  }
0x14: {  	_ = 	snop  }
0x15: {  	[tilespmem:s20], [sflag:$0x1] =	stream.linear.gather [hbm4b:s10+s3], $0x80, $0x38;
	[tilespmem:$0x1C200] =	vst v63  }
0x16: {  	s29 =	simm.s32 $0x0;
	s30 =	simm.s32 $0x200  }
0x17: {  	[tilespmem:s21], [sflag:$0x1] =	stream.linear.gather [hbm4b:s11+s3], $0x80, $0x38;
	[tilespmem:$0x1C200] =	vst v63  }
.LBB2_2:
0x18: {  	p0 =	sne.s32 s30, $0xFE00;
	[tilespmem:s29+$0x270] =	vst v0  }
0x19: {  	[tilespmem:s29+$0x200] =	vst v0  }
0x1a: {  	[tilespmem:s29+$0x210] =	vst v0  }
.Ltmp0:
0x1b: {  	[tilespmem:s29+$0x220] =	vst v0;
	(pc) =	sbr.rel @p0 .LBB2_2-.Ltmp0, $4  }
0x1c: {  	[tilespmem:s29+$0x230] =	vst v0  }
0x1d: {  	[tilespmem:s29+$0x240] =	vst v0  }
0x1e: {  	[tilespmem:s29+$0x250] =	vst v0  }
0x1f: {  	[tilespmem:s29+$0x260] =	vst v0;
	s29 =	sshra.s32 s30, $0x2;
	s30 =	sadd.s32 $0x200, s30  }
0x20: {  	[tilespmem:s29+$0x270] =	vst v0  }
0x21: {  	[tilespmem:s29+$0x200] =	vst v0  }
0x22: {  	[tilespmem:s29+$0x210] =	vst v0  }
0x23: {  	[tilespmem:s29+$0x220] =	vst v0  }
0x24: {  	[tilespmem:s29+$0x230] =	vst v0  }
0x25: {  	[tilespmem:s29+$0x240] =	vst v0  }
0x26: {  	[tilespmem:s29+$0x250] =	vst v0  }
0x27: {  	[tilespmem:s29+$0x260] =	vst v0  }
0x28: {  	[spmem:s12] =	stream.linear.scatter [tilespmem:s22], [sflag:$0x3], $0x4000, $0x38;
	[tilespmem:$0x1C200] =	vst v63  }
0x29: {  	_ =	swait.ge [sflag:s23], $0x4000  }
0x2a: {  	[sflag:s23] =	ssyncset.done $0x0  }
0x2b: {  	[sflag:s23] =	ssyncadd.s32 $0xFFFFC000  }
0x2c: {  	[spmem:s15] =	stream.linear.scatter [tilespmem:s22], [sflag:$0x3], $0x4000, $0x38;
	[tilespmem:$0x1C200] =	vst v63  }
0x2d: {  	_ =	swait.ge [sflag:s23], $0x4000  }
0x2e: {  	[sflag:s23] =	ssyncset.done $0x0  }
0x2f: {  	[sflag:s23] =	ssyncadd.s32 $0xFFFFC000  }
0x30: {  	[spmem:s16] =	stream.linear.scatter [tilespmem:s22], [sflag:$0x3], $0x4000, $0x38;
	[tilespmem:$0x1C200] =	vst v63  }
0x31: {  	_ =	swait.ge [sflag:s23], $0x4000  }
0x32: {  	[sflag:s23] =	ssyncset.done $0x0  }
0x33: {  	[sflag:s23] =	ssyncadd.s32 $0xFFFFC000  }
0x34: {  	[spmem:s17] =	stream.linear.scatter [tilespmem:s22], [sflag:$0x3], $0x4000, $0x38;
	[tilespmem:$0x1C200] =	vst v63  }
0x35: {  	_ =	swait.ge [sflag:s23], $0x4000  }
0x36: {  	[sflag:s23] =	ssyncset.done $0x0  }
0x37: {  	[sflag:s23] =	ssyncadd.s32 $0xFFFFC000  }
0x38: {  	[spmem:s18] =	stream.linear.scatter [tilespmem:s22], [sflag:$0x3], $0x4000, $0x38;
	[tilespmem:$0x1C200] =	vst v63  }
0x39: {  	_ =	swait.ge [sflag:s23], $0x4000  }
0x3a: {  	[sflag:s23] =	ssyncset.done $0x0  }
0x3b: {  	[sflag:s23] =	ssyncadd.s32 $0xFFFFC000  }
0x3c: {  	[bflag:$0x0] =	sbarrier.arrive $0xFFFF  }
0x3d: {  	_ =	swait.ge [sflag:s24], $0x80  }
0x3e: {  	[sflag:s24] =	ssyncset.done $0x0  }
0x3f: {  	[sflag:s24] =	ssyncadd.s32 $0xFFFFFF80  }
0x40: {  	_ =	swait.ge [sflag:s24], $0x80  }
0x41: {  	[sflag:s24] =	ssyncset.done $0x0  }
0x42: {  	[sflag:s24] =	ssyncadd.s32 $0xFFFFFF80  }
0x43: {  	[tilespmem:s22], [sflag:$0x2] =	stream.indirect.gather [hbm4b:s4+s20], $0x80, s3, s20, $0xb8;
	[tilespmem:$0x1C200] =	vst v63  }
0x44: {  	_ =	swait.ge [sflag:s25], $0x4000  }
0x45: {  	[sflag:s25] =	ssyncset.done $0x0  }
0x46: {  	[sflag:s25] =	ssyncadd.s32 $0xFFFFC000  }
0x47: {  	_ =	swait.ge [sflag:s24], $0x80  }
0x48: {  	[sflag:s24] =	ssyncset.done $0x0  }
0x49: {  	[sflag:s24] =	ssyncadd.s32 $0xFFFFFF80  }
0x4a: {  	_ =	swait.ge [sflag:s24], $0x80  }
0x4b: {  	s29 =	simm.s32 $0x100;
	[sflag:s24] =	ssyncset.done $0x0  }
0x4c: {  	s30 =	sand.u32 $0x3C00, s29;
	[sflag:s24] =	ssyncadd.s32 $0xFFFFFF80  }
0x4d: {  	[tilespmem:s26], [sflag:$0x2] =	stream.indirect.gather [hbm4b:s4+s20], $0x80, s20, s20, $0xb8;
	[tilespmem:$0x1C200] =	vst v63  }
0x4e: {  	s29 =	sand.u32 $0x300, s29;
	s30 =	sadd.s32 s6, s30  }
0x4f: {  	[spmem:s1] =	stream.indirect.scatter.add.f32 [tilespmem:s22], [sflag:$0x3], $0x80, s19, s20, $0xb8;
	[tilespmem:$0x1C200] =	vst v63  }
0x50: {  	s29 =	sor.u32 s29, s30;
	_ =	swait.ge [sflag:s23], $0x4000  }
0x51: {  	s29 =	sshrl.u32 s29, $0x3;
	[sflag:s23] =	ssyncset.done $0x0  }
0x52: {  	s0 =	sadd.s32 s5, s29;
	[sflag:s23] =	ssyncadd.s32 $0xFFFFC000  }
0x53: {  	[tilespmem:s3], [sflag:$0x1] =	stream.linear.gather [hbm4b:s0+s3], $0x80, $0x38;
	[tilespmem:$0x1C200] =	vst v63  }
0x54: {  	s29 =	sadd.s32 s7, s29  }
0x55: {  	[tilespmem:s19], [sflag:$0x1] =	stream.linear.gather [hbm4b:s29+s3], $0x80, $0x38;
	[tilespmem:$0x1C200] =	vst v63  }
0x56: {  	_ =	swait.ge [sflag:s25], $0x4000  }
0x57: {  	[sflag:s25] =	ssyncset.done $0x0  }
0x58: {  	[sflag:s25] =	ssyncadd.s32 $0xFFFFC000  }
0x59: {  	_ =	swait.ge [sflag:s24], $0x80  }
0x5a: {  	[sflag:s24] =	ssyncset.done $0x0  }
0x5b: {  	[sflag:s24] =	ssyncadd.s32 $0xFFFFFF80  }
0x5c: {  	_ =	swait.ge [sflag:s24], $0x80  }
0x5d: {  	s29 =	simm.s32 $0x180;
	[sflag:s24] =	ssyncset.done $0x0  }
0x5e: {  	s0 =	sand.u32 $0x3C00, s29;
	[sflag:s24] =	ssyncadd.s32 $0xFFFFFF80  }
0x5f: {  	[tilespmem:s22], [sflag:$0x2] =	stream.indirect.gather [hbm4b:s4+s20], $0x80, s3, s20, $0xb8;
	[tilespmem:$0x1C200] =	vst v63  }
0x60: {  	s29 =	sand.u32 $0x380, s29;
	s30 =	sadd.s32 s6, s0  }
0x61: {  	[spmem:s1] =	stream.indirect.scatter.add.f32 [tilespmem:s26], [sflag:$0x3], $0x80, s21, s20, $0xb8;
	[tilespmem:$0x1C200] =	vst v63  }
0x62: {  	s29 =	sor.u32 s29, s30;
	_ =	swait.ge [sflag:s23], $0x4000  }
0x63: {  	s30 =	sshrl.u32 s29, $0x3;
	[sflag:s23] =	ssyncset.done $0x0  }
0x64: {  	s29 =	sadd.s32 s5, s30;
	[sflag:s23] =	ssyncadd.s32 $0xFFFFC000  }
0x65: {  	[tilespmem:s20], [sflag:$0x1] =	stream.linear.gather [hbm4b:s29+s3], $0x80, $0x38;
	[tilespmem:$0x1C200] =	vst v63  }
0x66: {  	s31 =	sadd.s32 s7, s30;
	s29 =	simm.s32 $0x280  }
.LBB2_4:
0x67: {  	p0 =	sne.s32 s29, $0x2780;
	s30 =	smov.u32 s29;
	s29 =	sadd.s32 $0x100, s29  }
0x68: {  	[tilespmem:s21], [sflag:$0x1] =	stream.linear.gather [hbm4b:s31+s3], $0x80, $0x38;
	[tilespmem:$0x1C200] =	vst v63  }
0x69: {  	_ =	swait.ge [sflag:s25], $0x4000  }
0x6a: {  	[sflag:s25] =	ssyncset.done $0x0  }
0x6b: {  	[sflag:s25] =	ssyncadd.s32 $0xFFFFC000  }
0x6c: {  	_ =	swait.ge [sflag:s24], $0x80  }
0x6d: {  	[sflag:s24] =	ssyncset.done $0x0  }
0x6e: {  	[sflag:s24] =	ssyncadd.s32 $0xFFFFFF80  }
0x6f: {  	_ =	swait.ge [sflag:s24], $0x80  }
0x70: {  	[sflag:s24] =	ssyncset.done $0x0  }
0x71: {  	s31 =	sadd.s32 $0xFFFFFF80, s30;
	[sflag:s24] =	ssyncadd.s32 $0xFFFFFF80  }
0x72: {  	[tilespmem:s26], [sflag:$0x2] =	stream.indirect.gather [hbm4b:s4+s20], $0x80, s20, s20, $0xb8;
	[tilespmem:$0x1C200] =	vst v63  }
0x73: {  	s0 =	sand.u32 $0x3C00, s31;
	s31 =	sand.u32 $0x300, s31  }
0x74: {  	[spmem:s1] =	stream.indirect.scatter.add.f32 [tilespmem:s22], [sflag:$0x3], $0x80, s19, s20, $0xb8;
	[tilespmem:$0x1C200] =	vst v63  }
0x75: {  	s0 =	sadd.s32 s6, s0;
	_ =	swait.ge [sflag:s23], $0x4000  }
0x76: {  	s0 =	sor.u32 s31, s0;
	[sflag:s23] =	ssyncset.done $0x0  }
0x77: {  	s0 =	sshrl.u32 s0, $0x3;
	[sflag:s23] =	ssyncadd.s32 $0xFFFFC000  }
0x78: {  	s31 =	sadd.s32 s5, s0;
	s0 =	sadd.s32 s7, s0  }
0x79: {  	[tilespmem:s3], [sflag:$0x1] =	stream.linear.gather [hbm4b:s31+s3], $0x80, $0x38;
	[tilespmem:$0x1C200] =	vst v63  }
0x7a: {  	_ = 	snop  }
0x7b: {  	[tilespmem:s19], [sflag:$0x1] =	stream.linear.gather [hbm4b:s0+s3], $0x80, $0x38;
	[tilespmem:$0x1C200] =	vst v63  }
0x7c: {  	_ =	swait.ge [sflag:s25], $0x4000  }
0x7d: {  	[sflag:s25] =	ssyncset.done $0x0  }
0x7e: {  	[sflag:s25] =	ssyncadd.s32 $0xFFFFC000  }
0x7f: {  	_ =	swait.ge [sflag:s24], $0x80  }
0x80: {  	[sflag:s24] =	ssyncset.done $0x0  }
0x81: {  	[sflag:s24] =	ssyncadd.s32 $0xFFFFFF80  }
0x82: {  	_ =	swait.ge [sflag:s24], $0x80  }
0x83: {  	[sflag:s24] =	ssyncset.done $0x0  }
0x84: {  	s0 =	sand.u32 $0x3C00, s30;
	[sflag:s24] =	ssyncadd.s32 $0xFFFFFF80  }
0x85: {  	[tilespmem:s22], [sflag:$0x2] =	stream.indirect.gather [hbm4b:s4+s20], $0x80, s3, s20, $0xb8;
	[tilespmem:$0x1C200] =	vst v63  }
0x86: {  	s30 =	sand.u32 $0x380, s30;
	s0 =	sadd.s32 s6, s0  }
0x87: {  	[spmem:s1] =	stream.indirect.scatter.add.f32 [tilespmem:s26], [sflag:$0x3], $0x80, s21, s20, $0xb8;
	[tilespmem:$0x1C200] =	vst v63  }
.Ltmp1:
0x88: {  	_ = 	snop;
	(pc) =	sbr.rel @p0 .LBB2_4-.Ltmp1, $4  }
0x89: {  	s0 =	sor.u32 s30, s0;
	_ =	swait.ge [sflag:s23], $0x4000  }
0x8a: {  	s0 =	sshrl.u32 s0, $0x3;
	[sflag:s23] =	ssyncset.done $0x0  }
0x8b: {  	s30 =	sadd.s32 s5, s0;
	s31 =	sadd.s32 s7, s0;
	[sflag:s23] =	ssyncadd.s32 $0xFFFFC000  }
0x8c: {  	[tilespmem:s20], [sflag:$0x1] =	stream.linear.gather [hbm4b:s30+s3], $0x80, $0x38;
	[tilespmem:$0x1C200] =	vst v63  }
0x8d: {  	[tilespmem:s21], [sflag:$0x1] =	stream.linear.gather [hbm4b:s31+s3], $0x80, $0x38;
	[tilespmem:$0x1C200] =	vst v63  }
0x8e: {  	_ =	swait.ge [sflag:s25], $0x4000  }
0x8f: {  	[sflag:s25] =	ssyncset.done $0x0  }
0x90: {  	[sflag:s25] =	ssyncadd.s32 $0xFFFFC000  }
0x91: {  	_ =	swait.ge [sflag:s24], $0x80  }
0x92: {  	[sflag:s24] =	ssyncset.done $0x0  }
0x93: {  	[sflag:s24] =	ssyncadd.s32 $0xFFFFFF80  }
0x94: {  	_ =	swait.ge [sflag:s24], $0x80  }
0x95: {  	[sflag:s24] =	ssyncset.done $0x0  }
0x96: {  	[sflag:s24] =	ssyncadd.s32 $0xFFFFFF80  }
0x97: {  	[tilespmem:s26], [sflag:$0x2] =	stream.indirect.gather [hbm4b:s4+s20], $0x80, s20, s20, $0xb8;
	[tilespmem:$0x1C200] =	vst v63  }
0x98: {  	_ = 	snop  }
0x99: {  	[spmem:s1] =	stream.indirect.scatter.add.f32 [tilespmem:s22], [sflag:$0x3], $0x80, s19, s20, $0xb8;
	[tilespmem:$0x1C200] =	vst v63  }
0x9a: {  	_ =	swait.ge [sflag:s23], $0x4000  }
0x9b: {  	[sflag:s23] =	ssyncset.done $0x0  }
0x9c: {  	[sflag:s23] =	ssyncadd.s32 $0xFFFFC000  }
0x9d: {  	[tilespmem:s3], [sflag:$0x1] =	stream.linear.gather [hbm4b:s8+s3], $0x80, $0x38;
	[tilespmem:$0x1C200] =	vst v63  }
0x9e: {  	_ = 	snop  }
0x9f: {  	[tilespmem:s19], [sflag:$0x1] =	stream.linear.gather [hbm4b:s9+s3], $0x80, $0x38;
	[tilespmem:$0x1C200] =	vst v63  }
0xa0: {  	_ =	swait.ge [sflag:s25], $0x4000  }
0xa1: {  	[sflag:s25] =	ssyncset.done $0x0  }
0xa2: {  	[sflag:s25] =	ssyncadd.s32 $0xFFFFC000  }
0xa3: {  	_ =	swait.ge [sflag:s24], $0x80  }
0xa4: {  	[sflag:s24] =	ssyncset.done $0x0  }
0xa5: {  	[sflag:s24] =	ssyncadd.s32 $0xFFFFFF80  }
0xa6: {  	_ =	swait.ge [sflag:s24], $0x80  }
0xa7: {  	[sflag:s24] =	ssyncset.done $0x0  }
0xa8: {  	[sflag:s24] =	ssyncadd.s32 $0xFFFFFF80  }
0xa9: {  	[tilespmem:s22], [sflag:$0x2] =	stream.indirect.gather [hbm4b:s4+s20], $0x80, s3, s20, $0xb8;
	[tilespmem:$0x1C200] =	vst v63  }
0xaa: {  	_ = 	snop  }
0xab: {  	[spmem:s1] =	stream.indirect.scatter.add.f32 [tilespmem:s26], [sflag:$0x3], $0x80, s21, s20, $0xb8;
	[tilespmem:$0x1C200] =	vst v63  }
0xac: {  	_ =	swait.ge [sflag:s23], $0x4000  }
0xad: {  	[sflag:s23] =	ssyncset.done $0x0  }
0xae: {  	[sflag:s23] =	ssyncadd.s32 $0xFFFFC000  }
0xaf: {  	[tilespmem:s20], [sflag:$0x1] =	stream.linear.gather [hbm4b:s10+s3], $0x80, $0x38;
	[tilespmem:$0x1C200] =	vst v63  }
0xb0: {  	_ = 	snop  }
0xb1: {  	[tilespmem:s21], [sflag:$0x1] =	stream.linear.gather [hbm4b:s11+s3], $0x80, $0x38;
	[tilespmem:$0x1C200] =	vst v63  }
0xb2: {  	_ =	swait.ge [sflag:s25], $0x4000  }
0xb3: {  	[sflag:s25] =	ssyncset.done $0x0  }
0xb4: {  	[sflag:s25] =	ssyncadd.s32 $0xFFFFC000  }
0xb5: {  	_ =	swait.ge [sflag:s24], $0x80  }
0xb6: {  	[sflag:s24] =	ssyncset.done $0x0  }
0xb7: {  	[sflag:s24] =	ssyncadd.s32 $0xFFFFFF80  }
0xb8: {  	_ =	swait.ge [sflag:s24], $0x80  }
0xb9: {  	s0 =	sshll.u32 s2, $0x6;
	s28 =	sadd.s32 $0x1, s28;
	[sflag:s24] =	ssyncset.done $0x0  }
0xba: {  	s29 =	sshrl.u32 s12, $0x3;
	p0 =	sne.s32 s28, s14;
	[sflag:s24] =	ssyncadd.s32 $0xFFFFFF80  }
.Ltmp2:
0xbb: {  	s0 =	sor.u32 $0x1C03, s0;
	[bflag:$0x0] =	sbarrier.arrive $0xFFFF;
	(pc) =	sbr.rel @p0 .LBB2_1-.Ltmp2, $4  }
0xbc: {  	[hbm:s13], [sflag:s0] =	dma.local [spmem:s29], $0x2800  }
0xbd: {  	_ =	swait.ge [sflag:s23], $0x2800  }
0xbe: {  	[sflag:s23] =	ssyncset.done $0x0  }
0xbf: {  	[sflag:s23] =	ssyncadd.s32 $0xFFFFD800  }
0xc0: {  	_ =	sfence.sel $0x180000  }
0xc1: {  	[bflag:$0x0] =	sbarrier.arrive $0xFFFF  }
0xc2: {  	_ =	strace $0x9000004D  }
0xc3: {  	[bflag:$0x2] =	sbarrier.arrive $0xFFFF  }
0xc4: {  	p0 =	sne.s32 s2, $0x0;
	s0 =	rddreg [dreg:$0x2]  }
0xc5: {  	s0 =	sadd.s32 @!p0 $0x100000, s0  }
0xc6: {  	[sflag:s0] =	ssyncadd.tile.s32 @!p0 $0x1;
	_ =	shalt  }
.Lfunc_end2:
_tile_overlayer_lowered:
.L_overlay_start_2:
0xc7: {  	(tag) =	ssettag $0x2  }
0xc8: {  	s0 =	rddreg [dreg:$0x0];
	s2 =	stileid.u32  }
0xc9: {  	s1 =	rddreg [dreg:$0x1];
	p0 =	sne.s32 s2, $0x0  }
0xca: {  	s3 =	rddreg [dreg:$0x2];
	[bflag:$0x3] =	sbarrier.arrive $0xFFFF;
	s2 =	simm.s32 @!p0 $0x1C03  }
0xcb: {  	[timem:s3], [sflag:s2] =	dma.local @!p0 [hbm:s0], s1  }
0xcc: {  	s0 =	simm.s32 @!p0 $0x3  }
0xcd: {  	_ =	swait.ge @!p0 [sflag:s0], s1  }
0xce: {  	s1 =	ssub.s32 @!p0 $0x0, s1;
	[sflag:s0] =	ssyncset.done @!p0 $0x0  }
0xcf: {  	[sflag:s0] =	ssyncadd.s32 @!p0 s1  }
0xd0: {  	[bflag:$0x3] =	sbarrier.arrive $0xFFFF  }
0xd1: {  	_ =	shalt  }

// kernel: kernel.8.cloned.1.call-start
scs
__scs_entry_jumppad:
0x0: {  	(pc) =	sbr.rel $0x88, $3  }
0x1: {  	(tag) =	ssettag $0x0;
	lr =	simm.s32 $0x1  }
0x2: {  	[smem:$0x3F99] =	sst lr;
	_ =	strace $0xD0000000  }
0x3: {  	_ = 	snop  }
0x4: {  	_ = 	snop  }
0x5: {  	_ = 	snop  }
0x6: {  	_ = 	snop  }
0x7: {  	_ = 	snop  }
__scs_overlays_trampoline_lowered:
0x8: {  	[smem:$0x3FA8] =	sst s0  }
0x9: {  	[smem:$0x3FA9] =	sst s1  }
0xa: {  	[smem:$0x3FAA] =	sst s2  }
0xb: {  	[smem:$0x3FAB] =	sst s3  }
0xc: {  	[smem:$0x3FAC] =	sst s4  }
0xd: {  	[smem:$0x3FAD] =	sst s5  }
0xe: {  	[smem:$0x3FAE] =	sst s6  }
0xf: {  	[smem:$0x3FAF] =	sst s7  }
0x10: {  	[smem:$0x3FB0] =	sst s8  }
0x11: {  	[smem:$0x3FB1] =	sst s9;
	s0 =	simm.s32 @!p0 $0x0  }
0x12: {  	s1 =	sld [smem:$0x3F97];
	s0 =	simm.s32 @p0 $0x1  }
0x13: {  	[smem:$0x3FB2] =	sst s0;
	s0 =	simm.s32 @!p1 $0x0  }
0x14: {  	s2 =	sld [smem:$0x3F96];
	s0 =	simm.s32 @p1 $0x1  }
0x15: {  	[smem:$0x3FB3] =	sst s0;
	s0 =	simm.s32 @!p2 $0x0  }
0x16: {  	s3 =	sld [smem:$0x3FDB];
	s0 =	simm.s32 @p2 $0x1  }
0x17: {  	s4 =	simm.s32 $0x1BF5;
	[smem:$0x3FB5] =	sst s0  }
0x18: {  	s0 =	sld [smem:$0x3F98];
	_ =	swait.ge [sflag:s4], $0x0  }
0x19: {  	s7 =	sld [smem:$0x3F99]  }
0x1a: {  	s8 =	sadd.s32 $0xFFFFE003, lr  }
0x1b: {  	s9 =	sadd.s32 $0xFFFFFEF7, lr;
	s5 =	simm.s32 $0xFFFFFFFF;
	p2 =	slt.u32 s8, $0xFFFFF086  }
0x1c: {  	p1 =	slt.u32 s9, $0xF7A;
	s5 =	simm.s32 @!p2 $0x0  }
0x1d: {  	s5 =	simm.s32 @p1 $0x1;
	p0 =	seq.s32 s7, s2  }
0x1e: {  	s7 =	smul.u32 @!p0 $0xF7A, s2;
	p2 =	seq.s32 @!p0 s5, $0x0  }
0x1f: {  	s9 =	smul.u32 $0xF7A, s1;
	s8 =	simm.s32 @!p0 $0x1BF5;
	p2 =	por !p2, p0  }
0x20: {  	[sflag:s8] =	ssyncset.s32 @!p0 $0xFFFFF086;
	s6 =	sadd.s32 @!p0 s3, s7;
	s7 =	simm.s32 @!p0 $0x108  }
0x21: {  	s3 =	sadd.s32 s3, s9;
	s6 =	sadd.s32 @!p0 $0x88, s6;
	s7 =	simm.s32 @p2 $0x1082  }
0x22: {  	[simem:s7], [sflag:s8] =	dma.local @!p0 [hbm:s6], $0xF7A  }
0x23: {  	s9 =	sor.u32 $0xD0000000, s2;
	s6 =	simm.s32 $0x108;
	_ =	swait.ge @!p0 [sflag:s8], $0x0  }
0x24: {  	s3 =	sadd.s32 $0x88, s3;
	s6 =	simm.s32 @!p1 $0x1082;
	[sflag:s4] =	ssyncset.s32 $0xFFFFF086  }
0x25: {  	[simem:s6], [sflag:s4] =	dma.local [hbm:s3], $0xF7A  }
0x26: {  	[smem:$0x3F99] =	sst s1;
	(tag) =	ssettag s2;
	_ =	strace s9  }
0x27: {  	s1 =	sld [smem:$0x3FA9]  }
0x28: {  	s2 =	sld [smem:$0x3FAA]  }
0x29: {  	s4 =	sld [smem:$0x3FAC]  }
0x2a: {  	p0 =	seq.s32 s5, $0x0;
	s5 =	sld [smem:$0x3FAD]  }
0x2b: {  	s6 =	sld [smem:$0x3FAE]  }
0x2c: {  	s7 =	sld [smem:$0x3FAF]  }
0x2d: {  	s3 =	simm.s32 $0x108;
	s8 =	sld [smem:$0x3FB0]  }
0x2e: {  	s3 =	simm.s32 @!p0 $0x1082;
	s9 =	sld [smem:$0x3FB1]  }
0x2f: {  	lr =	sadd.s32 s0, s3;
	s0 =	sld [smem:$0x3FA8]  }
0x30: {  	s3 =	sld [smem:$0x3FAB]  }
0x31: {  	[smem:$0x3FB4] =	sst s10  }
0x32: {  	s10 =	sld [smem:$0x3FB2];
	_ =	sdelay $0x3  }
0x33: {  	p0 =	seq.s32 s10, $0x1;
	s10 =	sld [smem:$0x3FB4];
	_ =	sdelay $0x3  }
0x34: {  	[smem:$0x3FB4] =	sst s10  }
0x35: {  	s10 =	sld [smem:$0x3FB3];
	_ =	sdelay $0x3  }
0x36: {  	p1 =	seq.s32 s10, $0x1;
	s10 =	sld [smem:$0x3FB4];
	_ =	sdelay $0x3  }
0x37: {  	[smem:$0x3FB4] =	sst s10  }
0x38: {  	s10 =	sld [smem:$0x3FB5]  }
0x39: {  	_ = 	snop;
	(pc) =	sbr.ind lr, $3  }
0x3a: {  	_ = 	snop  }
0x3b: {  	_ = 	snop  }
0x3c: {  	p2 =	seq.s32 s10, $0x1;
	s10 =	sld [smem:$0x3FB4]  }
0x3d: {  	_ =	shalt  }
0x3e: {  	_ =	shalt  }
0x3f: {  	_ =	shalt  }
0x40: {  	_ =	shalt  }
0x41: {  	_ =	shalt  }
0x42: {  	_ =	shalt  }
0x43: {  	_ =	shalt  }
0x44: {  	_ =	shalt  }
0x45: {  	_ =	shalt  }
0x46: {  	_ =	shalt  }
0x47: {  	_ =	shalt  }
0x48: {  	_ =	shalt  }
0x49: {  	_ =	shalt  }
0x4a: {  	_ =	shalt  }
0x4b: {  	_ =	shalt  }
0x4c: {  	_ =	shalt  }
0x4d: {  	_ =	shalt  }
0x4e: {  	_ =	shalt  }
0x4f: {  	_ =	shalt  }
0x50: {  	_ =	shalt  }
0x51: {  	_ =	shalt  }
0x52: {  	_ =	shalt  }
0x53: {  	_ =	shalt  }
0x54: {  	_ =	shalt  }
0x55: {  	_ =	shalt  }
0x56: {  	_ =	shalt  }
0x57: {  	_ =	shalt  }
0x58: {  	_ =	shalt  }
0x59: {  	_ =	shalt  }
0x5a: {  	_ =	shalt  }
0x5b: {  	_ =	shalt  }
0x5c: {  	_ =	shalt  }
0x5d: {  	_ =	shalt  }
0x5e: {  	_ =	shalt  }
0x5f: {  	_ =	shalt  }
0x60: {  	_ =	shalt  }
0x61: {  	_ =	shalt  }
0x62: {  	_ =	shalt  }
0x63: {  	_ =	shalt  }
0x64: {  	_ =	shalt  }
0x65: {  	_ =	shalt  }
0x66: {  	_ =	shalt  }
0x67: {  	_ =	shalt  }
0x68: {  	_ =	shalt  }
0x69: {  	_ =	shalt  }
0x6a: {  	_ =	shalt  }
0x6b: {  	_ =	shalt  }
0x6c: {  	_ =	shalt  }
0x6d: {  	_ =	shalt  }
0x6e: {  	_ =	shalt  }
0x6f: {  	_ =	shalt  }
0x70: {  	_ =	shalt  }
0x71: {  	_ =	shalt  }
0x72: {  	_ =	shalt  }
0x73: {  	_ =	shalt  }
0x74: {  	_ =	shalt  }
0x75: {  	_ =	shalt  }
0x76: {  	_ =	shalt  }
0x77: {  	_ =	shalt  }
0x78: {  	_ =	shalt  }
0x79: {  	_ =	shalt  }
0x7a: {  	_ =	shalt  }
0x7b: {  	_ =	shalt  }
0x7c: {  	_ =	shalt  }
0x7d: {  	_ =	shalt  }
0x7e: {  	_ =	shalt  }
0x7f: {  	_ =	shalt  }
0x80: {  	_ =	shalt  }
0x81: {  	_ =	shalt  }
0x82: {  	_ =	shalt  }
0x83: {  	_ =	shalt  }
0x84: {  	_ =	shalt  }
0x85: {  	_ =	shalt  }
0x86: {  	_ =	shalt  }
0x87: {  	_ =	shalt  }
.Lfunc_end0:
.L_simem_size_0:
called_computation_lowered:
.L_overlay_start_0:
0x88: {  	s2 =	sld [smem:$0x3FD9]  }
0x89: {  	s3 =	sld [smem:$0x3FFE];
	_ =	sdelay $0x1  }
0x8a: {  	s1 =	srdreg.scid  }
0x8b: {  	s0 =	sand.u32 $0x1, s1  }
0x8c: {  	s16 =	sshll.u32 s0, $0xA;
	s2 =	sadd.s32 s3, s2  }
0x8d: {  	s2 =	sadd.s32 s2, s16  }
0x8e: {  	[smem:$0x3FC0] =	sst s2  }
0x8f: {  	_ = 	snop  }
0x90: {  	(tm) =	ssettm $0x1  }
0x91: {  	s17 =	sld [smem:$0x3FFB];
	_ =	sdelay $0x3  }
0x92: {  	_ =	strace s17  }
0x93: {  	s2 =	sld [smem:$0x3FFC];
	_ =	sdelay $0x3  }
0x94: {  	_ =	strace s2  }
0x95: {  	s2 =	sld [smem:$0x3FFD];
	_ =	sdelay $0x3  }
0x96: {  	_ =	strace s2  }
0x97: {  	_ =	strace $0x8FFFFFFF  }
0x98: {  	s18 =	sld [smem:$0x3FDB];
	_ =	sdelay $0x1  }
0x99: {  	s19 =	simm.s32 $_scs_section_size  }
0x9a: {  	s4 =	simm.s32 $_size__tile_overlayer_lowered;
	s5 =	simm.s32 $_tile_overlayer_lowered  }
0x9b: {  	s22 =	simm.s32 $0x1BFF;
	s21 =	sshll.u32 s5, $0x1;
	s2 =	sadd.s32 s19, s18  }
0x9c: {  	s6 =	simm.s32 $0x0;
	s20 =	sshll.u32 s4, $0x1;
	s4 =	sadd.s32 s21, s2  }
0x9d: {  	[timem:s6], [sflag:s22] =	dma.local [hbm:s4], s20  }
0x9e: {  	_ =	swait.ge [sflag:s22], s20  }
0x9f: {  	s3 =	ssub.s32 $0x0, s20;
	[sflag:s22] =	ssyncset.done $0x0  }
0xa0: {  	[sflag:s22] =	ssyncadd.s32 s3;
	_ =	sdelay $0x1  }
0xa1: {  	s23 =	simm.s32 $0x1B8B  }
0xa2: {  	_ =	swait.ge [sflag:s23], $0x1  }
0xa3: {  	[sflag:s23] =	ssyncset.done $0x0  }
0xa4: {  	s25 =	simm.s32 $0x1B8E;
	s24 =	sld [smem:$0x3FFE];
	[sflag:s23] =	ssyncadd.s32 $0xFFFFFFFF  }
0xa5: {  	s26 =	simm.s32 $execute0_lowered;
	[smem:$0x3FD2] =	sst s25  }
0xa6: {  	s4 =	sshll.u32 s26, $0x1;
	_ =	strace $0x80000046;
	[dreg:$0x1] =	wrdreg $0xFFFFFFFF  }
0xa7: {  	s28 =	simm.s32 $_size_execute0_lowered;
	s2 =	sadd.s32 s2, s4;
	[dreg:$0x0] =	wrdreg $0x0  }
0xa8: {  	s4 =	sshll.u32 s28, $0x1;
	[dreg:$0x2] =	wrdreg s2  }
0xa9: {  	[dreg:$0x3] =	wrdreg s4  }
0xaa: {  	[dreg:$0x4] =	wrdreg $0xC0  }
0xab: {  	_ =	task [dreg:s6], $0x5FFFF  }
0xac: {  	[dreg:$0x1] =	wrdreg $0xFFFFFFFF  }
0xad: {  	[dreg:$0x0] =	wrdreg $0x60  }
0xae: {  	[dreg:$0x2] =	wrdreg s24  }
0xaf: {  	[dreg:$0x3] =	wrdreg $0x53000  }
0xb0: {  	[dreg:$0x4] =	wrdreg $0x55800  }
0xb1: {  	[dreg:$0x5] =	wrdreg $0x9  }
0xb2: {  	_ =	task.clear_ibuf [dreg:s6], $0x6FFFF;
	_ =	strace $0x90000046  }
0xb3: {  	s29 =	simm.s32 $0x9;
	_ =	strace $0x80000048  }
0xb4: {  	_ =	swait.ge [sflag:s29], $0x1  }
0xb5: {  	[sflag:s29] =	ssyncadd.s32 $0xFFFFFFFF  }
0xb6: {  	_ =	strace $0x90000048  }
0xb7: {  	_ =	sfence  }
0xb8: {  	s30 =	sld [smem:$0x0];
	_ =	sdelay $0x2  }
0xb9: {  	s31 =	sshll.u32 s1, $0xD;
	s1 =	sshrl.u32 s1, $0x2  }
0xba: {  	s3 =	sand.u32 $0x4000, s31;
	s1 =	sadd.s32 s1, s30  }
0xbb: {  	s0 =	sor.u32 s3, s0;
	s1 =	sshll.u32 s1, $0x11  }
0xbc: {  	s0 =	sor.u32 s1, s0  }
0xbd: {  	s0 =	sadd.s32 $0x8F2B, s0  }
0xbe: {  	[sflag:s0] =	ssyncadd.remote.s32 $0x1  }
0xbf: {  	_ =	sfence.sel $0xFFFF  }
0xc0: {  	[dreg:$0x0] =	wrdreg $0xFFFFFFFF;
	(pc) =	sbr.abs _section_cstart, $3  }
0xc1: {  	[dreg:$0x1] =	wrdreg $0xFFFFFFFF  }
0xc2: {  	_ =	task.clear_ibuf [dreg:s6], $0x2FFFF;
	_ =	strace $0x9FFFFFFF  }
0xc3: {  	(tm) =	ssettm $0x7FFFFFFF  }
tec
execute0_lowered:
.L_overlay_start_1:
0x0: {  	(tag) =	ssettag $0x1  }
0x1: {  	s5 =	rddreg [dreg:$0x0]  }
0x2: {  	s1 =	rddreg [dreg:$0x1]  }
0x3: {  	s2 =	rddreg [dreg:$0x2]  }
0x4: {  	s0 =	rddreg [dreg:$0x3];
	s4 =	simm.s32 $0x0  }
0x5: {  	s6 =	srdreg.scid;
	s3 =	stileid.u32;
	s13 =	simm.s32 $0x2800  }
0x6: {  	s14 =	simm.s32 $0x5080;
	s15 =	simm.s32 $0x80;
	s16 =	simm.s32 $0x5000  }
0x7: {  	s17 =	simm.s32 $0x1;
	s19 =	simm.s32 $0x20;
	s20 =	simm.s32 $0x10  }
0x8: {  	s21 =	simm.s32 $0x0;
	[smem:$0x7FF] =	sst s4;
	s8 =	smul.u32 $0x500, s3  }
0x9: {  	s6 =	sand.u32 $0x1, s6;
	s7 =	sshll.u32 s3, $0x1;
	s10 =	smul.u32 $0x280, s3  }
0xa: {  	s18 =	sshll.u32 s3, $0x6;
	_ =	strace $0x80000047;
	s7 =	sor.u32 s6, s7  }
0xb: {  	s9 =	sshll.u32 s6, $0x7;
	s6 =	ssub.s32 $0x2, s6;
	s7 =	smul.u32 $0x500, s7  }
0xc: {  	s18 =	sor.u32 $0x1C02, s18;
	s8 =	sor.u32 s9, s8;
	s31 =	sshrl.u32 s6, $0x1  }
0xd: {  	s8 =	sshrl.u32 s8, $0x3;
	s12 =	ssub.s32 s6, s31;
	s7 =	sadd.s32 s7, s5  }
0xe: {  	s11 =	sadd.s32 s8, s5;
	s8 =	sadd.s32 s10, s2;
	s5 =	sadd.s32 $0x2000, s7  }
0xf: {  	s6 =	sadd.s32 $0xC000, s7;
	s7 =	sadd.s32 s10, s1;
	s9 =	sadd.s32 $0x16000, s11  }
0x10: {  	v0 =	vimm.f32 $1.000000000e+00;
	v1 =	vimm.f32 $0.0e+00;
	s10 =	sadd.s32 $0x16A00, s11;
	s11 =	smax.u32 s12, $0x1;
	s12 =	simm.s32 $0x2  }
.LBB2_1:
0x11: {  	[tilespmem:s4], [sflag:$0x2] =	stream.linear.gather [hbm4b:s5+s4], $0x2800, $0x38;
	[tilespmem:$0x5800] =	vst v63  }
0x12: {  	_ =	swait.ge [sflag:s12], $0x2800  }
0x13: {  	[sflag:s12] =	ssyncset.done $0x0  }
0x14: {  	[sflag:s12] =	ssyncadd.s32 $0xFFFFD800  }
0x15: {  	[tilespmem:s13], [sflag:$0x2] =	stream.linear.gather [hbm4b:s6+s4], $0x2800, $0x38;
	[tilespmem:$0x5800] =	vst v63  }
0x16: {  	_ =	swait.ge [sflag:s12], $0x2800  }
0x17: {  	[sflag:s12] =	ssyncset.done $0x0  }
0x18: {  	[sflag:s12] =	ssyncadd.s32 $0xFFFFD800  }
0x19: {  	[tilespmem:$0x5000] =	vst v0  }
0x1a: {  	[tilespmem:$0x5010] =	vst v0  }
0x1b: {  	[tilespmem:$0x5020] =	vst v0  }
0x1c: {  	[tilespmem:$0x5030] =	vst v0  }
0x1d: {  	[tilespmem:$0x5040] =	vst v0  }
0x1e: {  	[tilespmem:$0x5050] =	vst v0  }
0x1f: {  	[tilespmem:$0x5060] =	vst v0  }
0x20: {  	[tilespmem:$0x5070] =	vst v0  }
0x21: {  	[tilespmem:$0x5080] =	vst v1  }
0x22: {  	[tilespmem:$0x5090] =	vst v1  }
0x23: {  	[tilespmem:$0x50A0] =	vst v1  }
0x24: {  	[tilespmem:$0x50B0] =	vst v1  }
0x25: {  	[tilespmem:$0x50C0] =	vst v1  }
0x26: {  	[tilespmem:$0x50D0] =	vst v1  }
0x27: {  	[tilespmem:$0x50E0] =	vst v1  }
0x28: {  	[tilespmem:$0x50F0] =	vst v1  }
0x29: {  	[tilespmem:$0x5100] =	vst v1  }
0x2a: {  	[tilespmem:$0x5110] =	vst v1  }
0x2b: {  	[tilespmem:$0x5120] =	vst v1  }
0x2c: {  	[tilespmem:$0x5130] =	vst v1  }
0x2d: {  	[tilespmem:$0x5140] =	vst v1  }
0x2e: {  	[tilespmem:$0x5150] =	vst v1  }
0x2f: {  	[tilespmem:$0x5160] =	vst v1  }
0x30: {  	[tilespmem:$0x5170] =	vst v1  }
0x31: {  	[tilespmem:$0x5180] =	vst v1  }
0x32: {  	[tilespmem:$0x5190] =	vst v1  }
0x33: {  	[tilespmem:$0x51A0] =	vst v1  }
0x34: {  	[tilespmem:$0x51B0] =	vst v1  }
0x35: {  	[tilespmem:$0x51C0] =	vst v1  }
0x36: {  	[tilespmem:$0x51D0] =	vst v1  }
0x37: {  	[tilespmem:$0x51E0] =	vst v1  }
0x38: {  	[tilespmem:$0x51F0] =	vst v1  }
0x39: {  	[tilespmem:$0x5200] =	vst v1  }
0x3a: {  	[tilespmem:$0x5210] =	vst v1  }
0x3b: {  	[tilespmem:$0x5220] =	vst v1  }
0x3c: {  	[tilespmem:$0x5230] =	vst v1  }
0x3d: {  	[tilespmem:$0x5240] =	vst v1  }
0x3e: {  	[tilespmem:$0x5250] =	vst v1  }
0x3f: {  	[tilespmem:$0x5260] =	vst v1  }
0x40: {  	[tilespmem:$0x5270] =	vst v1  }
0x41: {  	[tilespmem:$0x5280] =	vst v1  }
0x42: {  	[tilespmem:$0x5290] =	vst v1  }
0x43: {  	[tilespmem:$0x52A0] =	vst v1  }
0x44: {  	[tilespmem:$0x52B0] =	vst v1  }
0x45: {  	[tilespmem:$0x52C0] =	vst v1  }
0x46: {  	[tilespmem:$0x52D0] =	vst v1  }
0x47: {  	[tilespmem:$0x52E0] =	vst v1  }
0x48: {  	[tilespmem:$0x52F0] =	vst v1  }
0x49: {  	[spmem:s7] =	stream.linear.scatter [tilespmem:s14], [sflag:$0x2], $0x280, $0x38;
	[tilespmem:$0x5800] =	vst v63  }
0x4a: {  	_ =	swait.ge [sflag:s12], $0x280  }
0x4b: {  	[sflag:s12] =	ssyncset.done $0x0  }
0x4c: {  	[sflag:s12] =	ssyncadd.s32 $0xFFFFFD80  }
0x4d: {  	[spmem:s8] =	stream.linear.scatter [tilespmem:s14], [sflag:$0x2], $0x280, $0x38;
	[tilespmem:$0x5800] =	vst v63  }
0x4e: {  	_ =	swait.ge [sflag:s12], $0x280  }
0x4f: {  	[sflag:s12] =	ssyncset.done $0x0  }
0x50: {  	[sflag:s12] =	ssyncadd.s32 $0xFFFFFD80  }
0x51: {  	s22 =	simm.s32 $0x0;
	[bflag:$0x0] =	sbarrier.arrive $0xFFFF  }
0x52: {  	[spmem:s1] =	stream.indirect.scatter.add.f32 [tilespmem:s16], [sflag:$0x1], $0x1, s22, s15, $0xb8;
	[tilespmem:$0x5800] =	vst v63  }
0x53: {  	s29 =	simm.s32 $0x80  }
0x54: {  	[spmem:s1] =	stream.indirect.scatter.add.f32 [tilespmem:s16], [sflag:$0x1], $0x1, s29, s15, $0xb8;
	[tilespmem:$0x5800] =	vst v63  }
0x55: {  	s30 =	simm.s32 $0x100  }
0x56: {  	[spmem:s1] =	stream.indirect.scatter.add.f32 [tilespmem:s16], [sflag:$0x1], $0x1, s30, s15, $0xb8;
	[tilespmem:$0x5800] =	vst v63  }
0x57: {  	s31 =	simm.s32 $0x180  }
0x58: {  	[spmem:s1] =	stream.indirect.scatter.add.f32 [tilespmem:s16], [sflag:$0x1], $0x1, s31, s15, $0xb8;
	[tilespmem:$0x5800] =	vst v63  }
0x59: {  	_ =	swait.ge [sflag:s17], $0x80  }
0x5a: {  	[sflag:s17] =	ssyncset.done $0x0  }
0x5b: {  	[sflag:s17] =	ssyncadd.s32 $0xFFFFFF80  }
0x5c: {  	_ =	swait.ge [sflag:s17], $0x80  }
0x5d: {  	[sflag:s17] =	ssyncset.done $0x0  }
0x5e: {  	[sflag:s17] =	ssyncadd.s32 $0xFFFFFF80  }
0x5f: {  	_ =	swait.ge [sflag:s17], $0x80  }
0x60: {  	[sflag:s17] =	ssyncset.done $0x0  }
0x61: {  	[sflag:s17] =	ssyncadd.s32 $0xFFFFFF80  }
0x62: {  	_ =	swait.ge [sflag:s17], $0x80  }
0x63: {  	s23 =	simm.s32 $0x1000;
	s22 =	simm.s32 $0x800;
	[sflag:s17] =	ssyncset.done $0x0  }
.LBB2_2:
0x64: {  	s24 =	sshra.s32 s22, $0x2  }
0x65: {  	[sflag:s17] =	ssyncadd.s32 $0xFFFFFF80;
	s22 =	smov.u32 s23;
	s25 =	sadd.s32 $0x800, s23  }
0x66: {  	[spmem:s1] =	stream.indirect.scatter.add.f32 [tilespmem:s16], [sflag:$0x1], $0x1, s24, s15, $0xb8;
	[tilespmem:$0x5800] =	vst v63  }
0x67: {  	p0 =	sne.s32 s23, $0x9800;
	s23 =	sadd.s32 $0x80, s24  }
0x68: {  	[spmem:s1] =	stream.indirect.scatter.add.f32 [tilespmem:s16], [sflag:$0x1], $0x1, s23, s15, $0xb8;
	[tilespmem:$0x5800] =	vst v63  }
0x69: {  	s23 =	sadd.s32 $0x100, s24  }
0x6a: {  	[spmem:s1] =	stream.indirect.scatter.add.f32 [tilespmem:s16], [sflag:$0x1], $0x1, s23, s15, $0xb8;
	[tilespmem:$0x5800] =	vst v63  }
0x6b: {  	s23 =	sadd.s32 $0x180, s24  }
0x6c: {  	[spmem:s1] =	stream.indirect.scatter.add.f32 [tilespmem:s16], [sflag:$0x1], $0x1, s23, s15, $0xb8;
	[tilespmem:$0x5800] =	vst v63  }
0x6d: {  	_ =	swait.ge [sflag:s17], $0x80  }
0x6e: {  	[sflag:s17] =	ssyncset.done $0x0  }
0x6f: {  	[sflag:s17] =	ssyncadd.s32 $0xFFFFFF80  }
0x70: {  	_ =	swait.ge [sflag:s17], $0x80  }
0x71: {  	[sflag:s17] =	ssyncset.done $0x0  }
0x72: {  	[sflag:s17] =	ssyncadd.s32 $0xFFFFFF80  }
.Ltmp0:
0x73: {  	_ =	swait.ge [sflag:s17], $0x80;
	(pc) =	sbr.rel @p0 .LBB2_2-.Ltmp0, $4  }
0x74: {  	[sflag:s17] =	ssyncset.done $0x0  }
0x75: {  	[sflag:s17] =	ssyncadd.s32 $0xFFFFFF80  }
0x76: {  	_ =	swait.ge [sflag:s17], $0x80  }
0x77: {  	s23 =	smov.u32 s25;
	[sflag:s17] =	ssyncset.done $0x0  }
0x78: {  	s22 =	sshra.s32 s22, $0x2;
	[sflag:s17] =	ssyncadd.s32 $0xFFFFFF80  }
0x79: {  	[spmem:s1] =	stream.indirect.scatter.add.f32 [tilespmem:s16], [sflag:$0x1], $0x1, s22, s15, $0xb8;
	[tilespmem:$0x5800] =	vst v63  }
0x7a: {  	s23 =	sadd.s32 $0x80, s22  }
0x7b: {  	[spmem:s1] =	stream.indirect.scatter.add.f32 [tilespmem:s16], [sflag:$0x1], $0x1, s23, s15, $0xb8;
	[tilespmem:$0x5800] =	vst v63  }
0x7c: {  	s26 =	sadd.s32 $0x100, s22  }
0x7d: {  	[spmem:s1] =	stream.indirect.scatter.add.f32 [tilespmem:s16], [sflag:$0x1], $0x1, s26, s15, $0xb8;
	[tilespmem:$0x5800] =	vst v63  }
0x7e: {  	s22 =	sadd.s32 $0x180, s22  }
0x7f: {  	[spmem:s1] =	stream.indirect.scatter.add.f32 [tilespmem:s16], [sflag:$0x1], $0x1, s22, s15, $0xb8;
	[tilespmem:$0x5800] =	vst v63  }
0x80: {  	_ =	swait.ge [sflag:s17], $0x80  }
0x81: {  	[sflag:s17] =	ssyncset.done $0x0  }
0x82: {  	[sflag:s17] =	ssyncadd.s32 $0xFFFFFF80  }
0x83: {  	_ =	swait.ge [sflag:s17], $0x80  }
0x84: {  	[sflag:s17] =	ssyncset.done $0x0  }
0x85: {  	[sflag:s17] =	ssyncadd.s32 $0xFFFFFF80  }
0x86: {  	_ =	swait.ge [sflag:s17], $0x80  }
0x87: {  	[sflag:s17] =	ssyncset.done $0x0  }
0x88: {  	[sflag:s17] =	ssyncadd.s32 $0xFFFFFF80  }
0x89: {  	_ =	swait.ge [sflag:s17], $0x80  }
0x8a: {  	[sflag:s17] =	ssyncset.done $0x0  }
0x8b: {  	s28 =	simm.s32 $0x2800;
	[sflag:s17] =	ssyncadd.s32 $0xFFFFFF80  }
0x8c: {  	[spmem:s2] =	stream.indirect.scatter.add.f32 [tilespmem:s16], [sflag:$0x1], $0x1, s28, s15, $0xb8;
	[tilespmem:$0x5800] =	vst v63  }
0x8d: {  	s29 =	simm.s32 $0x2880  }
0x8e: {  	[spmem:s2] =	stream.indirect.scatter.add.f32 [tilespmem:s16], [sflag:$0x1], $0x1, s29, s15, $0xb8;
	[tilespmem:$0x5800] =	vst v63  }
0x8f: {  	s30 =	simm.s32 $0x2900  }
0x90: {  	[spmem:s2] =	stream.indirect.scatter.add.f32 [tilespmem:s16], [sflag:$0x1], $0x1, s30, s15, $0xb8;
	[tilespmem:$0x5800] =	vst v63  }
0x91: {  	s31 =	simm.s32 $0x2980  }
0x92: {  	[spmem:s2] =	stream.indirect.scatter.add.f32 [tilespmem:s16], [sflag:$0x1], $0x1, s31, s15, $0xb8;
	[tilespmem:$0x5800] =	vst v63  }
0x93: {  	_ =	swait.ge [sflag:s17], $0x80  }
0x94: {  	[sflag:s17] =	ssyncset.done $0x0  }
0x95: {  	[sflag:s17] =	ssyncadd.s32 $0xFFFFFF80  }
0x96: {  	_ =	swait.ge [sflag:s17], $0x80  }
0x97: {  	[sflag:s17] =	ssyncset.done $0x0  }
0x98: {  	[sflag:s17] =	ssyncadd.s32 $0xFFFFFF80  }
0x99: {  	_ =	swait.ge [sflag:s17], $0x80  }
0x9a: {  	[sflag:s17] =	ssyncset.done $0x0  }
0x9b: {  	[sflag:s17] =	ssyncadd.s32 $0xFFFFFF80  }
0x9c: {  	_ =	swait.ge [sflag:s17], $0x80  }
0x9d: {  	s23 =	simm.s32 $0x1000;
	s22 =	simm.s32 $0x200;
	[sflag:s17] =	ssyncset.done $0x0  }
.LBB2_4:
0x9e: {  	s24 =	sadd.s32 $0x2800, s22  }
0x9f: {  	[sflag:s17] =	ssyncadd.s32 $0xFFFFFF80;
	s25 =	smov.u32 s23;
	s26 =	sadd.s32 $0x800, s23  }
0xa0: {  	[spmem:s2] =	stream.indirect.scatter.add.f32 [tilespmem:s16], [sflag:$0x1], $0x1, s24, s15, $0xb8;
	[tilespmem:$0x5800] =	vst v63  }
0xa1: {  	p0 =	sne.s32 s23, $0x9800;
	s23 =	sadd.s32 $0x2880, s22  }
0xa2: {  	[spmem:s2] =	stream.indirect.scatter.add.f32 [tilespmem:s16], [sflag:$0x1], $0x1, s23, s15, $0xb8;
	[tilespmem:$0x5800] =	vst v63  }
0xa3: {  	s23 =	sadd.s32 $0x2900, s22  }
0xa4: {  	[spmem:s2] =	stream.indirect.scatter.add.f32 [tilespmem:s16], [sflag:$0x1], $0x1, s23, s15, $0xb8;
	[tilespmem:$0x5800] =	vst v63  }
0xa5: {  	s22 =	sadd.s32 $0x2980, s22  }
0xa6: {  	[spmem:s2] =	stream.indirect.scatter.add.f32 [tilespmem:s16], [sflag:$0x1], $0x1, s22, s15, $0xb8;
	[tilespmem:$0x5800] =	vst v63  }
0xa7: {  	_ =	swait.ge [sflag:s17], $0x80  }
0xa8: {  	[sflag:s17] =	ssyncset.done $0x0  }
0xa9: {  	[sflag:s17] =	ssyncadd.s32 $0xFFFFFF80  }
0xaa: {  	_ =	swait.ge [sflag:s17], $0x80  }
0xab: {  	[sflag:s17] =	ssyncset.done $0x0  }
0xac: {  	[sflag:s17] =	ssyncadd.s32 $0xFFFFFF80  }
.Ltmp1:
0xad: {  	_ =	swait.ge [sflag:s17], $0x80;
	(pc) =	sbr.rel @p0 .LBB2_4-.Ltmp1, $4  }
0xae: {  	[sflag:s17] =	ssyncset.done $0x0  }
0xaf: {  	[sflag:s17] =	ssyncadd.s32 $0xFFFFFF80  }
0xb0: {  	_ =	swait.ge [sflag:s17], $0x80  }
0xb1: {  	s23 =	smov.u32 s26;
	s22 =	sshra.s32 s25, $0x2;
	[sflag:s17] =	ssyncset.done $0x0  }
0xb2: {  	s23 =	sadd.s32 $0x2800, s22;
	[sflag:s17] =	ssyncadd.s32 $0xFFFFFF80  }
0xb3: {  	[spmem:s2] =	stream.indirect.scatter.add.f32 [tilespmem:s16], [sflag:$0x1], $0x1, s23, s15, $0xb8;
	[tilespmem:$0x5800] =	vst v63  }
0xb4: {  	s26 =	sadd.s32 $0x2880, s22  }
0xb5: {  	[spmem:s2] =	stream.indirect.scatter.add.f32 [tilespmem:s16], [sflag:$0x1], $0x1, s26, s15, $0xb8;
	[tilespmem:$0x5800] =	vst v63  }
0xb6: {  	s28 =	sadd.s32 $0x2900, s22  }
0xb7: {  	[spmem:s2] =	stream.indirect.scatter.add.f32 [tilespmem:s16], [sflag:$0x1], $0x1, s28, s15, $0xb8;
	[tilespmem:$0x5800] =	vst v63  }
0xb8: {  	s29 =	sadd.s32 $0x2980, s22  }
0xb9: {  	[spmem:s2] =	stream.indirect.scatter.add.f32 [tilespmem:s16], [sflag:$0x1], $0x1, s29, s15, $0xb8;
	[tilespmem:$0x5800] =	vst v63  }
0xba: {  	_ =	swait.ge [sflag:s17], $0x80  }
0xbb: {  	[sflag:s17] =	ssyncset.done $0x0  }
0xbc: {  	[sflag:s17] =	ssyncadd.s32 $0xFFFFFF80  }
0xbd: {  	_ =	swait.ge [sflag:s17], $0x80  }
0xbe: {  	[sflag:s17] =	ssyncset.done $0x0  }
0xbf: {  	[sflag:s17] =	ssyncadd.s32 $0xFFFFFF80  }
0xc0: {  	_ =	swait.ge [sflag:s17], $0x80  }
0xc1: {  	[sflag:s17] =	ssyncset.done $0x0  }
0xc2: {  	[sflag:s17] =	ssyncadd.s32 $0xFFFFFF80  }
0xc3: {  	_ =	swait.ge [sflag:s17], $0x80  }
0xc4: {  	[sflag:s17] =	ssyncset.done $0x0  }
0xc5: {  	[sflag:s17] =	ssyncadd.s32 $0xFFFFFF80  }
0xc6: {  	s30 =	sshrl.u32 s7, $0x3;
	[bflag:$0x0] =	sbarrier.arrive $0xFFFF  }
0xc7: {  	[hbm:s9@s19], [sflag:s18] =	dma.strided [spmem:s30@s20], $0x50, s17, $0x10   }
0xc8: {  	s21 =	sadd.s32 $0x1, s21;
	_ =	swait.ge [sflag:s12], $0x50  }
0xc9: {  	p0 =	sne.s32 s21, s11;
	[sflag:s12] =	ssyncset.done $0x0  }
.Ltmp2:
0xca: {  	s31 =	sshrl.u32 s8, $0x3;
	[sflag:s12] =	ssyncadd.s32 $0xFFFFFFB0;
	(pc) =	sbr.rel @p0 .LBB2_1-.Ltmp2, $4  }
0xcb: {  	[hbm:s10@s19], [sflag:s18] =	dma.strided [spmem:s31@s20], $0x50, s17, $0x10   }
0xcc: {  	_ =	swait.ge [sflag:s12], $0x50  }
0xcd: {  	[sflag:s12] =	ssyncset.done $0x0  }
0xce: {  	[sflag:s12] =	ssyncadd.s32 $0xFFFFFFB0  }
0xcf: {  	_ =	sfence.sel $0x180000  }
0xd0: {  	[bflag:$0x0] =	sbarrier.arrive $0xFFFF  }
0xd1: {  	p0 =	sne.s32 s3, $0x0;
	_ =	strace $0x90000047  }
0xd2: {  	s0 =	sadd.s32 @!p0 $0x100000, s0;
	[bflag:$0x2] =	sbarrier.arrive $0xFFFF  }
0xd3: {  	[sflag:s0] =	ssyncadd.tile.s32 @!p0 $0x1;
	_ =	shalt  }
.Lfunc_end2:
_tile_overlayer_lowered:
.L_overlay_start_2:
0xd4: {  	(tag) =	ssettag $0x2  }
0xd5: {  	s0 =	rddreg [dreg:$0x0];
	s2 =	stileid.u32  }
0xd6: {  	s1 =	rddreg [dreg:$0x1];
	p0 =	sne.s32 s2, $0x0  }
0xd7: {  	s3 =	rddreg [dreg:$0x2];
	[bflag:$0x3] =	sbarrier.arrive $0xFFFF;
	s2 =	simm.s32 @!p0 $0x1C02  }
0xd8: {  	[timem:s3], [sflag:s2] =	dma.local @!p0 [hbm:s0], s1  }
0xd9: {  	s0 =	simm.s32 @!p0 $0x2  }
0xda: {  	_ =	swait.ge @!p0 [sflag:s0], s1  }
0xdb: {  	s1 =	ssub.s32 @!p0 $0x0, s1;
	[sflag:s0] =	ssyncset.done @!p0 $0x0  }
0xdc: {  	[sflag:s0] =	ssyncadd.s32 @!p0 s1  }
0xdd: {  	[bflag:$0x3] =	sbarrier.arrive $0xFFFF  }
0xde: {  	_ =	shalt  }

</sc_bundles>
